<compile_context>
chip_gen: v7x
topology: tpu7x:2x2x1
jax: 0.10.2.dev20260603
libtpu: 0.0.44.dev20260713+nightly
codegen_flags: <defaults>
</compile_context>

<pallas_src>
import functools

import jax
import jax.numpy as jnp
from jax import lax
from jax.experimental import pallas as pl
from jax.experimental.pallas import tpu as pltpu
from jax.experimental.pallas import tpu_sc as plsc

_B, _C, _N, _K = 8, 64, 16384, 64
_D_VAR, _D_DIST = 0.5, 1.5
_PAR_VAR, _PAR_DIST, _PAR_REG = 1.0, 1.0, 0.001

_W = 80
_SPLITS = (5, 3)
_NW = 32
_CH = 128
_NB = 3


def _prep_body(pred_ref, out_ref):
    x = pred_ref[0]
    m = jnp.sum(x, axis=0) * (1.0 / _C)
    d = x - m[None, :]
    nrm = jnp.sqrt(jnp.sum(d * d, axis=0))
    v = jnp.maximum(nrm - _D_VAR, 0.0)
    v = v * v
    out_ref[0, :, 0:_C] = x.T
    col = lax.broadcasted_iota(jnp.int32, (_N, 16), 1)
    extra = jnp.where(col == 0, v[:, None],
                      jnp.where(col == 1, 1.0, 0.0))
    out_ref[0, :, _C:_W] = extra


def _prep_part(prediction, b0, nb):
    return pl.pallas_call(
        _prep_body,
        grid=(nb, 1),
        in_specs=[pl.BlockSpec((1, _C, _N),
                               lambda b, i, b0=b0: (b + b0, 0, i))],
        out_specs=pl.BlockSpec((1, _N, _W), lambda b, i: (b, i, 0)),
        out_shape=jax.ShapeDtypeStruct((nb, _N, _W), jnp.float32),
    )(prediction)


def _make_segsum_body(nb):
    ppw = nb * _N // _NW
    nch = ppw // _CH
    ar = nb * _K
    nz = ar // 32

    def _segsum_body(pred_ext, lab2, out, buf0, buf1, buf2, idx_all, acc,
                     gs0, gs1, gs2, as0, as1, as2):
        bufs = [buf0, buf1, buf2]
        gsem, asem = [gs0, gs1, gs2], [as0, as1, as2]
        cid = lax.axis_index("c")
        sid = lax.axis_index("s")
        wid = sid * 2 + cid

        zvec = jnp.zeros((16,), jnp.float32)

        def zero_row(r, carry):
            for j in range(_W // 16):
                buf0[r, pl.ds(j * 16, 16)] = zvec
            return carry

        lax.fori_loop(0, 32, zero_row, 0)

        @pl.when(sid < nz)
        def _zero_acc():
            pltpu.sync_copy(buf0.at[pl.ds(0, 32)],
                            acc.at[pl.ds(sid * 32, 32)])

        plsc.subcore_barrier()

        pltpu.sync_copy(lab2.at[wid], idx_all)

        base = wid * ppw

        def gdesc(i):
            return pltpu.make_async_copy(
                pred_ext.at[pl.ds(base + i * _CH, _CH)], bufs[i % _NB],
                gsem[i % _NB])

        def adesc(i):
            return pltpu.make_async_copy(
                bufs[i % _NB], acc.at[idx_all.at[i]], asem[i % _NB])

        for i in range(_NB - 1):
            gdesc(i).start()
        for i in range(nch):
            if i + _NB - 1 < nch:
                if i - 1 >= 0:
                    adesc(i - 1).wait()
                gdesc(i + _NB - 1).start()
            gdesc(i).wait()
            adesc(i).start(add=True)
        for i in range(nch - _NB, nch):
            adesc(i).wait()
        plsc.subcore_barrier()

        @pl.when(sid < nz)
        def _write_out():
            pltpu.sync_copy(acc.at[pl.ds(sid * 32, 32)],
                            out.at[cid, pl.ds(sid * 32, 32)])

    return _segsum_body


@functools.cache
def _segsum(nb):
    ppw = nb * _N // _NW
    nch = ppw // _CH
    ar = nb * _K
    return pl.kernel(
        _make_segsum_body(nb),
        out_type=jax.ShapeDtypeStruct((2, ar, _W), jnp.float32),
        mesh=plsc.VectorSubcoreMesh(core_axis_name="c", subcore_axis_name="s"),
        scratch_types=[
            pltpu.VMEM((_CH, _W), jnp.float32),
            pltpu.VMEM((_CH, _W), jnp.float32),
            pltpu.VMEM((_CH, _W), jnp.float32),
            pltpu.VMEM((nch, _CH), jnp.int32),
            pltpu.VMEM_SHARED((ar, _W), jnp.float32),
            pltpu.SemaphoreType.DMA, pltpu.SemaphoreType.DMA,
            pltpu.SemaphoreType.DMA, pltpu.SemaphoreType.DMA,
            pltpu.SemaphoreType.DMA, pltpu.SemaphoreType.DMA,
        ],
    )


def _finish_body(*refs):
    p_refs, out_ref = refs[:-1], refs[-1]
    total = jnp.float32(0.0)
    for p_ref in p_refs:
        a = p_ref[0] + p_ref[1]
        nb = a.shape[0] // _K
        for b in range(nb):
            blk = a[b * _K:(b + 1) * _K, :]
            sums = blk[:, 0:_C]
            segv = blk[:, _C:_C + 1]
            counts = blk[:, _C + 1:_C + 2]
            center = sums / counts
            sq = jnp.sum(center * center, axis=0)
            l_reg = jnp.sum(jnp.sqrt(sq)) / _K
            var_b = jnp.sum(segv / counts) / _K
            g = lax.dot_general(center, center, (((0,), (0,)), ((), ())),
                                preferred_element_type=jnp.float32,
                                precision=lax.Precision.HIGHEST)
            dist = -2.0 * g + sq[:, None] + sq[None, :]
            dm = jnp.sqrt(jnp.maximum(dist, 0.0))
            hinge = jnp.maximum(2.0 * _D_DIST - dm, 0.0)
            dist_b = jnp.sum(hinge * hinge) / (2.0 * _K * (_K - 1.0 + 1e-16))
            total = total + (_PAR_VAR * var_b + _PAR_DIST * dist_b
                             + _PAR_REG * l_reg)
    out_ref[...] = jnp.reshape(total, (1, 1))


def _finish(parts):
    return pl.pallas_call(
        _finish_body,
        out_shape=jax.ShapeDtypeStruct((1, 1), jnp.float32),
    )(*parts)


def kernel(prediction, label):
    lab = label.astype(jnp.int32)
    parts = []
    b0 = 0
    for nb in _SPLITS:
        offs = (jnp.arange(nb, dtype=jnp.int32) * _K)[:, None]
        nch = nb * _N // _NW // _CH
        labs = (lab[b0:b0 + nb] + offs).reshape(_NW, nch, _CH)
        pes = _prep_part(prediction, b0, nb)
        parts.append(_segsum(nb)(pes.reshape(nb * _N, _W), labs))
        b0 += nb
    return _finish(parts)[0, 0]

# --- scband reference (transcript-rebuilt; emitter-appended) ---
"""Pipeline reference for scband-discriminative-loss-70952859730216 (READ-ONLY COPY).

The authoritative reference and input builder live on the scoring server;
editing this copy changes nothing except your own understanding.
"""

import jax, jax.numpy as jnp
import numpy as np

B, C, N, K = 8, 64, 16384, 64
D_VAR, D_DIST = 0.5, 1.5
PAR_VAR, PAR_DIST, PAR_REG = 1.0, 1.0, 0.001


def setup_inputs(seed: int = 0) -> dict:
    key = jax.random.key(seed)
    k1, k2 = jax.random.split(key)
    prediction = jax.random.normal(k1, (B, C, N), dtype=jnp.float32)
    label = jax.random.randint(k2, (B, N), 0, K)
    return {"prediction": prediction, "label": label}


def _loss(prediction, label):
    total = jnp.float32(0.0)
    for b in range(B):
        pred_b = prediction[b]          # [C, N]
        lab_b = label[b]                # [N]
        # segment reductions: per-instance counts and sums
        counts = jax.ops.segment_sum(jnp.ones((N,), dtype=pred_b.dtype), lab_b, num_segments=K)  # [K]
        sums = jax.ops.segment_sum(pred_b.T, lab_b, num_segments=K)  # [K, C]
        center = sums / counts[:, None]  # [K, C]  (== torch.stack of per-label means, squeezed)
        # --- regression term: sum(norm(center, dim=0)) / K ---
        l_reg = jnp.sum(jnp.linalg.norm(center, axis=0)) / K
        # --- var loss (faithful to torch: center = mean over dim=0 i.e. channel mean per point) ---
        chan_mean = jnp.mean(pred_b, axis=0)                          # [N]
        v = jax.nn.relu(jnp.linalg.norm(pred_b - chan_mean[None, :], axis=0) - D_VAR) ** 2  # [N]
        seg_v = jax.ops.segment_sum(v, lab_b, num_segments=K)        # [K]
        var_b = jnp.sum(seg_v / counts) / K
        # --- dist loss (square_distance_single treats center [K,C] as [feat=K, pts=C]) ---
        dist = -2.0 * (center.T @ center)                            # [C, C]
        sq = jnp.sum(center ** 2, axis=0)                            # [C]
        dist = dist + sq[:, None] + sq[None, :]
        square_matrix = jax.nn.relu(dist)
        dist_matrix = jnp.sqrt(square_matrix)
        dist_b = jnp.sum(jax.nn.relu(2.0 * D_DIST - dist_matrix) ** 2) / (2.0 * K * (K - 1.0 + 1e-16))
        total = total + PAR_VAR * var_b + PAR_DIST * dist_b + PAR_REG * l_reg
    return total


def reference(prediction, label):
    return _loss(prediction, label)

if __name__ == "__main__":
    import jax
    _d = setup_inputs()
    print(jax.jit(kernel)(*tuple(_d.values())))

</pallas_src>

<mosaic_0001>
#map = affine_map<(d0, d1) -> (0, 0)>
#map1 = affine_map<(d0, d1) -> (0, 0, 0)>
module attributes {stable_mosaic.version = 14 : i64} {
  func.func @_segsum_body(%arg0: i32, %arg1: i32, %arg2: memref<81920x80xf32, #tpu.memory_space<hbm>>, %arg3: memref<32x20x128xi32, #tpu.memory_space<hbm>>, %arg4: memref<2x320x80xf32, #tpu.memory_space<hbm>>, %arg5: memref<128x80xf32, #tpu.memory_space<vmem>>, %arg6: memref<128x80xf32, #tpu.memory_space<vmem>>, %arg7: memref<128x80xf32, #tpu.memory_space<vmem>>, %arg8: memref<20x128xi32, #tpu.memory_space<vmem>>, %arg9: memref<320x80xf32, #tpu.memory_space<vmem_shared>>, %arg10: memref<!tpu.dma_semaphore, #tpu.memory_space<semaphore_mem>>, %arg11: memref<!tpu.dma_semaphore, #tpu.memory_space<semaphore_mem>>, %arg12: memref<!tpu.dma_semaphore, #tpu.memory_space<semaphore_mem>>, %arg13: memref<!tpu.dma_semaphore, #tpu.memory_space<semaphore_mem>>, %arg14: memref<!tpu.dma_semaphore, #tpu.memory_space<semaphore_mem>>, %arg15: memref<!tpu.dma_semaphore, #tpu.memory_space<semaphore_mem>>) attributes {dimension_semantics = [#tpu.dimension_semantics<core_parallel>, #tpu.dimension_semantics<subcore_parallel>], iteration_bounds = array<i64: 2, 16>, scalar_prefetch = 0 : i64, scratch_operands = 11 : i64, tpu.core_type = #tpu.core_type<sc_vector_subcore>, window_params = [{transform_indices = #map}, {transform_indices = #map1}, {transform_indices = #map1}]} {
    %mul3A = arith.constant 2 : i32
    %mul3A_0 = arith.muli %arg1, %mul3A : i32
    %add3A = arith.addi %mul3A_0, %arg0 : i32
    %broadcast_in_dim3A = arith.constant 0.000000e+00 : f32
    %broadcast_in_dim3A_1 = vector.broadcast %broadcast_in_dim3A : f32 to vector<16xf32>
    %scan3A = arith.constant 0 : i32
    %scan3A_2 = arith.constant 0 : i32
    %scan3A_3 = arith.constant 32 : i32
    %scan3A_4 = arith.addi %scan3A_2, %scan3A_3 : i32
    %scan3A_5 = arith.constant 1 : i32
    scf.for %scan3A_535 = %scan3A_2 to %scan3A_4 step %scan3A_5  : i32 {
      %swap3A = arith.index_cast %scan3A_535 : i32 to index
      %swap3A_536 = arith.constant 0 : index
      %swap3A_537 = tpu.vector_load %arg5[%swap3A, %swap3A_536] {strides = array<i32>} : memref<128x80xf32, #tpu.memory_space<vmem>>, vector<1x16xf32>,
      %swap3A_538 = vector.shape_cast %swap3A_537 : vector<1x16xf32> to vector<16xf32>
      %swap3A_539 = vector.shape_cast %broadcast_in_dim3A_1 : vector<16xf32> to vector<1x16xf32>
      tpu.vector_store %arg5[%swap3A, %swap3A_536], %swap3A_539 {strides = array<i32>} : memref<128x80xf32, #tpu.memory_space<vmem>>, vector<1x16xf32>,
      %swap3A_540 = arith.index_cast %scan3A_535 : i32 to index
      %swap3A_541 = arith.constant 16 : index
      %swap3A_542 = tpu.vector_load %arg5[%swap3A_540, %swap3A_541] {strides = array<i32>} : memref<128x80xf32, #tpu.memory_space<vmem>>, vector<1x16xf32>,
      %swap3A_543 = vector.shape_cast %swap3A_542 : vector<1x16xf32> to vector<16xf32>
      %swap3A_544 = vector.shape_cast %broadcast_in_dim3A_1 : vector<16xf32> to vector<1x16xf32>
      tpu.vector_store %arg5[%swap3A_540, %swap3A_541], %swap3A_544 {strides = array<i32>} : memref<128x80xf32, #tpu.memory_space<vmem>>, vector<1x16xf32>,
      %swap3A_545 = arith.index_cast %scan3A_535 : i32 to index
      %swap3A_546 = arith.constant 32 : index
      %swap3A_547 = tpu.vector_load %arg5[%swap3A_545, %swap3A_546] {strides = array<i32>} : memref<128x80xf32, #tpu.memory_space<vmem>>, vector<1x16xf32>,
      %swap3A_548 = vector.shape_cast %swap3A_547 : vector<1x16xf32> to vector<16xf32>
      %swap3A_549 = vector.shape_cast %broadcast_in_dim3A_1 : vector<16xf32> to vector<1x16xf32>
      tpu.vector_store %arg5[%swap3A_545, %swap3A_546], %swap3A_549 {strides = array<i32>} : memref<128x80xf32, #tpu.memory_space<vmem>>, vector<1x16xf32>,
      %swap3A_550 = arith.index_cast %scan3A_535 : i32 to index
      %swap3A_551 = arith.constant 48 : index
      %swap3A_552 = tpu.vector_load %arg5[%swap3A_550, %swap3A_551] {strides = array<i32>} : memref<128x80xf32, #tpu.memory_space<vmem>>, vector<1x16xf32>,
      %swap3A_553 = vector.shape_cast %swap3A_552 : vector<1x16xf32> to vector<16xf32>
      %swap3A_554 = vector.shape_cast %broadcast_in_dim3A_1 : vector<16xf32> to vector<1x16xf32>
      tpu.vector_store %arg5[%swap3A_550, %swap3A_551], %swap3A_554 {strides = array<i32>} : memref<128x80xf32, #tpu.memory_space<vmem>>, vector<1x16xf32>,
      %swap3A_555 = arith.index_cast %scan3A_535 : i32 to index
      %swap3A_556 = arith.constant 64 : index
      %swap3A_557 = tpu.vector_load %arg5[%swap3A_555, %swap3A_556] {strides = array<i32>} : memref<128x80xf32, #tpu.memory_space<vmem>>, vector<1x16xf32>,
      %swap3A_558 = vector.shape_cast %swap3A_557 : vector<1x16xf32> to vector<16xf32>
      %swap3A_559 = vector.shape_cast %broadcast_in_dim3A_1 : vector<16xf32> to vector<1x16xf32>
      tpu.vector_store %arg5[%swap3A_555, %swap3A_556], %swap3A_559 {strides = array<i32>} : memref<128x80xf32, #tpu.memory_space<vmem>>, vector<1x16xf32>,
    }
    %scan3A_6 = arith.constant 32 : i32
    %lt3A = arith.constant 10 : i32
    %lt3A_7 = arith.cmpi slt, %arg1, %lt3A : i32
    %convert_element_type3A = arith.extui %lt3A_7 : i1 to i32
    %cond3A = arith.constant 0 : i32
    %cond3A_8 = arith.cmpi ne, %convert_element_type3A, %cond3A : i32
    scf.if %cond3A_8 {
      %mul3A_535 = arith.constant 32 : i32
      %mul3A_536 = arith.muli %arg1, %mul3A_535 : i32
      "tpu.region"() ({
        %run_scoped3A = tpu.sem_alloc : memref<!tpu.dma_semaphore, #tpu.memory_space<semaphore_mem>>
        %dma_start3A_537 = arith.constant 0 : i32
        %dma_start3A_538 = arith.constant 0 : i32
        %dma_start3A_539 = tpu.memref_slice %arg5[%dma_start3A_537, %dma_start3A_538] : memref<128x80xf32, #tpu.memory_space<vmem>> -> memref<32x80xf32, #tpu.memory_space<vmem>>
        %dma_start3A_540 = arith.constant 0 : i32
        %dma_start3A_541 = tpu.memref_slice %arg9[%mul3A_536, %dma_start3A_540] : memref<320x80xf32, #tpu.memory_space<vmem_shared>> -> memref<32x80xf32, #tpu.memory_space<vmem_shared>>
        %dma_start3A_542 = arith.constant 0 : i32
        %dma_start3A_543 = tpu.memref_slice %arg9[%mul3A_536, %dma_start3A_542] : memref<320x80xf32, #tpu.memory_space<vmem_shared>> -> memref<32x80xf32, #tpu.memory_space<vmem_shared>>
        %dma_start3A_544 = arith.constant 0 : i32
        %dma_start3A_545 = arith.constant 0 : i32
        %dma_start3A_546 = tpu.memref_slice %arg5[%dma_start3A_544, %dma_start3A_545] : memref<128x80xf32, #tpu.memory_space<vmem>> -> memref<32x80xf32, #tpu.memory_space<vmem>>
        tpu.enqueue_dma source(%dma_start3A_546 : memref<32x80xf32, #tpu.memory_space<vmem>>) target(%dma_start3A_543 : memref<32x80xf32, #tpu.memory_space<vmem_shared>>) target_semaphore(%run_scoped3A : memref<!tpu.dma_semaphore, #tpu.memory_space<semaphore_mem>>)
        %dma_wait3A_547 = arith.constant 0 : i32
        %dma_wait3A_548 = arith.constant 0 : i32
        %dma_wait3A_549 = tpu.memref_slice %arg5[%dma_wait3A_547, %dma_wait3A_548] : memref<128x80xf32, #tpu.memory_space<vmem>> -> memref<32x80xf32, #tpu.memory_space<vmem>>
        %dma_wait3A_550 = arith.constant 0 : i32
        %dma_wait3A_551 = tpu.memref_slice %arg9[%mul3A_536, %dma_wait3A_550] : memref<320x80xf32, #tpu.memory_space<vmem_shared>> -> memref<32x80xf32, #tpu.memory_space<vmem_shared>>
        %dma_wait3A_552 = arith.constant 0 : i32
        %dma_wait3A_553 = tpu.memref_slice %arg9[%mul3A_536, %dma_wait3A_552] : memref<320x80xf32, #tpu.memory_space<vmem_shared>> -> memref<32x80xf32, #tpu.memory_space<vmem_shared>>
        %dma_wait3A_554 = arith.constant 0 : i32
        %dma_wait3A_555 = arith.constant 0 : i32
        %dma_wait3A_556 = tpu.memref_slice %arg5[%dma_wait3A_554, %dma_wait3A_555] : memref<128x80xf32, #tpu.memory_space<vmem>> -> memref<32x80xf32, #tpu.memory_space<vmem>>
        tpu.wait_dma2 semaphore(%run_scoped3A : memref<!tpu.dma_semaphore, #tpu.memory_space<semaphore_mem>>) src(%dma_wait3A_556 : memref<32x80xf32, #tpu.memory_space<vmem>>) dst(%dma_wait3A_553 : memref<32x80xf32, #tpu.memory_space<vmem_shared>>)
        tpu.yield
      }) : () -> ()
    } else {
    }
    %barrier3A = arith.constant 0 : index
    tpu.barrier barrier_id(%barrier3A)
    "tpu.region"() ({
      %run_scoped3A = tpu.sem_alloc : memref<!tpu.dma_semaphore, #tpu.memory_space<semaphore_mem>>
      %dma_start3A_535 = arith.constant 0 : i32
      %dma_start3A_536 = arith.constant 0 : i32
      %dma_start3A_537 = tpu.memref_slice %arg3[%add3A, %dma_start3A_535, %dma_start3A_536] : memref<32x20x128xi32, #tpu.memory_space<hbm>> -> memref<1x20x128xi32, #tpu.memory_space<hbm>>
      %dma_start3A_538 = tpu.memref_squeeze %dma_start3A_537 : memref<1x20x128xi32, #tpu.memory_space<hbm>> -> memref<20x128xi32, #tpu.memory_space<hbm>>
      %dma_start3A_539 = arith.constant 0 : i32
      %dma_start3A_540 = arith.constant 0 : i32
      %dma_start3A_541 = tpu.memref_slice %arg3[%add3A, %dma_start3A_539, %dma_start3A_540] : memref<32x20x128xi32, #tpu.memory_space<hbm>> -> memref<1x20x128xi32, #tpu.memory_space<hbm>>
      %dma_start3A_542 = tpu.memref_squeeze %dma_start3A_541 : memref<1x20x128xi32, #tpu.memory_space<hbm>> -> memref<20x128xi32, #tpu.memory_space<hbm>>
      tpu.enqueue_dma source(%dma_start3A_542 : memref<20x128xi32, #tpu.memory_space<hbm>>) target(%arg8 : memref<20x128xi32, #tpu.memory_space<vmem>>) target_semaphore(%run_scoped3A : memref<!tpu.dma_semaphore, #tpu.memory_space<semaphore_mem>>)
      %dma_wait3A_543 = arith.constant 0 : i32
      %dma_wait3A_544 = arith.constant 0 : i32
      %dma_wait3A_545 = tpu.memref_slice %arg3[%add3A, %dma_wait3A_543, %dma_wait3A_544] : memref<32x20x128xi32, #tpu.memory_space<hbm>> -> memref<1x20x128xi32, #tpu.memory_space<hbm>>
      %dma_wait3A_546 = tpu.memref_squeeze %dma_wait3A_545 : memref<1x20x128xi32, #tpu.memory_space<hbm>> -> memref<20x128xi32, #tpu.memory_space<hbm>>
      %dma_wait3A_547 = arith.constant 0 : i32
      %dma_wait3A_548 = arith.constant 0 : i32
      %dma_wait3A_549 = tpu.memref_slice %arg3[%add3A, %dma_wait3A_547, %dma_wait3A_548] : memref<32x20x128xi32, #tpu.memory_space<hbm>> -> memref<1x20x128xi32, #tpu.memory_space<hbm>>
      %dma_wait3A_550 = tpu.memref_squeeze %dma_wait3A_549 : memref<1x20x128xi32, #tpu.memory_space<hbm>> -> memref<20x128xi32, #tpu.memory_space<hbm>>
      tpu.wait_dma2 semaphore(%run_scoped3A : memref<!tpu.dma_semaphore, #tpu.memory_space<semaphore_mem>>) src(%dma_wait3A_550 : memref<20x128xi32, #tpu.memory_space<hbm>>) dst(%arg8 : memref<20x128xi32, #tpu.memory_space<vmem>>)
      tpu.yield
    }) : () -> ()
    %mul3A_9 = arith.constant 2560 : i32
    %mul3A_10 = arith.muli %add3A, %mul3A_9 : i32
    %add3A_11 = arith.constant 0 : i32
    %add3A_12 = arith.addi %mul3A_10, %add3A_11 : i32
    %dma_start3A = arith.constant 0 : i32
    %dma_start3A_13 = tpu.memref_slice %arg2[%add3A_12, %dma_start3A] : memref<81920x80xf32, #tpu.memory_space<hbm>> -> memref<128x80xf32, #tpu.memory_space<hbm>>
    %dma_start3A_14 = arith.constant 0 : i32
    %dma_start3A_15 = tpu.memref_slice %arg2[%add3A_12, %dma_start3A_14] : memref<81920x80xf32, #tpu.memory_space<hbm>> -> memref<128x80xf32, #tpu.memory_space<hbm>>
    tpu.enqueue_dma source(%dma_start3A_15 : memref<128x80xf32, #tpu.memory_space<hbm>>) target(%arg5 : memref<128x80xf32, #tpu.memory_space<vmem>>) target_semaphore(%arg10 : memref<!tpu.dma_semaphore, #tpu.memory_space<semaphore_mem>>)
    %add3A_16 = arith.constant 128 : i32
    %add3A_17 = arith.addi %mul3A_10, %add3A_16 : i32
    %dma_start3A_18 = arith.constant 0 : i32
    %dma_start3A_19 = tpu.memref_slice %arg2[%add3A_17, %dma_start3A_18] : memref<81920x80xf32, #tpu.memory_space<hbm>> -> memref<128x80xf32, #tpu.memory_space<hbm>>
    %dma_start3A_20 = arith.constant 0 : i32
    %dma_start3A_21 = tpu.memref_slice %arg2[%add3A_17, %dma_start3A_20] : memref<81920x80xf32, #tpu.memory_space<hbm>> -> memref<128x80xf32, #tpu.memory_space<hbm>>
    tpu.enqueue_dma source(%dma_start3A_21 : memref<128x80xf32, #tpu.memory_space<hbm>>) target(%arg6 : memref<128x80xf32, #tpu.memory_space<vmem>>) target_semaphore(%arg11 : memref<!tpu.dma_semaphore, #tpu.memory_space<semaphore_mem>>)
    %add3A_22 = arith.constant 256 : i32
    %add3A_23 = arith.addi %mul3A_10, %add3A_22 : i32
    %dma_start3A_24 = arith.constant 0 : i32
    %dma_start3A_25 = tpu.memref_slice %arg2[%add3A_23, %dma_start3A_24] : memref<81920x80xf32, #tpu.memory_space<hbm>> -> memref<128x80xf32, #tpu.memory_space<hbm>>
    %dma_start3A_26 = arith.constant 0 : i32
    %dma_start3A_27 = tpu.memref_slice %arg2[%add3A_23, %dma_start3A_26] : memref<81920x80xf32, #tpu.memory_space<hbm>> -> memref<128x80xf32, #tpu.memory_space<hbm>>
    tpu.enqueue_dma source(%dma_start3A_27 : memref<128x80xf32, #tpu.memory_space<hbm>>) target(%arg7 : memref<128x80xf32, #tpu.memory_space<vmem>>) target_semaphore(%arg12 : memref<!tpu.dma_semaphore, #tpu.memory_space<semaphore_mem>>)
    %add3A_28 = arith.constant 0 : i32
    %add3A_29 = arith.addi %mul3A_10, %add3A_28 : i32
    %dma_wait3A = arith.constant 0 : i32
    %dma_wait3A_30 = tpu.memref_slice %arg2[%add3A_29, %dma_wait3A] : memref<81920x80xf32, #tpu.memory_space<hbm>> -> memref<128x80xf32, #tpu.memory_space<hbm>>
    %dma_wait3A_31 = arith.constant 0 : i32
    %dma_wait3A_32 = tpu.memref_slice %arg2[%add3A_29, %dma_wait3A_31] : memref<81920x80xf32, #tpu.memory_space<hbm>> -> memref<128x80xf32, #tpu.memory_space<hbm>>
    tpu.wait_dma2 semaphore(%arg10 : memref<!tpu.dma_semaphore, #tpu.memory_space<semaphore_mem>>) src(%dma_wait3A_32 : memref<128x80xf32, #tpu.memory_space<hbm>>) dst(%arg5 : memref<128x80xf32, #tpu.memory_space<vmem>>)
    %dma_start3A_33 = arith.constant 0 : i32
    %dma_start3A_34 = arith.constant 0 : i32
    %dma_start3A_35 = tpu.memref_slice %arg8[%dma_start3A_33, %dma_start3A_34] : memref<20x128xi32, #tpu.memory_space<vmem>> -> memref<1x128xi32, #tpu.memory_space<vmem>>
    %dma_start3A_36 = tpu.memref_squeeze %dma_start3A_35 : memref<1x128xi32, #tpu.memory_space<vmem>> -> memref<128xi32, #tpu.memory_space<vmem>>
    %dma_start3A_37 = arith.constant 0 : i32
    %dma_start3A_38 = arith.constant 0 : i32
    %dma_start3A_39 = tpu.memref_slice %arg9[%dma_start3A_37, %dma_start3A_38] : memref<320x80xf32, #tpu.memory_space<vmem_shared>> -> memref<320x80xf32, #tpu.memory_space<vmem_shared>>
    tpu.enqueue_indirect_dma source(%arg5 : memref<128x80xf32, #tpu.memory_space<vmem>>) target(%dma_start3A_39 : memref<320x80xf32, #tpu.memory_space<vmem_shared>>) offsets(%dma_start3A_36 : memref<128xi32, #tpu.memory_space<vmem>>) semaphore(%arg13 : memref<!tpu.dma_semaphore, #tpu.memory_space<semaphore_mem>>) {add = true}
    %dma_wait3A_40 = arith.constant 0 : i32
    %dma_wait3A_41 = arith.constant 0 : i32
    %dma_wait3A_42 = tpu.memref_slice %arg8[%dma_wait3A_40, %dma_wait3A_41] : memref<20x128xi32, #tpu.memory_space<vmem>> -> memref<1x128xi32, #tpu.memory_space<vmem>>
    %dma_wait3A_43 = tpu.memref_squeeze %dma_wait3A_42 : memref<1x128xi32, #tpu.memory_space<vmem>> -> memref<128xi32, #tpu.memory_space<vmem>>
    %dma_wait3A_44 = arith.constant 0 : i32
    %dma_wait3A_45 = arith.constant 0 : i32
    %dma_wait3A_46 = tpu.memref_slice %arg9[%dma_wait3A_44, %dma_wait3A_45] : memref<320x80xf32, #tpu.memory_space<vmem_shared>> -> memref<320x80xf32, #tpu.memory_space<vmem_shared>>
    tpu.wait_indirect_dma semaphore(%arg13 : memref<!tpu.dma_semaphore, #tpu.memory_space<semaphore_mem>>) src(%arg5 : memref<128x80xf32, #tpu.memory_space<vmem>>) dst(%dma_wait3A_46 : memref<320x80xf32, #tpu.memory_space<vmem_shared>>)
    %add3A_47 = arith.constant 384 : i32
    %add3A_48 = arith.addi %mul3A_10, %add3A_47 : i32
    %dma_start3A_49 = arith.constant 0 : i32
    %dma_start3A_50 = tpu.memref_slice %arg2[%add3A_48, %dma_start3A_49] : memref<81920x80xf32, #tpu.memory_space<hbm>> -> memref<128x80xf32, #tpu.memory_space<hbm>>
    %dma_start3A_51 = arith.constant 0 : i32
    %dma_start3A_52 = tpu.memref_slice %arg2[%add3A_48, %dma_start3A_51] : memref<81920x80xf32, #tpu.memory_space<hbm>> -> memref<128x80xf32, #tpu.memory_space<hbm>>
    tpu.enqueue_dma source(%dma_start3A_52 : memref<128x80xf32, #tpu.memory_space<hbm>>) target(%arg5 : memref<128x80xf32, #tpu.memory_space<vmem>>) target_semaphore(%arg10 : memref<!tpu.dma_semaphore, #tpu.memory_space<semaphore_mem>>)
    %add3A_53 = arith.constant 128 : i32
    %add3A_54 = arith.addi %mul3A_10, %add3A_53 : i32
    %dma_wait3A_55 = arith.constant 0 : i32
    %dma_wait3A_56 = tpu.memref_slice %arg2[%add3A_54, %dma_wait3A_55] : memref<81920x80xf32, #tpu.memory_space<hbm>> -> memref<128x80xf32, #tpu.memory_space<hbm>>
    %dma_wait3A_57 = arith.constant 0 : i32
    %dma_wait3A_58 = tpu.memref_slice %arg2[%add3A_54, %dma_wait3A_57] : memref<81920x80xf32, #tpu.memory_space<hbm>> -> memref<128x80xf32, #tpu.memory_space<hbm>>
    tpu.wait_dma2 semaphore(%arg11 : memref<!tpu.dma_semaphore, #tpu.memory_space<semaphore_mem>>) src(%dma_wait3A_58 : memref<128x80xf32, #tpu.memory_space<hbm>>) dst(%arg6 : memref<128x80xf32, #tpu.memory_space<vmem>>)
    %dma_start3A_59 = arith.constant 1 : i32
    %dma_start3A_60 = arith.constant 0 : i32
    %dma_start3A_61 = tpu.memref_slice %arg8[%dma_start3A_59, %dma_start3A_60] : memref<20x128xi32, #tpu.memory_space<vmem>> -> memref<1x128xi32, #tpu.memory_space<vmem>>
    %dma_start3A_62 = tpu.memref_squeeze %dma_start3A_61 : memref<1x128xi32, #tpu.memory_space<vmem>> -> memref<128xi32, #tpu.memory_space<vmem>>
    %dma_start3A_63 = arith.constant 0 : i32
    %dma_start3A_64 = arith.constant 0 : i32
    %dma_start3A_65 = tpu.memref_slice %arg9[%dma_start3A_63, %dma_start3A_64] : memref<320x80xf32, #tpu.memory_space<vmem_shared>> -> memref<320x80xf32, #tpu.memory_space<vmem_shared>>
    tpu.enqueue_indirect_dma source(%arg6 : memref<128x80xf32, #tpu.memory_space<vmem>>) target(%dma_start3A_65 : memref<320x80xf32, #tpu.memory_space<vmem_shared>>) offsets(%dma_start3A_62 : memref<128xi32, #tpu.memory_space<vmem>>) semaphore(%arg14 : memref<!tpu.dma_semaphore, #tpu.memory_space<semaphore_mem>>) {add = true}
    %dma_wait3A_66 = arith.constant 1 : i32
    %dma_wait3A_67 = arith.constant 0 : i32
    %dma_wait3A_68 = tpu.memref_slice %arg8[%dma_wait3A_66, %dma_wait3A_67] : memref<20x128xi32, #tpu.memory_space<vmem>> -> memref<1x128xi32, #tpu.memory_space<vmem>>
    %dma_wait3A_69 = tpu.memref_squeeze %dma_wait3A_68 : memref<1x128xi32, #tpu.memory_space<vmem>> -> memref<128xi32, #tpu.memory_space<vmem>>
    %dma_wait3A_70 = arith.constant 0 : i32
    %dma_wait3A_71 = arith.constant 0 : i32
    %dma_wait3A_72 = tpu.memref_slice %arg9[%dma_wait3A_70, %dma_wait3A_71] : memref<320x80xf32, #tpu.memory_space<vmem_shared>> -> memref<320x80xf32, #tpu.memory_space<vmem_shared>>
    tpu.wait_indirect_dma semaphore(%arg14 : memref<!tpu.dma_semaphore, #tpu.memory_space<semaphore_mem>>) src(%arg6 : memref<128x80xf32, #tpu.memory_space<vmem>>) dst(%dma_wait3A_72 : memref<320x80xf32, #tpu.memory_space<vmem_shared>>)
    %add3A_73 = arith.constant 512 : i32
    %add3A_74 = arith.addi %mul3A_10, %add3A_73 : i32
    %dma_start3A_75 = arith.constant 0 : i32
    %dma_start3A_76 = tpu.memref_slice %arg2[%add3A_74, %dma_start3A_75] : memref<81920x80xf32, #tpu.memory_space<hbm>> -> memref<128x80xf32, #tpu.memory_space<hbm>>
    %dma_start3A_77 = arith.constant 0 : i32
    %dma_start3A_78 = tpu.memref_slice %arg2[%add3A_74, %dma_start3A_77] : memref<81920x80xf32, #tpu.memory_space<hbm>> -> memref<128x80xf32, #tpu.memory_space<hbm>>
    tpu.enqueue_dma source(%dma_start3A_78 : memref<128x80xf32, #tpu.memory_space<hbm>>) target(%arg6 : memref<128x80xf32, #tpu.memory_space<vmem>>) target_semaphore(%arg11 : memref<!tpu.dma_semaphore, #tpu.memory_space<semaphore_mem>>)
    %add3A_79 = arith.constant 256 : i32
    %add3A_80 = arith.addi %mul3A_10, %add3A_79 : i32
    %dma_wait3A_81 = arith.constant 0 : i32
    %dma_wait3A_82 = tpu.memref_slice %arg2[%add3A_80, %dma_wait3A_81] : memref<81920x80xf32, #tpu.memory_space<hbm>> -> memref<128x80xf32, #tpu.memory_space<hbm>>
    %dma_wait3A_83 = arith.constant 0 : i32
    %dma_wait3A_84 = tpu.memref_slice %arg2[%add3A_80, %dma_wait3A_83] : memref<81920x80xf32, #tpu.memory_space<hbm>> -> memref<128x80xf32, #tpu.memory_space<hbm>>
    tpu.wait_dma2 semaphore(%arg12 : memref<!tpu.dma_semaphore, #tpu.memory_space<semaphore_mem>>) src(%dma_wait3A_84 : memref<128x80xf32, #tpu.memory_space<hbm>>) dst(%arg7 : memref<128x80xf32, #tpu.memory_space<vmem>>)
    %dma_start3A_85 = arith.constant 2 : i32
    %dma_start3A_86 = arith.constant 0 : i32
    %dma_start3A_87 = tpu.memref_slice %arg8[%dma_start3A_85, %dma_start3A_86] : memref<20x128xi32, #tpu.memory_space<vmem>> -> memref<1x128xi32, #tpu.memory_space<vmem>>
    %dma_start3A_88 = tpu.memref_squeeze %dma_start3A_87 : memref<1x128xi32, #tpu.memory_space<vmem>> -> memref<128xi32, #tpu.memory_space<vmem>>
    %dma_start3A_89 = arith.constant 0 : i32
    %dma_start3A_90 = arith.constant 0 : i32
    %dma_start3A_91 = tpu.memref_slice %arg9[%dma_start3A_89, %dma_start3A_90] : memref<320x80xf32, #tpu.memory_space<vmem_shared>> -> memref<320x80xf32, #tpu.memory_space<vmem_shared>>
    tpu.enqueue_indirect_dma source(%arg7 : memref<128x80xf32, #tpu.memory_space<vmem>>) target(%dma_start3A_91 : memref<320x80xf32, #tpu.memory_space<vmem_shared>>) offsets(%dma_start3A_88 : memref<128xi32, #tpu.memory_space<vmem>>) semaphore(%arg15 : memref<!tpu.dma_semaphore, #tpu.memory_space<semaphore_mem>>) {add = true}
    %dma_wait3A_92 = arith.constant 2 : i32
    %dma_wait3A_93 = arith.constant 0 : i32
    %dma_wait3A_94 = tpu.memref_slice %arg8[%dma_wait3A_92, %dma_wait3A_93] : memref<20x128xi32, #tpu.memory_space<vmem>> -> memref<1x128xi32, #tpu.memory_space<vmem>>
    %dma_wait3A_95 = tpu.memref_squeeze %dma_wait3A_94 : memref<1x128xi32, #tpu.memory_space<vmem>> -> memref<128xi32, #tpu.memory_space<vmem>>
    %dma_wait3A_96 = arith.constant 0 : i32
    %dma_wait3A_97 = arith.constant 0 : i32
    %dma_wait3A_98 = tpu.memref_slice %arg9[%dma_wait3A_96, %dma_wait3A_97] : memref<320x80xf32, #tpu.memory_space<vmem_shared>> -> memref<320x80xf32, #tpu.memory_space<vmem_shared>>
    tpu.wait_indirect_dma semaphore(%arg15 : memref<!tpu.dma_semaphore, #tpu.memory_space<semaphore_mem>>) src(%arg7 : memref<128x80xf32, #tpu.memory_space<vmem>>) dst(%dma_wait3A_98 : memref<320x80xf32, #tpu.memory_space<vmem_shared>>)
    %add3A_99 = arith.constant 640 : i32
    %add3A_100 = arith.addi %mul3A_10, %add3A_99 : i32
    %dma_start3A_101 = arith.constant 0 : i32
    %dma_start3A_102 = tpu.memref_slice %arg2[%add3A_100, %dma_start3A_101] : memref<81920x80xf32, #tpu.memory_space<hbm>> -> memref<128x80xf32, #tpu.memory_space<hbm>>
    %dma_start3A_103 = arith.constant 0 : i32
    %dma_start3A_104 = tpu.memref_slice %arg2[%add3A_100, %dma_start3A_103] : memref<81920x80xf32, #tpu.memory_space<hbm>> -> memref<128x80xf32, #tpu.memory_space<hbm>>
    tpu.enqueue_dma source(%dma_start3A_104 : memref<128x80xf32, #tpu.memory_space<hbm>>) target(%arg7 : memref<128x80xf32, #tpu.memory_space<vmem>>) target_semaphore(%arg12 : memref<!tpu.dma_semaphore, #tpu.memory_space<semaphore_mem>>)
    %add3A_105 = arith.constant 384 : i32
    %add3A_106 = arith.addi %mul3A_10, %add3A_105 : i32
    %dma_wait3A_107 = arith.constant 0 : i32
    %dma_wait3A_108 = tpu.memref_slice %arg2[%add3A_106, %dma_wait3A_107] : memref<81920x80xf32, #tpu.memory_space<hbm>> -> memref<128x80xf32, #tpu.memory_space<hbm>>
    %dma_wait3A_109 = arith.constant 0 : i32
    %dma_wait3A_110 = tpu.memref_slice %arg2[%add3A_106, %dma_wait3A_109] : memref<81920x80xf32, #tpu.memory_space<hbm>> -> memref<128x80xf32, #tpu.memory_space<hbm>>
    tpu.wait_dma2 semaphore(%arg10 : memref<!tpu.dma_semaphore, #tpu.memory_space<semaphore_mem>>) src(%dma_wait3A_110 : memref<128x80xf32, #tpu.memory_space<hbm>>) dst(%arg5 : memref<128x80xf32, #tpu.memory_space<vmem>>)
    %dma_start3A_111 = arith.constant 3 : i32
    %dma_start3A_112 = arith.constant 0 : i32
    %dma_start3A_113 = tpu.memref_slice %arg8[%dma_start3A_111, %dma_start3A_112] : memref<20x128xi32, #tpu.memory_space<vmem>> -> memref<1x128xi32, #tpu.memory_space<vmem>>
    %dma_start3A_114 = tpu.memref_squeeze %dma_start3A_113 : memref<1x128xi32, #tpu.memory_space<vmem>> -> memref<128xi32, #tpu.memory_space<vmem>>
    %dma_start3A_115 = arith.constant 0 : i32
    %dma_start3A_116 = arith.constant 0 : i32
    %dma_start3A_117 = tpu.memref_slice %arg9[%dma_start3A_115, %dma_start3A_116] : memref<320x80xf32, #tpu.memory_space<vmem_shared>> -> memref<320x80xf32, #tpu.memory_space<vmem_shared>>
    tpu.enqueue_indirect_dma source(%arg5 : memref<128x80xf32, #tpu.memory_space<vmem>>) target(%dma_start3A_117 : memref<320x80xf32, #tpu.memory_space<vmem_shared>>) offsets(%dma_start3A_114 : memref<128xi32, #tpu.memory_space<vmem>>) semaphore(%arg13 : memref<!tpu.dma_semaphore, #tpu.memory_space<semaphore_mem>>) {add = true}
    %dma_wait3A_118 = arith.constant 3 : i32
    %dma_wait3A_119 = arith.constant 0 : i32
    %dma_wait3A_120 = tpu.memref_slice %arg8[%dma_wait3A_118, %dma_wait3A_119] : memref<20x128xi32, #tpu.memory_space<vmem>> -> memref<1x128xi32, #tpu.memory_space<vmem>>
    %dma_wait3A_121 = tpu.memref_squeeze %dma_wait3A_120 : memref<1x128xi32, #tpu.memory_space<vmem>> -> memref<128xi32, #tpu.memory_space<vmem>>
    %dma_wait3A_122 = arith.constant 0 : i32
    %dma_wait3A_123 = arith.constant 0 : i32
    %dma_wait3A_124 = tpu.memref_slice %arg9[%dma_wait3A_122, %dma_wait3A_123] : memref<320x80xf32, #tpu.memory_space<vmem_shared>> -> memref<320x80xf32, #tpu.memory_space<vmem_shared>>
    tpu.wait_indirect_dma semaphore(%arg13 : memref<!tpu.dma_semaphore, #tpu.memory_space<semaphore_mem>>) src(%arg5 : memref<128x80xf32, #tpu.memory_space<vmem>>) dst(%dma_wait3A_124 : memref<320x80xf32, #tpu.memory_space<vmem_shared>>)
    %add3A_125 = arith.constant 768 : i32
    %add3A_126 = arith.addi %mul3A_10, %add3A_125 : i32
    %dma_start3A_127 = arith.constant 0 : i32
    %dma_start3A_128 = tpu.memref_slice %arg2[%add3A_126, %dma_start3A_127] : memref<81920x80xf32, #tpu.memory_space<hbm>> -> memref<128x80xf32, #tpu.memory_space<hbm>>
    %dma_start3A_129 = arith.constant 0 : i32
    %dma_start3A_130 = tpu.memref_slice %arg2[%add3A_126, %dma_start3A_129] : memref<81920x80xf32, #tpu.memory_space<hbm>> -> memref<128x80xf32, #tpu.memory_space<hbm>>
    tpu.enqueue_dma source(%dma_start3A_130 : memref<128x80xf32, #tpu.memory_space<hbm>>) target(%arg5 : memref<128x80xf32, #tpu.memory_space<vmem>>) target_semaphore(%arg10 : memref<!tpu.dma_semaphore, #tpu.memory_space<semaphore_mem>>)
    %add3A_131 = arith.constant 512 : i32
    %add3A_132 = arith.addi %mul3A_10, %add3A_131 : i32
    %dma_wait3A_133 = arith.constant 0 : i32
    %dma_wait3A_134 = tpu.memref_slice %arg2[%add3A_132, %dma_wait3A_133] : memref<81920x80xf32, #tpu.memory_space<hbm>> -> memref<128x80xf32, #tpu.memory_space<hbm>>
    %dma_wait3A_135 = arith.constant 0 : i32
    %dma_wait3A_136 = tpu.memref_slice %arg2[%add3A_132, %dma_wait3A_135] : memref<81920x80xf32, #tpu.memory_space<hbm>> -> memref<128x80xf32, #tpu.memory_space<hbm>>
    tpu.wait_dma2 semaphore(%arg11 : memref<!tpu.dma_semaphore, #tpu.memory_space<semaphore_mem>>) src(%dma_wait3A_136 : memref<128x80xf32, #tpu.memory_space<hbm>>) dst(%arg6 : memref<128x80xf32, #tpu.memory_space<vmem>>)
    %dma_start3A_137 = arith.constant 4 : i32
    %dma_start3A_138 = arith.constant 0 : i32
    %dma_start3A_139 = tpu.memref_slice %arg8[%dma_start3A_137, %dma_start3A_138] : memref<20x128xi32, #tpu.memory_space<vmem>> -> memref<1x128xi32, #tpu.memory_space<vmem>>
    %dma_start3A_140 = tpu.memref_squeeze %dma_start3A_139 : memref<1x128xi32, #tpu.memory_space<vmem>> -> memref<128xi32, #tpu.memory_space<vmem>>
    %dma_start3A_141 = arith.constant 0 : i32
    %dma_start3A_142 = arith.constant 0 : i32
    %dma_start3A_143 = tpu.memref_slice %arg9[%dma_start3A_141, %dma_start3A_142] : memref<320x80xf32, #tpu.memory_space<vmem_shared>> -> memref<320x80xf32, #tpu.memory_space<vmem_shared>>
    tpu.enqueue_indirect_dma source(%arg6 : memref<128x80xf32, #tpu.memory_space<vmem>>) target(%dma_start3A_143 : memref<320x80xf32, #tpu.memory_space<vmem_shared>>) offsets(%dma_start3A_140 : memref<128xi32, #tpu.memory_space<vmem>>) semaphore(%arg14 : memref<!tpu.dma_semaphore, #tpu.memory_space<semaphore_mem>>) {add = true}
    %dma_wait3A_144 = arith.constant 4 : i32
    %dma_wait3A_145 = arith.constant 0 : i32
    %dma_wait3A_146 = tpu.memref_slice %arg8[%dma_wait3A_144, %dma_wait3A_145] : memref<20x128xi32, #tpu.memory_space<vmem>> -> memref<1x128xi32, #tpu.memory_space<vmem>>
    %dma_wait3A_147 = tpu.memref_squeeze %dma_wait3A_146 : memref<1x128xi32, #tpu.memory_space<vmem>> -> memref<128xi32, #tpu.memory_space<vmem>>
    %dma_wait3A_148 = arith.constant 0 : i32
    %dma_wait3A_149 = arith.constant 0 : i32
    %dma_wait3A_150 = tpu.memref_slice %arg9[%dma_wait3A_148, %dma_wait3A_149] : memref<320x80xf32, #tpu.memory_space<vmem_shared>> -> memref<320x80xf32, #tpu.memory_space<vmem_shared>>
    tpu.wait_indirect_dma semaphore(%arg14 : memref<!tpu.dma_semaphore, #tpu.memory_space<semaphore_mem>>) src(%arg6 : memref<128x80xf32, #tpu.memory_space<vmem>>) dst(%dma_wait3A_150 : memref<320x80xf32, #tpu.memory_space<vmem_shared>>)
    %add3A_151 = arith.constant 896 : i32
    %add3A_152 = arith.addi %mul3A_10, %add3A_151 : i32
    %dma_start3A_153 = arith.constant 0 : i32
    %dma_start3A_154 = tpu.memref_slice %arg2[%add3A_152, %dma_start3A_153] : memref<81920x80xf32, #tpu.memory_space<hbm>> -> memref<128x80xf32, #tpu.memory_space<hbm>>
    %dma_start3A_155 = arith.constant 0 : i32
    %dma_start3A_156 = tpu.memref_slice %arg2[%add3A_152, %dma_start3A_155] : memref<81920x80xf32, #tpu.memory_space<hbm>> -> memref<128x80xf32, #tpu.memory_space<hbm>>
    tpu.enqueue_dma source(%dma_start3A_156 : memref<128x80xf32, #tpu.memory_space<hbm>>) target(%arg6 : memref<128x80xf32, #tpu.memory_space<vmem>>) target_semaphore(%arg11 : memref<!tpu.dma_semaphore, #tpu.memory_space<semaphore_mem>>)
    %add3A_157 = arith.constant 640 : i32
    %add3A_158 = arith.addi %mul3A_10, %add3A_157 : i32
    %dma_wait3A_159 = arith.constant 0 : i32
    %dma_wait3A_160 = tpu.memref_slice %arg2[%add3A_158, %dma_wait3A_159] : memref<81920x80xf32, #tpu.memory_space<hbm>> -> memref<128x80xf32, #tpu.memory_space<hbm>>
    %dma_wait3A_161 = arith.constant 0 : i32
    %dma_wait3A_162 = tpu.memref_slice %arg2[%add3A_158, %dma_wait3A_161] : memref<81920x80xf32, #tpu.memory_space<hbm>> -> memref<128x80xf32, #tpu.memory_space<hbm>>
    tpu.wait_dma2 semaphore(%arg12 : memref<!tpu.dma_semaphore, #tpu.memory_space<semaphore_mem>>) src(%dma_wait3A_162 : memref<128x80xf32, #tpu.memory_space<hbm>>) dst(%arg7 : memref<128x80xf32, #tpu.memory_space<vmem>>)
    %dma_start3A_163 = arith.constant 5 : i32
    %dma_start3A_164 = arith.constant 0 : i32
    %dma_start3A_165 = tpu.memref_slice %arg8[%dma_start3A_163, %dma_start3A_164] : memref<20x128xi32, #tpu.memory_space<vmem>> -> memref<1x128xi32, #tpu.memory_space<vmem>>
    %dma_start3A_166 = tpu.memref_squeeze %dma_start3A_165 : memref<1x128xi32, #tpu.memory_space<vmem>> -> memref<128xi32, #tpu.memory_space<vmem>>
    %dma_start3A_167 = arith.constant 0 : i32
    %dma_start3A_168 = arith.constant 0 : i32
    %dma_start3A_169 = tpu.memref_slice %arg9[%dma_start3A_167, %dma_start3A_168] : memref<320x80xf32, #tpu.memory_space<vmem_shared>> -> memref<320x80xf32, #tpu.memory_space<vmem_shared>>
    tpu.enqueue_indirect_dma source(%arg7 : memref<128x80xf32, #tpu.memory_space<vmem>>) target(%dma_start3A_169 : memref<320x80xf32, #tpu.memory_space<vmem_shared>>) offsets(%dma_start3A_166 : memref<128xi32, #tpu.memory_space<vmem>>) semaphore(%arg15 : memref<!tpu.dma_semaphore, #tpu.memory_space<semaphore_mem>>) {add = true}
    %dma_wait3A_170 = arith.constant 5 : i32
    %dma_wait3A_171 = arith.constant 0 : i32
    %dma_wait3A_172 = tpu.memref_slice %arg8[%dma_wait3A_170, %dma_wait3A_171] : memref<20x128xi32, #tpu.memory_space<vmem>> -> memref<1x128xi32, #tpu.memory_space<vmem>>
    %dma_wait3A_173 = tpu.memref_squeeze %dma_wait3A_172 : memref<1x128xi32, #tpu.memory_space<vmem>> -> memref<128xi32, #tpu.memory_space<vmem>>
    %dma_wait3A_174 = arith.constant 0 : i32
    %dma_wait3A_175 = arith.constant 0 : i32
    %dma_wait3A_176 = tpu.memref_slice %arg9[%dma_wait3A_174, %dma_wait3A_175] : memref<320x80xf32, #tpu.memory_space<vmem_shared>> -> memref<320x80xf32, #tpu.memory_space<vmem_shared>>
    tpu.wait_indirect_dma semaphore(%arg15 : memref<!tpu.dma_semaphore, #tpu.memory_space<semaphore_mem>>) src(%arg7 : memref<128x80xf32, #tpu.memory_space<vmem>>) dst(%dma_wait3A_176 : memref<320x80xf32, #tpu.memory_space<vmem_shared>>)
    %add3A_177 = arith.constant 1024 : i32
    %add3A_178 = arith.addi %mul3A_10, %add3A_177 : i32
    %dma_start3A_179 = arith.constant 0 : i32
    %dma_start3A_180 = tpu.memref_slice %arg2[%add3A_178, %dma_start3A_179] : memref<81920x80xf32, #tpu.memory_space<hbm>> -> memref<128x80xf32, #tpu.memory_space<hbm>>
    %dma_start3A_181 = arith.constant 0 : i32
    %dma_start3A_182 = tpu.memref_slice %arg2[%add3A_178, %dma_start3A_181] : memref<81920x80xf32, #tpu.memory_space<hbm>> -> memref<128x80xf32, #tpu.memory_space<hbm>>
    tpu.enqueue_dma source(%dma_start3A_182 : memref<128x80xf32, #tpu.memory_space<hbm>>) target(%arg7 : memref<128x80xf32, #tpu.memory_space<vmem>>) target_semaphore(%arg12 : memref<!tpu.dma_semaphore, #tpu.memory_space<semaphore_mem>>)
    %add3A_183 = arith.constant 768 : i32
    %add3A_184 = arith.addi %mul3A_10, %add3A_183 : i32
    %dma_wait3A_185 = arith.constant 0 : i32
    %dma_wait3A_186 = tpu.memref_slice %arg2[%add3A_184, %dma_wait3A_185] : memref<81920x80xf32, #tpu.memory_space<hbm>> -> memref<128x80xf32, #tpu.memory_space<hbm>>
    %dma_wait3A_187 = arith.constant 0 : i32
    %dma_wait3A_188 = tpu.memref_slice %arg2[%add3A_184, %dma_wait3A_187] : memref<81920x80xf32, #tpu.memory_space<hbm>> -> memref<128x80xf32, #tpu.memory_space<hbm>>
    tpu.wait_dma2 semaphore(%arg10 : memref<!tpu.dma_semaphore, #tpu.memory_space<semaphore_mem>>) src(%dma_wait3A_188 : memref<128x80xf32, #tpu.memory_space<hbm>>) dst(%arg5 : memref<128x80xf32, #tpu.memory_space<vmem>>)
    %dma_start3A_189 = arith.constant 6 : i32
    %dma_start3A_190 = arith.constant 0 : i32
    %dma_start3A_191 = tpu.memref_slice %arg8[%dma_start3A_189, %dma_start3A_190] : memref<20x128xi32, #tpu.memory_space<vmem>> -> memref<1x128xi32, #tpu.memory_space<vmem>>
    %dma_start3A_192 = tpu.memref_squeeze %dma_start3A_191 : memref<1x128xi32, #tpu.memory_space<vmem>> -> memref<128xi32, #tpu.memory_space<vmem>>
    %dma_start3A_193 = arith.constant 0 : i32
    %dma_start3A_194 = arith.constant 0 : i32
    %dma_start3A_195 = tpu.memref_slice %arg9[%dma_start3A_193, %dma_start3A_194] : memref<320x80xf32, #tpu.memory_space<vmem_shared>> -> memref<320x80xf32, #tpu.memory_space<vmem_shared>>
    tpu.enqueue_indirect_dma source(%arg5 : memref<128x80xf32, #tpu.memory_space<vmem>>) target(%dma_start3A_195 : memref<320x80xf32, #tpu.memory_space<vmem_shared>>) offsets(%dma_start3A_192 : memref<128xi32, #tpu.memory_space<vmem>>) semaphore(%arg13 : memref<!tpu.dma_semaphore, #tpu.memory_space<semaphore_mem>>) {add = true}
    %dma_wait3A_196 = arith.constant 6 : i32
    %dma_wait3A_197 = arith.constant 0 : i32
    %dma_wait3A_198 = tpu.memref_slice %arg8[%dma_wait3A_196, %dma_wait3A_197] : memref<20x128xi32, #tpu.memory_space<vmem>> -> memref<1x128xi32, #tpu.memory_space<vmem>>
    %dma_wait3A_199 = tpu.memref_squeeze %dma_wait3A_198 : memref<1x128xi32, #tpu.memory_space<vmem>> -> memref<128xi32, #tpu.memory_space<vmem>>
    %dma_wait3A_200 = arith.constant 0 : i32
    %dma_wait3A_201 = arith.constant 0 : i32
    %dma_wait3A_202 = tpu.memref_slice %arg9[%dma_wait3A_200, %dma_wait3A_201] : memref<320x80xf32, #tpu.memory_space<vmem_shared>> -> memref<320x80xf32, #tpu.memory_space<vmem_shared>>
    tpu.wait_indirect_dma semaphore(%arg13 : memref<!tpu.dma_semaphore, #tpu.memory_space<semaphore_mem>>) src(%arg5 : memref<128x80xf32, #tpu.memory_space<vmem>>) dst(%dma_wait3A_202 : memref<320x80xf32, #tpu.memory_space<vmem_shared>>)
    %add3A_203 = arith.constant 1152 : i32
    %add3A_204 = arith.addi %mul3A_10, %add3A_203 : i32
    %dma_start3A_205 = arith.constant 0 : i32
    %dma_start3A_206 = tpu.memref_slice %arg2[%add3A_204, %dma_start3A_205] : memref<81920x80xf32, #tpu.memory_space<hbm>> -> memref<128x80xf32, #tpu.memory_space<hbm>>
    %dma_start3A_207 = arith.constant 0 : i32
    %dma_start3A_208 = tpu.memref_slice %arg2[%add3A_204, %dma_start3A_207] : memref<81920x80xf32, #tpu.memory_space<hbm>> -> memref<128x80xf32, #tpu.memory_space<hbm>>
    tpu.enqueue_dma source(%dma_start3A_208 : memref<128x80xf32, #tpu.memory_space<hbm>>) target(%arg5 : memref<128x80xf32, #tpu.memory_space<vmem>>) target_semaphore(%arg10 : memref<!tpu.dma_semaphore, #tpu.memory_space<semaphore_mem>>)
    %add3A_209 = arith.constant 896 : i32
    %add3A_210 = arith.addi %mul3A_10, %add3A_209 : i32
    %dma_wait3A_211 = arith.constant 0 : i32
    %dma_wait3A_212 = tpu.memref_slice %arg2[%add3A_210, %dma_wait3A_211] : memref<81920x80xf32, #tpu.memory_space<hbm>> -> memref<128x80xf32, #tpu.memory_space<hbm>>
    %dma_wait3A_213 = arith.constant 0 : i32
    %dma_wait3A_214 = tpu.memref_slice %arg2[%add3A_210, %dma_wait3A_213] : memref<81920x80xf32, #tpu.memory_space<hbm>> -> memref<128x80xf32, #tpu.memory_space<hbm>>
    tpu.wait_dma2 semaphore(%arg11 : memref<!tpu.dma_semaphore, #tpu.memory_space<semaphore_mem>>) src(%dma_wait3A_214 : memref<128x80xf32, #tpu.memory_space<hbm>>) dst(%arg6 : memref<128x80xf32, #tpu.memory_space<vmem>>)
    %dma_start3A_215 = arith.constant 7 : i32
    %dma_start3A_216 = arith.constant 0 : i32
    %dma_start3A_217 = tpu.memref_slice %arg8[%dma_start3A_215, %dma_start3A_216] : memref<20x128xi32, #tpu.memory_space<vmem>> -> memref<1x128xi32, #tpu.memory_space<vmem>>
    %dma_start3A_218 = tpu.memref_squeeze %dma_start3A_217 : memref<1x128xi32, #tpu.memory_space<vmem>> -> memref<128xi32, #tpu.memory_space<vmem>>
    %dma_start3A_219 = arith.constant 0 : i32
    %dma_start3A_220 = arith.constant 0 : i32
    %dma_start3A_221 = tpu.memref_slice %arg9[%dma_start3A_219, %dma_start3A_220] : memref<320x80xf32, #tpu.memory_space<vmem_shared>> -> memref<320x80xf32, #tpu.memory_space<vmem_shared>>
    tpu.enqueue_indirect_dma source(%arg6 : memref<128x80xf32, #tpu.memory_space<vmem>>) target(%dma_start3A_221 : memref<320x80xf32, #tpu.memory_space<vmem_shared>>) offsets(%dma_start3A_218 : memref<128xi32, #tpu.memory_space<vmem>>) semaphore(%arg14 : memref<!tpu.dma_semaphore, #tpu.memory_space<semaphore_mem>>) {add = true}
    %dma_wait3A_222 = arith.constant 7 : i32
    %dma_wait3A_223 = arith.constant 0 : i32
    %dma_wait3A_224 = tpu.memref_slice %arg8[%dma_wait3A_222, %dma_wait3A_223] : memref<20x128xi32, #tpu.memory_space<vmem>> -> memref<1x128xi32, #tpu.memory_space<vmem>>
    %dma_wait3A_225 = tpu.memref_squeeze %dma_wait3A_224 : memref<1x128xi32, #tpu.memory_space<vmem>> -> memref<128xi32, #tpu.memory_space<vmem>>
    %dma_wait3A_226 = arith.constant 0 : i32
    %dma_wait3A_227 = arith.constant 0 : i32
    %dma_wait3A_228 = tpu.memref_slice %arg9[%dma_wait3A_226, %dma_wait3A_227] : memref<320x80xf32, #tpu.memory_space<vmem_shared>> -> memref<320x80xf32, #tpu.memory_space<vmem_shared>>
    tpu.wait_indirect_dma semaphore(%arg14 : memref<!tpu.dma_semaphore, #tpu.memory_space<semaphore_mem>>) src(%arg6 : memref<128x80xf32, #tpu.memory_space<vmem>>) dst(%dma_wait3A_228 : memref<320x80xf32, #tpu.memory_space<vmem_shared>>)
    %add3A_229 = arith.constant 1280 : i32
    %add3A_230 = arith.addi %mul3A_10, %add3A_229 : i32
    %dma_start3A_231 = arith.constant 0 : i32
    %dma_start3A_232 = tpu.memref_slice %arg2[%add3A_230, %dma_start3A_231] : memref<81920x80xf32, #tpu.memory_space<hbm>> -> memref<128x80xf32, #tpu.memory_space<hbm>>
    %dma_start3A_233 = arith.constant 0 : i32
    %dma_start3A_234 = tpu.memref_slice %arg2[%add3A_230, %dma_start3A_233] : memref<81920x80xf32, #tpu.memory_space<hbm>> -> memref<128x80xf32, #tpu.memory_space<hbm>>
    tpu.enqueue_dma source(%dma_start3A_234 : memref<128x80xf32, #tpu.memory_space<hbm>>) target(%arg6 : memref<128x80xf32, #tpu.memory_space<vmem>>) target_semaphore(%arg11 : memref<!tpu.dma_semaphore, #tpu.memory_space<semaphore_mem>>)
    %add3A_235 = arith.constant 1024 : i32
    %add3A_236 = arith.addi %mul3A_10, %add3A_235 : i32
    %dma_wait3A_237 = arith.constant 0 : i32
    %dma_wait3A_238 = tpu.memref_slice %arg2[%add3A_236, %dma_wait3A_237] : memref<81920x80xf32, #tpu.memory_space<hbm>> -> memref<128x80xf32, #tpu.memory_space<hbm>>
    %dma_wait3A_239 = arith.constant 0 : i32
    %dma_wait3A_240 = tpu.memref_slice %arg2[%add3A_236, %dma_wait3A_239] : memref<81920x80xf32, #tpu.memory_space<hbm>> -> memref<128x80xf32, #tpu.memory_space<hbm>>
    tpu.wait_dma2 semaphore(%arg12 : memref<!tpu.dma_semaphore, #tpu.memory_space<semaphore_mem>>) src(%dma_wait3A_240 : memref<128x80xf32, #tpu.memory_space<hbm>>) dst(%arg7 : memref<128x80xf32, #tpu.memory_space<vmem>>)
    %dma_start3A_241 = arith.constant 8 : i32
    %dma_start3A_242 = arith.constant 0 : i32
    %dma_start3A_243 = tpu.memref_slice %arg8[%dma_start3A_241, %dma_start3A_242] : memref<20x128xi32, #tpu.memory_space<vmem>> -> memref<1x128xi32, #tpu.memory_space<vmem>>
    %dma_start3A_244 = tpu.memref_squeeze %dma_start3A_243 : memref<1x128xi32, #tpu.memory_space<vmem>> -> memref<128xi32, #tpu.memory_space<vmem>>
    %dma_start3A_245 = arith.constant 0 : i32
    %dma_start3A_246 = arith.constant 0 : i32
    %dma_start3A_247 = tpu.memref_slice %arg9[%dma_start3A_245, %dma_start3A_246] : memref<320x80xf32, #tpu.memory_space<vmem_shared>> -> memref<320x80xf32, #tpu.memory_space<vmem_shared>>
    tpu.enqueue_indirect_dma source(%arg7 : memref<128x80xf32, #tpu.memory_space<vmem>>) target(%dma_start3A_247 : memref<320x80xf32, #tpu.memory_space<vmem_shared>>) offsets(%dma_start3A_244 : memref<128xi32, #tpu.memory_space<vmem>>) semaphore(%arg15 : memref<!tpu.dma_semaphore, #tpu.memory_space<semaphore_mem>>) {add = true}
    %dma_wait3A_248 = arith.constant 8 : i32
    %dma_wait3A_249 = arith.constant 0 : i32
    %dma_wait3A_250 = tpu.memref_slice %arg8[%dma_wait3A_248, %dma_wait3A_249] : memref<20x128xi32, #tpu.memory_space<vmem>> -> memref<1x128xi32, #tpu.memory_space<vmem>>
    %dma_wait3A_251 = tpu.memref_squeeze %dma_wait3A_250 : memref<1x128xi32, #tpu.memory_space<vmem>> -> memref<128xi32, #tpu.memory_space<vmem>>
    %dma_wait3A_252 = arith.constant 0 : i32
    %dma_wait3A_253 = arith.constant 0 : i32
    %dma_wait3A_254 = tpu.memref_slice %arg9[%dma_wait3A_252, %dma_wait3A_253] : memref<320x80xf32, #tpu.memory_space<vmem_shared>> -> memref<320x80xf32, #tpu.memory_space<vmem_shared>>
    tpu.wait_indirect_dma semaphore(%arg15 : memref<!tpu.dma_semaphore, #tpu.memory_space<semaphore_mem>>) src(%arg7 : memref<128x80xf32, #tpu.memory_space<vmem>>) dst(%dma_wait3A_254 : memref<320x80xf32, #tpu.memory_space<vmem_shared>>)
    %add3A_255 = arith.constant 1408 : i32
    %add3A_256 = arith.addi %mul3A_10, %add3A_255 : i32
    %dma_start3A_257 = arith.constant 0 : i32
    %dma_start3A_258 = tpu.memref_slice %arg2[%add3A_256, %dma_start3A_257] : memref<81920x80xf32, #tpu.memory_space<hbm>> -> memref<128x80xf32, #tpu.memory_space<hbm>>
    %dma_start3A_259 = arith.constant 0 : i32
    %dma_start3A_260 = tpu.memref_slice %arg2[%add3A_256, %dma_start3A_259] : memref<81920x80xf32, #tpu.memory_space<hbm>> -> memref<128x80xf32, #tpu.memory_space<hbm>>
    tpu.enqueue_dma source(%dma_start3A_260 : memref<128x80xf32, #tpu.memory_space<hbm>>) target(%arg7 : memref<128x80xf32, #tpu.memory_space<vmem>>) target_semaphore(%arg12 : memref<!tpu.dma_semaphore, #tpu.memory_space<semaphore_mem>>)
    %add3A_261 = arith.constant 1152 : i32
    %add3A_262 = arith.addi %mul3A_10, %add3A_261 : i32
    %dma_wait3A_263 = arith.constant 0 : i32
    %dma_wait3A_264 = tpu.memref_slice %arg2[%add3A_262, %dma_wait3A_263] : memref<81920x80xf32, #tpu.memory_space<hbm>> -> memref<128x80xf32, #tpu.memory_space<hbm>>
    %dma_wait3A_265 = arith.constant 0 : i32
    %dma_wait3A_266 = tpu.memref_slice %arg2[%add3A_262, %dma_wait3A_265] : memref<81920x80xf32, #tpu.memory_space<hbm>> -> memref<128x80xf32, #tpu.memory_space<hbm>>
    tpu.wait_dma2 semaphore(%arg10 : memref<!tpu.dma_semaphore, #tpu.memory_space<semaphore_mem>>) src(%dma_wait3A_266 : memref<128x80xf32, #tpu.memory_space<hbm>>) dst(%arg5 : memref<128x80xf32, #tpu.memory_space<vmem>>)
    %dma_start3A_267 = arith.constant 9 : i32
    %dma_start3A_268 = arith.constant 0 : i32
    %dma_start3A_269 = tpu.memref_slice %arg8[%dma_start3A_267, %dma_start3A_268] : memref<20x128xi32, #tpu.memory_space<vmem>> -> memref<1x128xi32, #tpu.memory_space<vmem>>
    %dma_start3A_270 = tpu.memref_squeeze %dma_start3A_269 : memref<1x128xi32, #tpu.memory_space<vmem>> -> memref<128xi32, #tpu.memory_space<vmem>>
    %dma_start3A_271 = arith.constant 0 : i32
    %dma_start3A_272 = arith.constant 0 : i32
    %dma_start3A_273 = tpu.memref_slice %arg9[%dma_start3A_271, %dma_start3A_272] : memref<320x80xf32, #tpu.memory_space<vmem_shared>> -> memref<320x80xf32, #tpu.memory_space<vmem_shared>>
    tpu.enqueue_indirect_dma source(%arg5 : memref<128x80xf32, #tpu.memory_space<vmem>>) target(%dma_start3A_273 : memref<320x80xf32, #tpu.memory_space<vmem_shared>>) offsets(%dma_start3A_270 : memref<128xi32, #tpu.memory_space<vmem>>) semaphore(%arg13 : memref<!tpu.dma_semaphore, #tpu.memory_space<semaphore_mem>>) {add = true}
    %dma_wait3A_274 = arith.constant 9 : i32
    %dma_wait3A_275 = arith.constant 0 : i32
    %dma_wait3A_276 = tpu.memref_slice %arg8[%dma_wait3A_274, %dma_wait3A_275] : memref<20x128xi32, #tpu.memory_space<vmem>> -> memref<1x128xi32, #tpu.memory_space<vmem>>
    %dma_wait3A_277 = tpu.memref_squeeze %dma_wait3A_276 : memref<1x128xi32, #tpu.memory_space<vmem>> -> memref<128xi32, #tpu.memory_space<vmem>>
    %dma_wait3A_278 = arith.constant 0 : i32
    %dma_wait3A_279 = arith.constant 0 : i32
    %dma_wait3A_280 = tpu.memref_slice %arg9[%dma_wait3A_278, %dma_wait3A_279] : memref<320x80xf32, #tpu.memory_space<vmem_shared>> -> memref<320x80xf32, #tpu.memory_space<vmem_shared>>
    tpu.wait_indirect_dma semaphore(%arg13 : memref<!tpu.dma_semaphore, #tpu.memory_space<semaphore_mem>>) src(%arg5 : memref<128x80xf32, #tpu.memory_space<vmem>>) dst(%dma_wait3A_280 : memref<320x80xf32, #tpu.memory_space<vmem_shared>>)
    %add3A_281 = arith.constant 1536 : i32
    %add3A_282 = arith.addi %mul3A_10, %add3A_281 : i32
    %dma_start3A_283 = arith.constant 0 : i32
    %dma_start3A_284 = tpu.memref_slice %arg2[%add3A_282, %dma_start3A_283] : memref<81920x80xf32, #tpu.memory_space<hbm>> -> memref<128x80xf32, #tpu.memory_space<hbm>>
    %dma_start3A_285 = arith.constant 0 : i32
    %dma_start3A_286 = tpu.memref_slice %arg2[%add3A_282, %dma_start3A_285] : memref<81920x80xf32, #tpu.memory_space<hbm>> -> memref<128x80xf32, #tpu.memory_space<hbm>>
    tpu.enqueue_dma source(%dma_start3A_286 : memref<128x80xf32, #tpu.memory_space<hbm>>) target(%arg5 : memref<128x80xf32, #tpu.memory_space<vmem>>) target_semaphore(%arg10 : memref<!tpu.dma_semaphore, #tpu.memory_space<semaphore_mem>>)
    %add3A_287 = arith.constant 1280 : i32
    %add3A_288 = arith.addi %mul3A_10, %add3A_287 : i32
    %dma_wait3A_289 = arith.constant 0 : i32
    %dma_wait3A_290 = tpu.memref_slice %arg2[%add3A_288, %dma_wait3A_289] : memref<81920x80xf32, #tpu.memory_space<hbm>> -> memref<128x80xf32, #tpu.memory_space<hbm>>
    %dma_wait3A_291 = arith.constant 0 : i32
    %dma_wait3A_292 = tpu.memref_slice %arg2[%add3A_288, %dma_wait3A_291] : memref<81920x80xf32, #tpu.memory_space<hbm>> -> memref<128x80xf32, #tpu.memory_space<hbm>>
    tpu.wait_dma2 semaphore(%arg11 : memref<!tpu.dma_semaphore, #tpu.memory_space<semaphore_mem>>) src(%dma_wait3A_292 : memref<128x80xf32, #tpu.memory_space<hbm>>) dst(%arg6 : memref<128x80xf32, #tpu.memory_space<vmem>>)
    %dma_start3A_293 = arith.constant 10 : i32
    %dma_start3A_294 = arith.constant 0 : i32
    %dma_start3A_295 = tpu.memref_slice %arg8[%dma_start3A_293, %dma_start3A_294] : memref<20x128xi32, #tpu.memory_space<vmem>> -> memref<1x128xi32, #tpu.memory_space<vmem>>
    %dma_start3A_296 = tpu.memref_squeeze %dma_start3A_295 : memref<1x128xi32, #tpu.memory_space<vmem>> -> memref<128xi32, #tpu.memory_space<vmem>>
    %dma_start3A_297 = arith.constant 0 : i32
    %dma_start3A_298 = arith.constant 0 : i32
    %dma_start3A_299 = tpu.memref_slice %arg9[%dma_start3A_297, %dma_start3A_298] : memref<320x80xf32, #tpu.memory_space<vmem_shared>> -> memref<320x80xf32, #tpu.memory_space<vmem_shared>>
    tpu.enqueue_indirect_dma source(%arg6 : memref<128x80xf32, #tpu.memory_space<vmem>>) target(%dma_start3A_299 : memref<320x80xf32, #tpu.memory_space<vmem_shared>>) offsets(%dma_start3A_296 : memref<128xi32, #tpu.memory_space<vmem>>) semaphore(%arg14 : memref<!tpu.dma_semaphore, #tpu.memory_space<semaphore_mem>>) {add = true}
    %dma_wait3A_300 = arith.constant 10 : i32
    %dma_wait3A_301 = arith.constant 0 : i32
    %dma_wait3A_302 = tpu.memref_slice %arg8[%dma_wait3A_300, %dma_wait3A_301] : memref<20x128xi32, #tpu.memory_space<vmem>> -> memref<1x128xi32, #tpu.memory_space<vmem>>
    %dma_wait3A_303 = tpu.memref_squeeze %dma_wait3A_302 : memref<1x128xi32, #tpu.memory_space<vmem>> -> memref<128xi32, #tpu.memory_space<vmem>>
    %dma_wait3A_304 = arith.constant 0 : i32
    %dma_wait3A_305 = arith.constant 0 : i32
    %dma_wait3A_306 = tpu.memref_slice %arg9[%dma_wait3A_304, %dma_wait3A_305] : memref<320x80xf32, #tpu.memory_space<vmem_shared>> -> memref<320x80xf32, #tpu.memory_space<vmem_shared>>
    tpu.wait_indirect_dma semaphore(%arg14 : memref<!tpu.dma_semaphore, #tpu.memory_space<semaphore_mem>>) src(%arg6 : memref<128x80xf32, #tpu.memory_space<vmem>>) dst(%dma_wait3A_306 : memref<320x80xf32, #tpu.memory_space<vmem_shared>>)
    %add3A_307 = arith.constant 1664 : i32
    %add3A_308 = arith.addi %mul3A_10, %add3A_307 : i32
    %dma_start3A_309 = arith.constant 0 : i32
    %dma_start3A_310 = tpu.memref_slice %arg2[%add3A_308, %dma_start3A_309] : memref<81920x80xf32, #tpu.memory_space<hbm>> -> memref<128x80xf32, #tpu.memory_space<hbm>>
    %dma_start3A_311 = arith.constant 0 : i32
    %dma_start3A_312 = tpu.memref_slice %arg2[%add3A_308, %dma_start3A_311] : memref<81920x80xf32, #tpu.memory_space<hbm>> -> memref<128x80xf32, #tpu.memory_space<hbm>>
    tpu.enqueue_dma source(%dma_start3A_312 : memref<128x80xf32, #tpu.memory_space<hbm>>) target(%arg6 : memref<128x80xf32, #tpu.memory_space<vmem>>) target_semaphore(%arg11 : memref<!tpu.dma_semaphore, #tpu.memory_space<semaphore_mem>>)
    %add3A_313 = arith.constant 1408 : i32
    %add3A_314 = arith.addi %mul3A_10, %add3A_313 : i32
    %dma_wait3A_315 = arith.constant 0 : i32
    %dma_wait3A_316 = tpu.memref_slice %arg2[%add3A_314, %dma_wait3A_315] : memref<81920x80xf32, #tpu.memory_space<hbm>> -> memref<128x80xf32, #tpu.memory_space<hbm>>
    %dma_wait3A_317 = arith.constant 0 : i32
    %dma_wait3A_318 = tpu.memref_slice %arg2[%add3A_314, %dma_wait3A_317] : memref<81920x80xf32, #tpu.memory_space<hbm>> -> memref<128x80xf32, #tpu.memory_space<hbm>>
    tpu.wait_dma2 semaphore(%arg12 : memref<!tpu.dma_semaphore, #tpu.memory_space<semaphore_mem>>) src(%dma_wait3A_318 : memref<128x80xf32, #tpu.memory_space<hbm>>) dst(%arg7 : memref<128x80xf32, #tpu.memory_space<vmem>>)
    %dma_start3A_319 = arith.constant 11 : i32
    %dma_start3A_320 = arith.constant 0 : i32
    %dma_start3A_321 = tpu.memref_slice %arg8[%dma_start3A_319, %dma_start3A_320] : memref<20x128xi32, #tpu.memory_space<vmem>> -> memref<1x128xi32, #tpu.memory_space<vmem>>
    %dma_start3A_322 = tpu.memref_squeeze %dma_start3A_321 : memref<1x128xi32, #tpu.memory_space<vmem>> -> memref<128xi32, #tpu.memory_space<vmem>>
    %dma_start3A_323 = arith.constant 0 : i32
    %dma_start3A_324 = arith.constant 0 : i32
    %dma_start3A_325 = tpu.memref_slice %arg9[%dma_start3A_323, %dma_start3A_324] : memref<320x80xf32, #tpu.memory_space<vmem_shared>> -> memref<320x80xf32, #tpu.memory_space<vmem_shared>>
    tpu.enqueue_indirect_dma source(%arg7 : memref<128x80xf32, #tpu.memory_space<vmem>>) target(%dma_start3A_325 : memref<320x80xf32, #tpu.memory_space<vmem_shared>>) offsets(%dma_start3A_322 : memref<128xi32, #tpu.memory_space<vmem>>) semaphore(%arg15 : memref<!tpu.dma_semaphore, #tpu.memory_space<semaphore_mem>>) {add = true}
    %dma_wait3A_326 = arith.constant 11 : i32
    %dma_wait3A_327 = arith.constant 0 : i32
    %dma_wait3A_328 = tpu.memref_slice %arg8[%dma_wait3A_326, %dma_wait3A_327] : memref<20x128xi32, #tpu.memory_space<vmem>> -> memref<1x128xi32, #tpu.memory_space<vmem>>
    %dma_wait3A_329 = tpu.memref_squeeze %dma_wait3A_328 : memref<1x128xi32, #tpu.memory_space<vmem>> -> memref<128xi32, #tpu.memory_space<vmem>>
    %dma_wait3A_330 = arith.constant 0 : i32
    %dma_wait3A_331 = arith.constant 0 : i32
    %dma_wait3A_332 = tpu.memref_slice %arg9[%dma_wait3A_330, %dma_wait3A_331] : memref<320x80xf32, #tpu.memory_space<vmem_shared>> -> memref<320x80xf32, #tpu.memory_space<vmem_shared>>
    tpu.wait_indirect_dma semaphore(%arg15 : memref<!tpu.dma_semaphore, #tpu.memory_space<semaphore_mem>>) src(%arg7 : memref<128x80xf32, #tpu.memory_space<vmem>>) dst(%dma_wait3A_332 : memref<320x80xf32, #tpu.memory_space<vmem_shared>>)
    %add3A_333 = arith.constant 1792 : i32
    %add3A_334 = arith.addi %mul3A_10, %add3A_333 : i32
    %dma_start3A_335 = arith.constant 0 : i32
    %dma_start3A_336 = tpu.memref_slice %arg2[%add3A_334, %dma_start3A_335] : memref<81920x80xf32, #tpu.memory_space<hbm>> -> memref<128x80xf32, #tpu.memory_space<hbm>>
    %dma_start3A_337 = arith.constant 0 : i32
    %dma_start3A_338 = tpu.memref_slice %arg2[%add3A_334, %dma_start3A_337] : memref<81920x80xf32, #tpu.memory_space<hbm>> -> memref<128x80xf32, #tpu.memory_space<hbm>>
    tpu.enqueue_dma source(%dma_start3A_338 : memref<128x80xf32, #tpu.memory_space<hbm>>) target(%arg7 : memref<128x80xf32, #tpu.memory_space<vmem>>) target_semaphore(%arg12 : memref<!tpu.dma_semaphore, #tpu.memory_space<semaphore_mem>>)
    %add3A_339 = arith.constant 1536 : i32
    %add3A_340 = arith.addi %mul3A_10, %add3A_339 : i32
    %dma_wait3A_341 = arith.constant 0 : i32
    %dma_wait3A_342 = tpu.memref_slice %arg2[%add3A_340, %dma_wait3A_341] : memref<81920x80xf32, #tpu.memory_space<hbm>> -> memref<128x80xf32, #tpu.memory_space<hbm>>
    %dma_wait3A_343 = arith.constant 0 : i32
    %dma_wait3A_344 = tpu.memref_slice %arg2[%add3A_340, %dma_wait3A_343] : memref<81920x80xf32, #tpu.memory_space<hbm>> -> memref<128x80xf32, #tpu.memory_space<hbm>>
    tpu.wait_dma2 semaphore(%arg10 : memref<!tpu.dma_semaphore, #tpu.memory_space<semaphore_mem>>) src(%dma_wait3A_344 : memref<128x80xf32, #tpu.memory_space<hbm>>) dst(%arg5 : memref<128x80xf32, #tpu.memory_space<vmem>>)
    %dma_start3A_345 = arith.constant 12 : i32
    %dma_start3A_346 = arith.constant 0 : i32
    %dma_start3A_347 = tpu.memref_slice %arg8[%dma_start3A_345, %dma_start3A_346] : memref<20x128xi32, #tpu.memory_space<vmem>> -> memref<1x128xi32, #tpu.memory_space<vmem>>
    %dma_start3A_348 = tpu.memref_squeeze %dma_start3A_347 : memref<1x128xi32, #tpu.memory_space<vmem>> -> memref<128xi32, #tpu.memory_space<vmem>>
    %dma_start3A_349 = arith.constant 0 : i32
    %dma_start3A_350 = arith.constant 0 : i32
    %dma_start3A_351 = tpu.memref_slice %arg9[%dma_start3A_349, %dma_start3A_350] : memref<320x80xf32, #tpu.memory_space<vmem_shared>> -> memref<320x80xf32, #tpu.memory_space<vmem_shared>>
    tpu.enqueue_indirect_dma source(%arg5 : memref<128x80xf32, #tpu.memory_space<vmem>>) target(%dma_start3A_351 : memref<320x80xf32, #tpu.memory_space<vmem_shared>>) offsets(%dma_start3A_348 : memref<128xi32, #tpu.memory_space<vmem>>) semaphore(%arg13 : memref<!tpu.dma_semaphore, #tpu.memory_space<semaphore_mem>>) {add = true}
    %dma_wait3A_352 = arith.constant 12 : i32
    %dma_wait3A_353 = arith.constant 0 : i32
    %dma_wait3A_354 = tpu.memref_slice %arg8[%dma_wait3A_352, %dma_wait3A_353] : memref<20x128xi32, #tpu.memory_space<vmem>> -> memref<1x128xi32, #tpu.memory_space<vmem>>
    %dma_wait3A_355 = tpu.memref_squeeze %dma_wait3A_354 : memref<1x128xi32, #tpu.memory_space<vmem>> -> memref<128xi32, #tpu.memory_space<vmem>>
    %dma_wait3A_356 = arith.constant 0 : i32
    %dma_wait3A_357 = arith.constant 0 : i32
    %dma_wait3A_358 = tpu.memref_slice %arg9[%dma_wait3A_356, %dma_wait3A_357] : memref<320x80xf32, #tpu.memory_space<vmem_shared>> -> memref<320x80xf32, #tpu.memory_space<vmem_shared>>
    tpu.wait_indirect_dma semaphore(%arg13 : memref<!tpu.dma_semaphore, #tpu.memory_space<semaphore_mem>>) src(%arg5 : memref<128x80xf32, #tpu.memory_space<vmem>>) dst(%dma_wait3A_358 : memref<320x80xf32, #tpu.memory_space<vmem_shared>>)
    %add3A_359 = arith.constant 1920 : i32
    %add3A_360 = arith.addi %mul3A_10, %add3A_359 : i32
    %dma_start3A_361 = arith.constant 0 : i32
    %dma_start3A_362 = tpu.memref_slice %arg2[%add3A_360, %dma_start3A_361] : memref<81920x80xf32, #tpu.memory_space<hbm>> -> memref<128x80xf32, #tpu.memory_space<hbm>>
    %dma_start3A_363 = arith.constant 0 : i32
    %dma_start3A_364 = tpu.memref_slice %arg2[%add3A_360, %dma_start3A_363] : memref<81920x80xf32, #tpu.memory_space<hbm>> -> memref<128x80xf32, #tpu.memory_space<hbm>>
    tpu.enqueue_dma source(%dma_start3A_364 : memref<128x80xf32, #tpu.memory_space<hbm>>) target(%arg5 : memref<128x80xf32, #tpu.memory_space<vmem>>) target_semaphore(%arg10 : memref<!tpu.dma_semaphore, #tpu.memory_space<semaphore_mem>>)
    %add3A_365 = arith.constant 1664 : i32
    %add3A_366 = arith.addi %mul3A_10, %add3A_365 : i32
    %dma_wait3A_367 = arith.constant 0 : i32
    %dma_wait3A_368 = tpu.memref_slice %arg2[%add3A_366, %dma_wait3A_367] : memref<81920x80xf32, #tpu.memory_space<hbm>> -> memref<128x80xf32, #tpu.memory_space<hbm>>
    %dma_wait3A_369 = arith.constant 0 : i32
    %dma_wait3A_370 = tpu.memref_slice %arg2[%add3A_366, %dma_wait3A_369] : memref<81920x80xf32, #tpu.memory_space<hbm>> -> memref<128x80xf32, #tpu.memory_space<hbm>>
    tpu.wait_dma2 semaphore(%arg11 : memref<!tpu.dma_semaphore, #tpu.memory_space<semaphore_mem>>) src(%dma_wait3A_370 : memref<128x80xf32, #tpu.memory_space<hbm>>) dst(%arg6 : memref<128x80xf32, #tpu.memory_space<vmem>>)
    %dma_start3A_371 = arith.constant 13 : i32
    %dma_start3A_372 = arith.constant 0 : i32
    %dma_start3A_373 = tpu.memref_slice %arg8[%dma_start3A_371, %dma_start3A_372] : memref<20x128xi32, #tpu.memory_space<vmem>> -> memref<1x128xi32, #tpu.memory_space<vmem>>
    %dma_start3A_374 = tpu.memref_squeeze %dma_start3A_373 : memref<1x128xi32, #tpu.memory_space<vmem>> -> memref<128xi32, #tpu.memory_space<vmem>>
    %dma_start3A_375 = arith.constant 0 : i32
    %dma_start3A_376 = arith.constant 0 : i32
    %dma_start3A_377 = tpu.memref_slice %arg9[%dma_start3A_375, %dma_start3A_376] : memref<320x80xf32, #tpu.memory_space<vmem_shared>> -> memref<320x80xf32, #tpu.memory_space<vmem_shared>>
    tpu.enqueue_indirect_dma source(%arg6 : memref<128x80xf32, #tpu.memory_space<vmem>>) target(%dma_start3A_377 : memref<320x80xf32, #tpu.memory_space<vmem_shared>>) offsets(%dma_start3A_374 : memref<128xi32, #tpu.memory_space<vmem>>) semaphore(%arg14 : memref<!tpu.dma_semaphore, #tpu.memory_space<semaphore_mem>>) {add = true}
    %dma_wait3A_378 = arith.constant 13 : i32
    %dma_wait3A_379 = arith.constant 0 : i32
    %dma_wait3A_380 = tpu.memref_slice %arg8[%dma_wait3A_378, %dma_wait3A_379] : memref<20x128xi32, #tpu.memory_space<vmem>> -> memref<1x128xi32, #tpu.memory_space<vmem>>
    %dma_wait3A_381 = tpu.memref_squeeze %dma_wait3A_380 : memref<1x128xi32, #tpu.memory_space<vmem>> -> memref<128xi32, #tpu.memory_space<vmem>>
    %dma_wait3A_382 = arith.constant 0 : i32
    %dma_wait3A_383 = arith.constant 0 : i32
    %dma_wait3A_384 = tpu.memref_slice %arg9[%dma_wait3A_382, %dma_wait3A_383] : memref<320x80xf32, #tpu.memory_space<vmem_shared>> -> memref<320x80xf32, #tpu.memory_space<vmem_shared>>
    tpu.wait_indirect_dma semaphore(%arg14 : memref<!tpu.dma_semaphore, #tpu.memory_space<semaphore_mem>>) src(%arg6 : memref<128x80xf32, #tpu.memory_space<vmem>>) dst(%dma_wait3A_384 : memref<320x80xf32, #tpu.memory_space<vmem_shared>>)
    %add3A_385 = arith.constant 2048 : i32
    %add3A_386 = arith.addi %mul3A_10, %add3A_385 : i32
    %dma_start3A_387 = arith.constant 0 : i32
    %dma_start3A_388 = tpu.memref_slice %arg2[%add3A_386, %dma_start3A_387] : memref<81920x80xf32, #tpu.memory_space<hbm>> -> memref<128x80xf32, #tpu.memory_space<hbm>>
    %dma_start3A_389 = arith.constant 0 : i32
    %dma_start3A_390 = tpu.memref_slice %arg2[%add3A_386, %dma_start3A_389] : memref<81920x80xf32, #tpu.memory_space<hbm>> -> memref<128x80xf32, #tpu.memory_space<hbm>>
    tpu.enqueue_dma source(%dma_start3A_390 : memref<128x80xf32, #tpu.memory_space<hbm>>) target(%arg6 : memref<128x80xf32, #tpu.memory_space<vmem>>) target_semaphore(%arg11 : memref<!tpu.dma_semaphore, #tpu.memory_space<semaphore_mem>>)
    %add3A_391 = arith.constant 1792 : i32
    %add3A_392 = arith.addi %mul3A_10, %add3A_391 : i32
    %dma_wait3A_393 = arith.constant 0 : i32
    %dma_wait3A_394 = tpu.memref_slice %arg2[%add3A_392, %dma_wait3A_393] : memref<81920x80xf32, #tpu.memory_space<hbm>> -> memref<128x80xf32, #tpu.memory_space<hbm>>
    %dma_wait3A_395 = arith.constant 0 : i32
    %dma_wait3A_396 = tpu.memref_slice %arg2[%add3A_392, %dma_wait3A_395] : memref<81920x80xf32, #tpu.memory_space<hbm>> -> memref<128x80xf32, #tpu.memory_space<hbm>>
    tpu.wait_dma2 semaphore(%arg12 : memref<!tpu.dma_semaphore, #tpu.memory_space<semaphore_mem>>) src(%dma_wait3A_396 : memref<128x80xf32, #tpu.memory_space<hbm>>) dst(%arg7 : memref<128x80xf32, #tpu.memory_space<vmem>>)
    %dma_start3A_397 = arith.constant 14 : i32
    %dma_start3A_398 = arith.constant 0 : i32
    %dma_start3A_399 = tpu.memref_slice %arg8[%dma_start3A_397, %dma_start3A_398] : memref<20x128xi32, #tpu.memory_space<vmem>> -> memref<1x128xi32, #tpu.memory_space<vmem>>
    %dma_start3A_400 = tpu.memref_squeeze %dma_start3A_399 : memref<1x128xi32, #tpu.memory_space<vmem>> -> memref<128xi32, #tpu.memory_space<vmem>>
    %dma_start3A_401 = arith.constant 0 : i32
    %dma_start3A_402 = arith.constant 0 : i32
    %dma_start3A_403 = tpu.memref_slice %arg9[%dma_start3A_401, %dma_start3A_402] : memref<320x80xf32, #tpu.memory_space<vmem_shared>> -> memref<320x80xf32, #tpu.memory_space<vmem_shared>>
    tpu.enqueue_indirect_dma source(%arg7 : memref<128x80xf32, #tpu.memory_space<vmem>>) target(%dma_start3A_403 : memref<320x80xf32, #tpu.memory_space<vmem_shared>>) offsets(%dma_start3A_400 : memref<128xi32, #tpu.memory_space<vmem>>) semaphore(%arg15 : memref<!tpu.dma_semaphore, #tpu.memory_space<semaphore_mem>>) {add = true}
    %dma_wait3A_404 = arith.constant 14 : i32
    %dma_wait3A_405 = arith.constant 0 : i32
    %dma_wait3A_406 = tpu.memref_slice %arg8[%dma_wait3A_404, %dma_wait3A_405] : memref<20x128xi32, #tpu.memory_space<vmem>> -> memref<1x128xi32, #tpu.memory_space<vmem>>
    %dma_wait3A_407 = tpu.memref_squeeze %dma_wait3A_406 : memref<1x128xi32, #tpu.memory_space<vmem>> -> memref<128xi32, #tpu.memory_space<vmem>>
    %dma_wait3A_408 = arith.constant 0 : i32
    %dma_wait3A_409 = arith.constant 0 : i32
    %dma_wait3A_410 = tpu.memref_slice %arg9[%dma_wait3A_408, %dma_wait3A_409] : memref<320x80xf32, #tpu.memory_space<vmem_shared>> -> memref<320x80xf32, #tpu.memory_space<vmem_shared>>
    tpu.wait_indirect_dma semaphore(%arg15 : memref<!tpu.dma_semaphore, #tpu.memory_space<semaphore_mem>>) src(%arg7 : memref<128x80xf32, #tpu.memory_space<vmem>>) dst(%dma_wait3A_410 : memref<320x80xf32, #tpu.memory_space<vmem_shared>>)
    %add3A_411 = arith.constant 2176 : i32
    %add3A_412 = arith.addi %mul3A_10, %add3A_411 : i32
    %dma_start3A_413 = arith.constant 0 : i32
    %dma_start3A_414 = tpu.memref_slice %arg2[%add3A_412, %dma_start3A_413] : memref<81920x80xf32, #tpu.memory_space<hbm>> -> memref<128x80xf32, #tpu.memory_space<hbm>>
    %dma_start3A_415 = arith.constant 0 : i32
    %dma_start3A_416 = tpu.memref_slice %arg2[%add3A_412, %dma_start3A_415] : memref<81920x80xf32, #tpu.memory_space<hbm>> -> memref<128x80xf32, #tpu.memory_space<hbm>>
    tpu.enqueue_dma source(%dma_start3A_416 : memref<128x80xf32, #tpu.memory_space<hbm>>) target(%arg7 : memref<128x80xf32, #tpu.memory_space<vmem>>) target_semaphore(%arg12 : memref<!tpu.dma_semaphore, #tpu.memory_space<semaphore_mem>>)
    %add3A_417 = arith.constant 1920 : i32
    %add3A_418 = arith.addi %mul3A_10, %add3A_417 : i32
    %dma_wait3A_419 = arith.constant 0 : i32
    %dma_wait3A_420 = tpu.memref_slice %arg2[%add3A_418, %dma_wait3A_419] : memref<81920x80xf32, #tpu.memory_space<hbm>> -> memref<128x80xf32, #tpu.memory_space<hbm>>
    %dma_wait3A_421 = arith.constant 0 : i32
    %dma_wait3A_422 = tpu.memref_slice %arg2[%add3A_418, %dma_wait3A_421] : memref<81920x80xf32, #tpu.memory_space<hbm>> -> memref<128x80xf32, #tpu.memory_space<hbm>>
    tpu.wait_dma2 semaphore(%arg10 : memref<!tpu.dma_semaphore, #tpu.memory_space<semaphore_mem>>) src(%dma_wait3A_422 : memref<128x80xf32, #tpu.memory_space<hbm>>) dst(%arg5 : memref<128x80xf32, #tpu.memory_space<vmem>>)
    %dma_start3A_423 = arith.constant 15 : i32
    %dma_start3A_424 = arith.constant 0 : i32
    %dma_start3A_425 = tpu.memref_slice %arg8[%dma_start3A_423, %dma_start3A_424] : memref<20x128xi32, #tpu.memory_space<vmem>> -> memref<1x128xi32, #tpu.memory_space<vmem>>
    %dma_start3A_426 = tpu.memref_squeeze %dma_start3A_425 : memref<1x128xi32, #tpu.memory_space<vmem>> -> memref<128xi32, #tpu.memory_space<vmem>>
    %dma_start3A_427 = arith.constant 0 : i32
    %dma_start3A_428 = arith.constant 0 : i32
    %dma_start3A_429 = tpu.memref_slice %arg9[%dma_start3A_427, %dma_start3A_428] : memref<320x80xf32, #tpu.memory_space<vmem_shared>> -> memref<320x80xf32, #tpu.memory_space<vmem_shared>>
    tpu.enqueue_indirect_dma source(%arg5 : memref<128x80xf32, #tpu.memory_space<vmem>>) target(%dma_start3A_429 : memref<320x80xf32, #tpu.memory_space<vmem_shared>>) offsets(%dma_start3A_426 : memref<128xi32, #tpu.memory_space<vmem>>) semaphore(%arg13 : memref<!tpu.dma_semaphore, #tpu.memory_space<semaphore_mem>>) {add = true}
    %dma_wait3A_430 = arith.constant 15 : i32
    %dma_wait3A_431 = arith.constant 0 : i32
    %dma_wait3A_432 = tpu.memref_slice %arg8[%dma_wait3A_430, %dma_wait3A_431] : memref<20x128xi32, #tpu.memory_space<vmem>> -> memref<1x128xi32, #tpu.memory_space<vmem>>
    %dma_wait3A_433 = tpu.memref_squeeze %dma_wait3A_432 : memref<1x128xi32, #tpu.memory_space<vmem>> -> memref<128xi32, #tpu.memory_space<vmem>>
    %dma_wait3A_434 = arith.constant 0 : i32
    %dma_wait3A_435 = arith.constant 0 : i32
    %dma_wait3A_436 = tpu.memref_slice %arg9[%dma_wait3A_434, %dma_wait3A_435] : memref<320x80xf32, #tpu.memory_space<vmem_shared>> -> memref<320x80xf32, #tpu.memory_space<vmem_shared>>
    tpu.wait_indirect_dma semaphore(%arg13 : memref<!tpu.dma_semaphore, #tpu.memory_space<semaphore_mem>>) src(%arg5 : memref<128x80xf32, #tpu.memory_space<vmem>>) dst(%dma_wait3A_436 : memref<320x80xf32, #tpu.memory_space<vmem_shared>>)
    %add3A_437 = arith.constant 2304 : i32
    %add3A_438 = arith.addi %mul3A_10, %add3A_437 : i32
    %dma_start3A_439 = arith.constant 0 : i32
    %dma_start3A_440 = tpu.memref_slice %arg2[%add3A_438, %dma_start3A_439] : memref<81920x80xf32, #tpu.memory_space<hbm>> -> memref<128x80xf32, #tpu.memory_space<hbm>>
    %dma_start3A_441 = arith.constant 0 : i32
    %dma_start3A_442 = tpu.memref_slice %arg2[%add3A_438, %dma_start3A_441] : memref<81920x80xf32, #tpu.memory_space<hbm>> -> memref<128x80xf32, #tpu.memory_space<hbm>>
    tpu.enqueue_dma source(%dma_start3A_442 : memref<128x80xf32, #tpu.memory_space<hbm>>) target(%arg5 : memref<128x80xf32, #tpu.memory_space<vmem>>) target_semaphore(%arg10 : memref<!tpu.dma_semaphore, #tpu.memory_space<semaphore_mem>>)
    %add3A_443 = arith.constant 2048 : i32
    %add3A_444 = arith.addi %mul3A_10, %add3A_443 : i32
    %dma_wait3A_445 = arith.constant 0 : i32
    %dma_wait3A_446 = tpu.memref_slice %arg2[%add3A_444, %dma_wait3A_445] : memref<81920x80xf32, #tpu.memory_space<hbm>> -> memref<128x80xf32, #tpu.memory_space<hbm>>
    %dma_wait3A_447 = arith.constant 0 : i32
    %dma_wait3A_448 = tpu.memref_slice %arg2[%add3A_444, %dma_wait3A_447] : memref<81920x80xf32, #tpu.memory_space<hbm>> -> memref<128x80xf32, #tpu.memory_space<hbm>>
    tpu.wait_dma2 semaphore(%arg11 : memref<!tpu.dma_semaphore, #tpu.memory_space<semaphore_mem>>) src(%dma_wait3A_448 : memref<128x80xf32, #tpu.memory_space<hbm>>) dst(%arg6 : memref<128x80xf32, #tpu.memory_space<vmem>>)
    %dma_start3A_449 = arith.constant 16 : i32
    %dma_start3A_450 = arith.constant 0 : i32
    %dma_start3A_451 = tpu.memref_slice %arg8[%dma_start3A_449, %dma_start3A_450] : memref<20x128xi32, #tpu.memory_space<vmem>> -> memref<1x128xi32, #tpu.memory_space<vmem>>
    %dma_start3A_452 = tpu.memref_squeeze %dma_start3A_451 : memref<1x128xi32, #tpu.memory_space<vmem>> -> memref<128xi32, #tpu.memory_space<vmem>>
    %dma_start3A_453 = arith.constant 0 : i32
    %dma_start3A_454 = arith.constant 0 : i32
    %dma_start3A_455 = tpu.memref_slice %arg9[%dma_start3A_453, %dma_start3A_454] : memref<320x80xf32, #tpu.memory_space<vmem_shared>> -> memref<320x80xf32, #tpu.memory_space<vmem_shared>>
    tpu.enqueue_indirect_dma source(%arg6 : memref<128x80xf32, #tpu.memory_space<vmem>>) target(%dma_start3A_455 : memref<320x80xf32, #tpu.memory_space<vmem_shared>>) offsets(%dma_start3A_452 : memref<128xi32, #tpu.memory_space<vmem>>) semaphore(%arg14 : memref<!tpu.dma_semaphore, #tpu.memory_space<semaphore_mem>>) {add = true}
    %dma_wait3A_456 = arith.constant 16 : i32
    %dma_wait3A_457 = arith.constant 0 : i32
    %dma_wait3A_458 = tpu.memref_slice %arg8[%dma_wait3A_456, %dma_wait3A_457] : memref<20x128xi32, #tpu.memory_space<vmem>> -> memref<1x128xi32, #tpu.memory_space<vmem>>
    %dma_wait3A_459 = tpu.memref_squeeze %dma_wait3A_458 : memref<1x128xi32, #tpu.memory_space<vmem>> -> memref<128xi32, #tpu.memory_space<vmem>>
    %dma_wait3A_460 = arith.constant 0 : i32
    %dma_wait3A_461 = arith.constant 0 : i32
    %dma_wait3A_462 = tpu.memref_slice %arg9[%dma_wait3A_460, %dma_wait3A_461] : memref<320x80xf32, #tpu.memory_space<vmem_shared>> -> memref<320x80xf32, #tpu.memory_space<vmem_shared>>
    tpu.wait_indirect_dma semaphore(%arg14 : memref<!tpu.dma_semaphore, #tpu.memory_space<semaphore_mem>>) src(%arg6 : memref<128x80xf32, #tpu.memory_space<vmem>>) dst(%dma_wait3A_462 : memref<320x80xf32, #tpu.memory_space<vmem_shared>>)
    %add3A_463 = arith.constant 2432 : i32
    %add3A_464 = arith.addi %mul3A_10, %add3A_463 : i32
    %dma_start3A_465 = arith.constant 0 : i32
    %dma_start3A_466 = tpu.memref_slice %arg2[%add3A_464, %dma_start3A_465] : memref<81920x80xf32, #tpu.memory_space<hbm>> -> memref<128x80xf32, #tpu.memory_space<hbm>>
    %dma_start3A_467 = arith.constant 0 : i32
    %dma_start3A_468 = tpu.memref_slice %arg2[%add3A_464, %dma_start3A_467] : memref<81920x80xf32, #tpu.memory_space<hbm>> -> memref<128x80xf32, #tpu.memory_space<hbm>>
    tpu.enqueue_dma source(%dma_start3A_468 : memref<128x80xf32, #tpu.memory_space<hbm>>) target(%arg6 : memref<128x80xf32, #tpu.memory_space<vmem>>) target_semaphore(%arg11 : memref<!tpu.dma_semaphore, #tpu.memory_space<semaphore_mem>>)
    %add3A_469 = arith.constant 2176 : i32
    %add3A_470 = arith.addi %mul3A_10, %add3A_469 : i32
    %dma_wait3A_471 = arith.constant 0 : i32
    %dma_wait3A_472 = tpu.memref_slice %arg2[%add3A_470, %dma_wait3A_471] : memref<81920x80xf32, #tpu.memory_space<hbm>> -> memref<128x80xf32, #tpu.memory_space<hbm>>
    %dma_wait3A_473 = arith.constant 0 : i32
    %dma_wait3A_474 = tpu.memref_slice %arg2[%add3A_470, %dma_wait3A_473] : memref<81920x80xf32, #tpu.memory_space<hbm>> -> memref<128x80xf32, #tpu.memory_space<hbm>>
    tpu.wait_dma2 semaphore(%arg12 : memref<!tpu.dma_semaphore, #tpu.memory_space<semaphore_mem>>) src(%dma_wait3A_474 : memref<128x80xf32, #tpu.memory_space<hbm>>) dst(%arg7 : memref<128x80xf32, #tpu.memory_space<vmem>>)
    %dma_start3A_475 = arith.constant 17 : i32
    %dma_start3A_476 = arith.constant 0 : i32
    %dma_start3A_477 = tpu.memref_slice %arg8[%dma_start3A_475, %dma_start3A_476] : memref<20x128xi32, #tpu.memory_space<vmem>> -> memref<1x128xi32, #tpu.memory_space<vmem>>
    %dma_start3A_478 = tpu.memref_squeeze %dma_start3A_477 : memref<1x128xi32, #tpu.memory_space<vmem>> -> memref<128xi32, #tpu.memory_space<vmem>>
    %dma_start3A_479 = arith.constant 0 : i32
    %dma_start3A_480 = arith.constant 0 : i32
    %dma_start3A_481 = tpu.memref_slice %arg9[%dma_start3A_479, %dma_start3A_480] : memref<320x80xf32, #tpu.memory_space<vmem_shared>> -> memref<320x80xf32, #tpu.memory_space<vmem_shared>>
    tpu.enqueue_indirect_dma source(%arg7 : memref<128x80xf32, #tpu.memory_space<vmem>>) target(%dma_start3A_481 : memref<320x80xf32, #tpu.memory_space<vmem_shared>>) offsets(%dma_start3A_478 : memref<128xi32, #tpu.memory_space<vmem>>) semaphore(%arg15 : memref<!tpu.dma_semaphore, #tpu.memory_space<semaphore_mem>>) {add = true}
    %add3A_482 = arith.constant 2304 : i32
    %add3A_483 = arith.addi %mul3A_10, %add3A_482 : i32
    %dma_wait3A_484 = arith.constant 0 : i32
    %dma_wait3A_485 = tpu.memref_slice %arg2[%add3A_483, %dma_wait3A_484] : memref<81920x80xf32, #tpu.memory_space<hbm>> -> memref<128x80xf32, #tpu.memory_space<hbm>>
    %dma_wait3A_486 = arith.constant 0 : i32
    %dma_wait3A_487 = tpu.memref_slice %arg2[%add3A_483, %dma_wait3A_486] : memref<81920x80xf32, #tpu.memory_space<hbm>> -> memref<128x80xf32, #tpu.memory_space<hbm>>
    tpu.wait_dma2 semaphore(%arg10 : memref<!tpu.dma_semaphore, #tpu.memory_space<semaphore_mem>>) src(%dma_wait3A_487 : memref<128x80xf32, #tpu.memory_space<hbm>>) dst(%arg5 : memref<128x80xf32, #tpu.memory_space<vmem>>)
    %dma_start3A_488 = arith.constant 18 : i32
    %dma_start3A_489 = arith.constant 0 : i32
    %dma_start3A_490 = tpu.memref_slice %arg8[%dma_start3A_488, %dma_start3A_489] : memref<20x128xi32, #tpu.memory_space<vmem>> -> memref<1x128xi32, #tpu.memory_space<vmem>>
    %dma_start3A_491 = tpu.memref_squeeze %dma_start3A_490 : memref<1x128xi32, #tpu.memory_space<vmem>> -> memref<128xi32, #tpu.memory_space<vmem>>
    %dma_start3A_492 = arith.constant 0 : i32
    %dma_start3A_493 = arith.constant 0 : i32
    %dma_start3A_494 = tpu.memref_slice %arg9[%dma_start3A_492, %dma_start3A_493] : memref<320x80xf32, #tpu.memory_space<vmem_shared>> -> memref<320x80xf32, #tpu.memory_space<vmem_shared>>
    tpu.enqueue_indirect_dma source(%arg5 : memref<128x80xf32, #tpu.memory_space<vmem>>) target(%dma_start3A_494 : memref<320x80xf32, #tpu.memory_space<vmem_shared>>) offsets(%dma_start3A_491 : memref<128xi32, #tpu.memory_space<vmem>>) semaphore(%arg13 : memref<!tpu.dma_semaphore, #tpu.memory_space<semaphore_mem>>) {add = true}
    %add3A_495 = arith.constant 2432 : i32
    %add3A_496 = arith.addi %mul3A_10, %add3A_495 : i32
    %dma_wait3A_497 = arith.constant 0 : i32
    %dma_wait3A_498 = tpu.memref_slice %arg2[%add3A_496, %dma_wait3A_497] : memref<81920x80xf32, #tpu.memory_space<hbm>> -> memref<128x80xf32, #tpu.memory_space<hbm>>
    %dma_wait3A_499 = arith.constant 0 : i32
    %dma_wait3A_500 = tpu.memref_slice %arg2[%add3A_496, %dma_wait3A_499] : memref<81920x80xf32, #tpu.memory_space<hbm>> -> memref<128x80xf32, #tpu.memory_space<hbm>>
    tpu.wait_dma2 semaphore(%arg11 : memref<!tpu.dma_semaphore, #tpu.memory_space<semaphore_mem>>) src(%dma_wait3A_500 : memref<128x80xf32, #tpu.memory_space<hbm>>) dst(%arg6 : memref<128x80xf32, #tpu.memory_space<vmem>>)
    %dma_start3A_501 = arith.constant 19 : i32
    %dma_start3A_502 = arith.constant 0 : i32
    %dma_start3A_503 = tpu.memref_slice %arg8[%dma_start3A_501, %dma_start3A_502] : memref<20x128xi32, #tpu.memory_space<vmem>> -> memref<1x128xi32, #tpu.memory_space<vmem>>
    %dma_start3A_504 = tpu.memref_squeeze %dma_start3A_503 : memref<1x128xi32, #tpu.memory_space<vmem>> -> memref<128xi32, #tpu.memory_space<vmem>>
    %dma_start3A_505 = arith.constant 0 : i32
    %dma_start3A_506 = arith.constant 0 : i32
    %dma_start3A_507 = tpu.memref_slice %arg9[%dma_start3A_505, %dma_start3A_506] : memref<320x80xf32, #tpu.memory_space<vmem_shared>> -> memref<320x80xf32, #tpu.memory_space<vmem_shared>>
    tpu.enqueue_indirect_dma source(%arg6 : memref<128x80xf32, #tpu.memory_space<vmem>>) target(%dma_start3A_507 : memref<320x80xf32, #tpu.memory_space<vmem_shared>>) offsets(%dma_start3A_504 : memref<128xi32, #tpu.memory_space<vmem>>) semaphore(%arg14 : memref<!tpu.dma_semaphore, #tpu.memory_space<semaphore_mem>>) {add = true}
    %dma_wait3A_508 = arith.constant 17 : i32
    %dma_wait3A_509 = arith.constant 0 : i32
    %dma_wait3A_510 = tpu.memref_slice %arg8[%dma_wait3A_508, %dma_wait3A_509] : memref<20x128xi32, #tpu.memory_space<vmem>> -> memref<1x128xi32, #tpu.memory_space<vmem>>
    %dma_wait3A_511 = tpu.memref_squeeze %dma_wait3A_510 : memref<1x128xi32, #tpu.memory_space<vmem>> -> memref<128xi32, #tpu.memory_space<vmem>>
    %dma_wait3A_512 = arith.constant 0 : i32
    %dma_wait3A_513 = arith.constant 0 : i32
    %dma_wait3A_514 = tpu.memref_slice %arg9[%dma_wait3A_512, %dma_wait3A_513] : memref<320x80xf32, #tpu.memory_space<vmem_shared>> -> memref<320x80xf32, #tpu.memory_space<vmem_shared>>
    tpu.wait_indirect_dma semaphore(%arg15 : memref<!tpu.dma_semaphore, #tpu.memory_space<semaphore_mem>>) src(%arg7 : memref<128x80xf32, #tpu.memory_space<vmem>>) dst(%dma_wait3A_514 : memref<320x80xf32, #tpu.memory_space<vmem_shared>>)
    %dma_wait3A_515 = arith.constant 18 : i32
    %dma_wait3A_516 = arith.constant 0 : i32
    %dma_wait3A_517 = tpu.memref_slice %arg8[%dma_wait3A_515, %dma_wait3A_516] : memref<20x128xi32, #tpu.memory_space<vmem>> -> memref<1x128xi32, #tpu.memory_space<vmem>>
    %dma_wait3A_518 = tpu.memref_squeeze %dma_wait3A_517 : memref<1x128xi32, #tpu.memory_space<vmem>> -> memref<128xi32, #tpu.memory_space<vmem>>
    %dma_wait3A_519 = arith.constant 0 : i32
    %dma_wait3A_520 = arith.constant 0 : i32
    %dma_wait3A_521 = tpu.memref_slice %arg9[%dma_wait3A_519, %dma_wait3A_520] : memref<320x80xf32, #tpu.memory_space<vmem_shared>> -> memref<320x80xf32, #tpu.memory_space<vmem_shared>>
    tpu.wait_indirect_dma semaphore(%arg13 : memref<!tpu.dma_semaphore, #tpu.memory_space<semaphore_mem>>) src(%arg5 : memref<128x80xf32, #tpu.memory_space<vmem>>) dst(%dma_wait3A_521 : memref<320x80xf32, #tpu.memory_space<vmem_shared>>)
    %dma_wait3A_522 = arith.constant 19 : i32
    %dma_wait3A_523 = arith.constant 0 : i32
    %dma_wait3A_524 = tpu.memref_slice %arg8[%dma_wait3A_522, %dma_wait3A_523] : memref<20x128xi32, #tpu.memory_space<vmem>> -> memref<1x128xi32, #tpu.memory_space<vmem>>
    %dma_wait3A_525 = tpu.memref_squeeze %dma_wait3A_524 : memref<1x128xi32, #tpu.memory_space<vmem>> -> memref<128xi32, #tpu.memory_space<vmem>>
    %dma_wait3A_526 = arith.constant 0 : i32
    %dma_wait3A_527 = arith.constant 0 : i32
    %dma_wait3A_528 = tpu.memref_slice %arg9[%dma_wait3A_526, %dma_wait3A_527] : memref<320x80xf32, #tpu.memory_space<vmem_shared>> -> memref<320x80xf32, #tpu.memory_space<vmem_shared>>
    tpu.wait_indirect_dma semaphore(%arg14 : memref<!tpu.dma_semaphore, #tpu.memory_space<semaphore_mem>>) src(%arg6 : memref<128x80xf32, #tpu.memory_space<vmem>>) dst(%dma_wait3A_528 : memref<320x80xf32, #tpu.memory_space<vmem_shared>>)
    %barrier3A_529 = arith.constant 0 : index
    tpu.barrier barrier_id(%barrier3A_529)
    %lt3A_530 = arith.constant 10 : i32
    %lt3A_531 = arith.cmpi slt, %arg1, %lt3A_530 : i32
    %convert_element_type3A_532 = arith.extui %lt3A_531 : i1 to i32
    %cond3A_533 = arith.constant 0 : i32
    %cond3A_534 = arith.cmpi ne, %convert_element_type3A_532, %cond3A_533 : i32
    scf.if %cond3A_534 {
      %mul3A_535 = arith.constant 32 : i32
      %mul3A_536 = arith.muli %arg1, %mul3A_535 : i32
      %mul3A_537 = arith.constant 32 : i32
      %mul3A_538 = arith.muli %arg1, %mul3A_537 : i32
      "tpu.region"() ({
        %run_scoped3A = tpu.sem_alloc : memref<!tpu.dma_semaphore, #tpu.memory_space<semaphore_mem>>
        %dma_start3A_539 = arith.constant 0 : i32
        %dma_start3A_540 = tpu.memref_slice %arg4[%arg0, %mul3A_538, %dma_start3A_539] : memref<2x320x80xf32, #tpu.memory_space<hbm>> -> memref<1x32x80xf32, #tpu.memory_space<hbm>>
        %dma_start3A_541 = tpu.memref_squeeze %dma_start3A_540 : memref<1x32x80xf32, #tpu.memory_space<hbm>> -> memref<32x80xf32, #tpu.memory_space<hbm>>
        %dma_start3A_542 = arith.constant 0 : i32
        %dma_start3A_543 = tpu.memref_slice %arg9[%mul3A_536, %dma_start3A_542] : memref<320x80xf32, #tpu.memory_space<vmem_shared>> -> memref<32x80xf32, #tpu.memory_space<vmem_shared>>
        tpu.enqueue_dma source(%dma_start3A_543 : memref<32x80xf32, #tpu.memory_space<vmem_shared>>) target(%dma_start3A_541 : memref<32x80xf32, #tpu.memory_space<hbm>>) target_semaphore(%run_scoped3A : memref<!tpu.dma_semaphore, #tpu.memory_space<semaphore_mem>>)
        %dma_wait3A_544 = arith.constant 0 : i32
        %dma_wait3A_545 = tpu.memref_slice %arg4[%arg0, %mul3A_538, %dma_wait3A_544] : memref<2x320x80xf32, #tpu.memory_space<hbm>> -> memref<1x32x80xf32, #tpu.memory_space<hbm>>
        %dma_wait3A_546 = tpu.memref_squeeze %dma_wait3A_545 : memref<1x32x80xf32, #tpu.memory_space<hbm>> -> memref<32x80xf32, #tpu.memory_space<hbm>>
        %dma_wait3A_547 = arith.constant 0 : i32
        %dma_wait3A_548 = tpu.memref_slice %arg9[%mul3A_536, %dma_wait3A_547] : memref<320x80xf32, #tpu.memory_space<vmem_shared>> -> memref<32x80xf32, #tpu.memory_space<vmem_shared>>
        tpu.wait_dma2 semaphore(%run_scoped3A : memref<!tpu.dma_semaphore, #tpu.memory_space<semaphore_mem>>) src(%dma_wait3A_548 : memref<32x80xf32, #tpu.memory_space<vmem_shared>>) dst(%dma_wait3A_546 : memref<32x80xf32, #tpu.memory_space<hbm>>)
        tpu.yield
      }) : () -> ()
    } else {
    }
    return
  }
}

#map = affine_map<(d0, d1) -> (0, 0)>
#map1 = affine_map<(d0, d1) -> (0, 0, 0)>
module attributes {stable_mosaic.version = 14 : i64} {
  func.func @_segsum_body(%arg0: i32, %arg1: i32, %arg2: memref<49152x80xf32, #tpu.memory_space<hbm>>, %arg3: memref<32x12x128xi32, #tpu.memory_space<hbm>>, %arg4: memref<2x192x80xf32, #tpu.memory_space<hbm>>, %arg5: memref<128x80xf32, #tpu.memory_space<vmem>>, %arg6: memref<128x80xf32, #tpu.memory_space<vmem>>, %arg7: memref<128x80xf32, #tpu.memory_space<vmem>>, %arg8: memref<12x128xi32, #tpu.memory_space<vmem>>, %arg9: memref<192x80xf32, #tpu.memory_space<vmem_shared>>, %arg10: memref<!tpu.dma_semaphore, #tpu.memory_space<semaphore_mem>>, %arg11: memref<!tpu.dma_semaphore, #tpu.memory_space<semaphore_mem>>, %arg12: memref<!tpu.dma_semaphore, #tpu.memory_space<semaphore_mem>>, %arg13: memref<!tpu.dma_semaphore, #tpu.memory_space<semaphore_mem>>, %arg14: memref<!tpu.dma_semaphore, #tpu.memory_space<semaphore_mem>>, %arg15: memref<!tpu.dma_semaphore, #tpu.memory_space<semaphore_mem>>) attributes {dimension_semantics = [#tpu.dimension_semantics<core_parallel>, #tpu.dimension_semantics<subcore_parallel>], iteration_bounds = array<i64: 2, 16>, scalar_prefetch = 0 : i64, scratch_operands = 11 : i64, tpu.core_type = #tpu.core_type<sc_vector_subcore>, window_params = [{transform_indices = #map}, {transform_indices = #map1}, {transform_indices = #map1}]} {
    %mul3A = arith.constant 2 : i32
    %mul3A_0 = arith.muli %arg1, %mul3A : i32
    %add3A = arith.addi %mul3A_0, %arg0 : i32
    %broadcast_in_dim3A = arith.constant 0.000000e+00 : f32
    %broadcast_in_dim3A_1 = vector.broadcast %broadcast_in_dim3A : f32 to vector<16xf32>
    %scan3A = arith.constant 0 : i32
    %scan3A_2 = arith.constant 0 : i32
    %scan3A_3 = arith.constant 32 : i32
    %scan3A_4 = arith.addi %scan3A_2, %scan3A_3 : i32
    %scan3A_5 = arith.constant 1 : i32
    scf.for %scan3A_327 = %scan3A_2 to %scan3A_4 step %scan3A_5  : i32 {
      %swap3A = arith.index_cast %scan3A_327 : i32 to index
      %swap3A_328 = arith.constant 0 : index
      %swap3A_329 = tpu.vector_load %arg5[%swap3A, %swap3A_328] {strides = array<i32>} : memref<128x80xf32, #tpu.memory_space<vmem>>, vector<1x16xf32>,
      %swap3A_330 = vector.shape_cast %swap3A_329 : vector<1x16xf32> to vector<16xf32>
      %swap3A_331 = vector.shape_cast %broadcast_in_dim3A_1 : vector<16xf32> to vector<1x16xf32>
      tpu.vector_store %arg5[%swap3A, %swap3A_328], %swap3A_331 {strides = array<i32>} : memref<128x80xf32, #tpu.memory_space<vmem>>, vector<1x16xf32>,
      %swap3A_332 = arith.index_cast %scan3A_327 : i32 to index
      %swap3A_333 = arith.constant 16 : index
      %swap3A_334 = tpu.vector_load %arg5[%swap3A_332, %swap3A_333] {strides = array<i32>} : memref<128x80xf32, #tpu.memory_space<vmem>>, vector<1x16xf32>,
      %swap3A_335 = vector.shape_cast %swap3A_334 : vector<1x16xf32> to vector<16xf32>
      %swap3A_336 = vector.shape_cast %broadcast_in_dim3A_1 : vector<16xf32> to vector<1x16xf32>
      tpu.vector_store %arg5[%swap3A_332, %swap3A_333], %swap3A_336 {strides = array<i32>} : memref<128x80xf32, #tpu.memory_space<vmem>>, vector<1x16xf32>,
      %swap3A_337 = arith.index_cast %scan3A_327 : i32 to index
      %swap3A_338 = arith.constant 32 : index
      %swap3A_339 = tpu.vector_load %arg5[%swap3A_337, %swap3A_338] {strides = array<i32>} : memref<128x80xf32, #tpu.memory_space<vmem>>, vector<1x16xf32>,
      %swap3A_340 = vector.shape_cast %swap3A_339 : vector<1x16xf32> to vector<16xf32>
      %swap3A_341 = vector.shape_cast %broadcast_in_dim3A_1 : vector<16xf32> to vector<1x16xf32>
      tpu.vector_store %arg5[%swap3A_337, %swap3A_338], %swap3A_341 {strides = array<i32>} : memref<128x80xf32, #tpu.memory_space<vmem>>, vector<1x16xf32>,
      %swap3A_342 = arith.index_cast %scan3A_327 : i32 to index
      %swap3A_343 = arith.constant 48 : index
      %swap3A_344 = tpu.vector_load %arg5[%swap3A_342, %swap3A_343] {strides = array<i32>} : memref<128x80xf32, #tpu.memory_space<vmem>>, vector<1x16xf32>,
      %swap3A_345 = vector.shape_cast %swap3A_344 : vector<1x16xf32> to vector<16xf32>
      %swap3A_346 = vector.shape_cast %broadcast_in_dim3A_1 : vector<16xf32> to vector<1x16xf32>
      tpu.vector_store %arg5[%swap3A_342, %swap3A_343], %swap3A_346 {strides = array<i32>} : memref<128x80xf32, #tpu.memory_space<vmem>>, vector<1x16xf32>,
      %swap3A_347 = arith.index_cast %scan3A_327 : i32 to index
      %swap3A_348 = arith.constant 64 : index
      %swap3A_349 = tpu.vector_load %arg5[%swap3A_347, %swap3A_348] {strides = array<i32>} : memref<128x80xf32, #tpu.memory_space<vmem>>, vector<1x16xf32>,
      %swap3A_350 = vector.shape_cast %swap3A_349 : vector<1x16xf32> to vector<16xf32>
      %swap3A_351 = vector.shape_cast %broadcast_in_dim3A_1 : vector<16xf32> to vector<1x16xf32>
      tpu.vector_store %arg5[%swap3A_347, %swap3A_348], %swap3A_351 {strides = array<i32>} : memref<128x80xf32, #tpu.memory_space<vmem>>, vector<1x16xf32>,
    }
    %scan3A_6 = arith.constant 32 : i32
    %lt3A = arith.constant 6 : i32
    %lt3A_7 = arith.cmpi slt, %arg1, %lt3A : i32
    %convert_element_type3A = arith.extui %lt3A_7 : i1 to i32
    %cond3A = arith.constant 0 : i32
    %cond3A_8 = arith.cmpi ne, %convert_element_type3A, %cond3A : i32
    scf.if %cond3A_8 {
      %mul3A_327 = arith.constant 32 : i32
      %mul3A_328 = arith.muli %arg1, %mul3A_327 : i32
      "tpu.region"() ({
        %run_scoped3A = tpu.sem_alloc : memref<!tpu.dma_semaphore, #tpu.memory_space<semaphore_mem>>
        %dma_start3A_329 = arith.constant 0 : i32
        %dma_start3A_330 = arith.constant 0 : i32
        %dma_start3A_331 = tpu.memref_slice %arg5[%dma_start3A_329, %dma_start3A_330] : memref<128x80xf32, #tpu.memory_space<vmem>> -> memref<32x80xf32, #tpu.memory_space<vmem>>
        %dma_start3A_332 = arith.constant 0 : i32
        %dma_start3A_333 = tpu.memref_slice %arg9[%mul3A_328, %dma_start3A_332] : memref<192x80xf32, #tpu.memory_space<vmem_shared>> -> memref<32x80xf32, #tpu.memory_space<vmem_shared>>
        %dma_start3A_334 = arith.constant 0 : i32
        %dma_start3A_335 = tpu.memref_slice %arg9[%mul3A_328, %dma_start3A_334] : memref<192x80xf32, #tpu.memory_space<vmem_shared>> -> memref<32x80xf32, #tpu.memory_space<vmem_shared>>
        %dma_start3A_336 = arith.constant 0 : i32
        %dma_start3A_337 = arith.constant 0 : i32
        %dma_start3A_338 = tpu.memref_slice %arg5[%dma_start3A_336, %dma_start3A_337] : memref<128x80xf32, #tpu.memory_space<vmem>> -> memref<32x80xf32, #tpu.memory_space<vmem>>
        tpu.enqueue_dma source(%dma_start3A_338 : memref<32x80xf32, #tpu.memory_space<vmem>>) target(%dma_start3A_335 : memref<32x80xf32, #tpu.memory_space<vmem_shared>>) target_semaphore(%run_scoped3A : memref<!tpu.dma_semaphore, #tpu.memory_space<semaphore_mem>>)
        %dma_wait3A_339 = arith.constant 0 : i32
        %dma_wait3A_340 = arith.constant 0 : i32
        %dma_wait3A_341 = tpu.memref_slice %arg5[%dma_wait3A_339, %dma_wait3A_340] : memref<128x80xf32, #tpu.memory_space<vmem>> -> memref<32x80xf32, #tpu.memory_space<vmem>>
        %dma_wait3A_342 = arith.constant 0 : i32
        %dma_wait3A_343 = tpu.memref_slice %arg9[%mul3A_328, %dma_wait3A_342] : memref<192x80xf32, #tpu.memory_space<vmem_shared>> -> memref<32x80xf32, #tpu.memory_space<vmem_shared>>
        %dma_wait3A_344 = arith.constant 0 : i32
        %dma_wait3A_345 = tpu.memref_slice %arg9[%mul3A_328, %dma_wait3A_344] : memref<192x80xf32, #tpu.memory_space<vmem_shared>> -> memref<32x80xf32, #tpu.memory_space<vmem_shared>>
        %dma_wait3A_346 = arith.constant 0 : i32
        %dma_wait3A_347 = arith.constant 0 : i32
        %dma_wait3A_348 = tpu.memref_slice %arg5[%dma_wait3A_346, %dma_wait3A_347] : memref<128x80xf32, #tpu.memory_space<vmem>> -> memref<32x80xf32, #tpu.memory_space<vmem>>
        tpu.wait_dma2 semaphore(%run_scoped3A : memref<!tpu.dma_semaphore, #tpu.memory_space<semaphore_mem>>) src(%dma_wait3A_348 : memref<32x80xf32, #tpu.memory_space<vmem>>) dst(%dma_wait3A_345 : memref<32x80xf32, #tpu.memory_space<vmem_shared>>)
        tpu.yield
      }) : () -> ()
    } else {
    }
    %barrier3A = arith.constant 0 : index
    tpu.barrier barrier_id(%barrier3A)
    "tpu.region"() ({
      %run_scoped3A = tpu.sem_alloc : memref<!tpu.dma_semaphore, #tpu.memory_space<semaphore_mem>>
      %dma_start3A_327 = arith.constant 0 : i32
      %dma_start3A_328 = arith.constant 0 : i32
      %dma_start3A_329 = tpu.memref_slice %arg3[%add3A, %dma_start3A_327, %dma_start3A_328] : memref<32x12x128xi32, #tpu.memory_space<hbm>> -> memref<1x12x128xi32, #tpu.memory_space<hbm>>
      %dma_start3A_330 = tpu.memref_squeeze %dma_start3A_329 : memref<1x12x128xi32, #tpu.memory_space<hbm>> -> memref<12x128xi32, #tpu.memory_space<hbm>>
      %dma_start3A_331 = arith.constant 0 : i32
      %dma_start3A_332 = arith.constant 0 : i32
      %dma_start3A_333 = tpu.memref_slice %arg3[%add3A, %dma_start3A_331, %dma_start3A_332] : memref<32x12x128xi32, #tpu.memory_space<hbm>> -> memref<1x12x128xi32, #tpu.memory_space<hbm>>
      %dma_start3A_334 = tpu.memref_squeeze %dma_start3A_333 : memref<1x12x128xi32, #tpu.memory_space<hbm>> -> memref<12x128xi32, #tpu.memory_space<hbm>>
      tpu.enqueue_dma source(%dma_start3A_334 : memref<12x128xi32, #tpu.memory_space<hbm>>) target(%arg8 : memref<12x128xi32, #tpu.memory_space<vmem>>) target_semaphore(%run_scoped3A : memref<!tpu.dma_semaphore, #tpu.memory_space<semaphore_mem>>)
      %dma_wait3A_335 = arith.constant 0 : i32
      %dma_wait3A_336 = arith.constant 0 : i32
      %dma_wait3A_337 = tpu.memref_slice %arg3[%add3A, %dma_wait3A_335, %dma_wait3A_336] : memref<32x12x128xi32, #tpu.memory_space<hbm>> -> memref<1x12x128xi32, #tpu.memory_space<hbm>>
      %dma_wait3A_338 = tpu.memref_squeeze %dma_wait3A_337 : memref<1x12x128xi32, #tpu.memory_space<hbm>> -> memref<12x128xi32, #tpu.memory_space<hbm>>
      %dma_wait3A_339 = arith.constant 0 : i32
      %dma_wait3A_340 = arith.constant 0 : i32
      %dma_wait3A_341 = tpu.memref_slice %arg3[%add3A, %dma_wait3A_339, %dma_wait3A_340] : memref<32x12x128xi32, #tpu.memory_space<hbm>> -> memref<1x12x128xi32, #tpu.memory_space<hbm>>
      %dma_wait3A_342 = tpu.memref_squeeze %dma_wait3A_341 : memref<1x12x128xi32, #tpu.memory_space<hbm>> -> memref<12x128xi32, #tpu.memory_space<hbm>>
      tpu.wait_dma2 semaphore(%run_scoped3A : memref<!tpu.dma_semaphore, #tpu.memory_space<semaphore_mem>>) src(%dma_wait3A_342 : memref<12x128xi32, #tpu.memory_space<hbm>>) dst(%arg8 : memref<12x128xi32, #tpu.memory_space<vmem>>)
      tpu.yield
    }) : () -> ()
    %mul3A_9 = arith.constant 1536 : i32
    %mul3A_10 = arith.muli %add3A, %mul3A_9 : i32
    %add3A_11 = arith.constant 0 : i32
    %add3A_12 = arith.addi %mul3A_10, %add3A_11 : i32
    %dma_start3A = arith.constant 0 : i32
    %dma_start3A_13 = tpu.memref_slice %arg2[%add3A_12, %dma_start3A] : memref<49152x80xf32, #tpu.memory_space<hbm>> -> memref<128x80xf32, #tpu.memory_space<hbm>>
    %dma_start3A_14 = arith.constant 0 : i32
    %dma_start3A_15 = tpu.memref_slice %arg2[%add3A_12, %dma_start3A_14] : memref<49152x80xf32, #tpu.memory_space<hbm>> -> memref<128x80xf32, #tpu.memory_space<hbm>>
    tpu.enqueue_dma source(%dma_start3A_15 : memref<128x80xf32, #tpu.memory_space<hbm>>) target(%arg5 : memref<128x80xf32, #tpu.memory_space<vmem>>) target_semaphore(%arg10 : memref<!tpu.dma_semaphore, #tpu.memory_space<semaphore_mem>>)
    %add3A_16 = arith.constant 128 : i32
    %add3A_17 = arith.addi %mul3A_10, %add3A_16 : i32
    %dma_start3A_18 = arith.constant 0 : i32
    %dma_start3A_19 = tpu.memref_slice %arg2[%add3A_17, %dma_start3A_18] : memref<49152x80xf32, #tpu.memory_space<hbm>> -> memref<128x80xf32, #tpu.memory_space<hbm>>
    %dma_start3A_20 = arith.constant 0 : i32
    %dma_start3A_21 = tpu.memref_slice %arg2[%add3A_17, %dma_start3A_20] : memref<49152x80xf32, #tpu.memory_space<hbm>> -> memref<128x80xf32, #tpu.memory_space<hbm>>
    tpu.enqueue_dma source(%dma_start3A_21 : memref<128x80xf32, #tpu.memory_space<hbm>>) target(%arg6 : memref<128x80xf32, #tpu.memory_space<vmem>>) target_semaphore(%arg11 : memref<!tpu.dma_semaphore, #tpu.memory_space<semaphore_mem>>)
    %add3A_22 = arith.constant 256 : i32
    %add3A_23 = arith.addi %mul3A_10, %add3A_22 : i32
    %dma_start3A_24 = arith.constant 0 : i32
    %dma_start3A_25 = tpu.memref_slice %arg2[%add3A_23, %dma_start3A_24] : memref<49152x80xf32, #tpu.memory_space<hbm>> -> memref<128x80xf32, #tpu.memory_space<hbm>>
    %dma_start3A_26 = arith.constant 0 : i32
    %dma_start3A_27 = tpu.memref_slice %arg2[%add3A_23, %dma_start3A_26] : memref<49152x80xf32, #tpu.memory_space<hbm>> -> memref<128x80xf32, #tpu.memory_space<hbm>>
    tpu.enqueue_dma source(%dma_start3A_27 : memref<128x80xf32, #tpu.memory_space<hbm>>) target(%arg7 : memref<128x80xf32, #tpu.memory_space<vmem>>) target_semaphore(%arg12 : memref<!tpu.dma_semaphore, #tpu.memory_space<semaphore_mem>>)
    %add3A_28 = arith.constant 0 : i32
    %add3A_29 = arith.addi %mul3A_10, %add3A_28 : i32
    %dma_wait3A = arith.constant 0 : i32
    %dma_wait3A_30 = tpu.memref_slice %arg2[%add3A_29, %dma_wait3A] : memref<49152x80xf32, #tpu.memory_space<hbm>> -> memref<128x80xf32, #tpu.memory_space<hbm>>
    %dma_wait3A_31 = arith.constant 0 : i32
    %dma_wait3A_32 = tpu.memref_slice %arg2[%add3A_29, %dma_wait3A_31] : memref<49152x80xf32, #tpu.memory_space<hbm>> -> memref<128x80xf32, #tpu.memory_space<hbm>>
    tpu.wait_dma2 semaphore(%arg10 : memref<!tpu.dma_semaphore, #tpu.memory_space<semaphore_mem>>) src(%dma_wait3A_32 : memref<128x80xf32, #tpu.memory_space<hbm>>) dst(%arg5 : memref<128x80xf32, #tpu.memory_space<vmem>>)
    %dma_start3A_33 = arith.constant 0 : i32
    %dma_start3A_34 = arith.constant 0 : i32
    %dma_start3A_35 = tpu.memref_slice %arg8[%dma_start3A_33, %dma_start3A_34] : memref<12x128xi32, #tpu.memory_space<vmem>> -> memref<1x128xi32, #tpu.memory_space<vmem>>
    %dma_start3A_36 = tpu.memref_squeeze %dma_start3A_35 : memref<1x128xi32, #tpu.memory_space<vmem>> -> memref<128xi32, #tpu.memory_space<vmem>>
    %dma_start3A_37 = arith.constant 0 : i32
    %dma_start3A_38 = arith.constant 0 : i32
    %dma_start3A_39 = tpu.memref_slice %arg9[%dma_start3A_37, %dma_start3A_38] : memref<192x80xf32, #tpu.memory_space<vmem_shared>> -> memref<192x80xf32, #tpu.memory_space<vmem_shared>>
    tpu.enqueue_indirect_dma source(%arg5 : memref<128x80xf32, #tpu.memory_space<vmem>>) target(%dma_start3A_39 : memref<192x80xf32, #tpu.memory_space<vmem_shared>>) offsets(%dma_start3A_36 : memref<128xi32, #tpu.memory_space<vmem>>) semaphore(%arg13 : memref<!tpu.dma_semaphore, #tpu.memory_space<semaphore_mem>>) {add = true}
    %dma_wait3A_40 = arith.constant 0 : i32
    %dma_wait3A_41 = arith.constant 0 : i32
    %dma_wait3A_42 = tpu.memref_slice %arg8[%dma_wait3A_40, %dma_wait3A_41] : memref<12x128xi32, #tpu.memory_space<vmem>> -> memref<1x128xi32, #tpu.memory_space<vmem>>
    %dma_wait3A_43 = tpu.memref_squeeze %dma_wait3A_42 : memref<1x128xi32, #tpu.memory_space<vmem>> -> memref<128xi32, #tpu.memory_space<vmem>>
    %dma_wait3A_44 = arith.constant 0 : i32
    %dma_wait3A_45 = arith.constant 0 : i32
    %dma_wait3A_46 = tpu.memref_slice %arg9[%dma_wait3A_44, %dma_wait3A_45] : memref<192x80xf32, #tpu.memory_space<vmem_shared>> -> memref<192x80xf32, #tpu.memory_space<vmem_shared>>
    tpu.wait_indirect_dma semaphore(%arg13 : memref<!tpu.dma_semaphore, #tpu.memory_space<semaphore_mem>>) src(%arg5 : memref<128x80xf32, #tpu.memory_space<vmem>>) dst(%dma_wait3A_46 : memref<192x80xf32, #tpu.memory_space<vmem_shared>>)
    %add3A_47 = arith.constant 384 : i32
    %add3A_48 = arith.addi %mul3A_10, %add3A_47 : i32
    %dma_start3A_49 = arith.constant 0 : i32
    %dma_start3A_50 = tpu.memref_slice %arg2[%add3A_48, %dma_start3A_49] : memref<49152x80xf32, #tpu.memory_space<hbm>> -> memref<128x80xf32, #tpu.memory_space<hbm>>
    %dma_start3A_51 = arith.constant 0 : i32
    %dma_start3A_52 = tpu.memref_slice %arg2[%add3A_48, %dma_start3A_51] : memref<49152x80xf32, #tpu.memory_space<hbm>> -> memref<128x80xf32, #tpu.memory_space<hbm>>
    tpu.enqueue_dma source(%dma_start3A_52 : memref<128x80xf32, #tpu.memory_space<hbm>>) target(%arg5 : memref<128x80xf32, #tpu.memory_space<vmem>>) target_semaphore(%arg10 : memref<!tpu.dma_semaphore, #tpu.memory_space<semaphore_mem>>)
    %add3A_53 = arith.constant 128 : i32
    %add3A_54 = arith.addi %mul3A_10, %add3A_53 : i32
    %dma_wait3A_55 = arith.constant 0 : i32
    %dma_wait3A_56 = tpu.memref_slice %arg2[%add3A_54, %dma_wait3A_55] : memref<49152x80xf32, #tpu.memory_space<hbm>> -> memref<128x80xf32, #tpu.memory_space<hbm>>
    %dma_wait3A_57 = arith.constant 0 : i32
    %dma_wait3A_58 = tpu.memref_slice %arg2[%add3A_54, %dma_wait3A_57] : memref<49152x80xf32, #tpu.memory_space<hbm>> -> memref<128x80xf32, #tpu.memory_space<hbm>>
    tpu.wait_dma2 semaphore(%arg11 : memref<!tpu.dma_semaphore, #tpu.memory_space<semaphore_mem>>) src(%dma_wait3A_58 : memref<128x80xf32, #tpu.memory_space<hbm>>) dst(%arg6 : memref<128x80xf32, #tpu.memory_space<vmem>>)
    %dma_start3A_59 = arith.constant 1 : i32
    %dma_start3A_60 = arith.constant 0 : i32
    %dma_start3A_61 = tpu.memref_slice %arg8[%dma_start3A_59, %dma_start3A_60] : memref<12x128xi32, #tpu.memory_space<vmem>> -> memref<1x128xi32, #tpu.memory_space<vmem>>
    %dma_start3A_62 = tpu.memref_squeeze %dma_start3A_61 : memref<1x128xi32, #tpu.memory_space<vmem>> -> memref<128xi32, #tpu.memory_space<vmem>>
    %dma_start3A_63 = arith.constant 0 : i32
    %dma_start3A_64 = arith.constant 0 : i32
    %dma_start3A_65 = tpu.memref_slice %arg9[%dma_start3A_63, %dma_start3A_64] : memref<192x80xf32, #tpu.memory_space<vmem_shared>> -> memref<192x80xf32, #tpu.memory_space<vmem_shared>>
    tpu.enqueue_indirect_dma source(%arg6 : memref<128x80xf32, #tpu.memory_space<vmem>>) target(%dma_start3A_65 : memref<192x80xf32, #tpu.memory_space<vmem_shared>>) offsets(%dma_start3A_62 : memref<128xi32, #tpu.memory_space<vmem>>) semaphore(%arg14 : memref<!tpu.dma_semaphore, #tpu.memory_space<semaphore_mem>>) {add = true}
    %dma_wait3A_66 = arith.constant 1 : i32
    %dma_wait3A_67 = arith.constant 0 : i32
    %dma_wait3A_68 = tpu.memref_slice %arg8[%dma_wait3A_66, %dma_wait3A_67] : memref<12x128xi32, #tpu.memory_space<vmem>> -> memref<1x128xi32, #tpu.memory_space<vmem>>
    %dma_wait3A_69 = tpu.memref_squeeze %dma_wait3A_68 : memref<1x128xi32, #tpu.memory_space<vmem>> -> memref<128xi32, #tpu.memory_space<vmem>>
    %dma_wait3A_70 = arith.constant 0 : i32
    %dma_wait3A_71 = arith.constant 0 : i32
    %dma_wait3A_72 = tpu.memref_slice %arg9[%dma_wait3A_70, %dma_wait3A_71] : memref<192x80xf32, #tpu.memory_space<vmem_shared>> -> memref<192x80xf32, #tpu.memory_space<vmem_shared>>
    tpu.wait_indirect_dma semaphore(%arg14 : memref<!tpu.dma_semaphore, #tpu.memory_space<semaphore_mem>>) src(%arg6 : memref<128x80xf32, #tpu.memory_space<vmem>>) dst(%dma_wait3A_72 : memref<192x80xf32, #tpu.memory_space<vmem_shared>>)
    %add3A_73 = arith.constant 512 : i32
    %add3A_74 = arith.addi %mul3A_10, %add3A_73 : i32
    %dma_start3A_75 = arith.constant 0 : i32
    %dma_start3A_76 = tpu.memref_slice %arg2[%add3A_74, %dma_start3A_75] : memref<49152x80xf32, #tpu.memory_space<hbm>> -> memref<128x80xf32, #tpu.memory_space<hbm>>
    %dma_start3A_77 = arith.constant 0 : i32
    %dma_start3A_78 = tpu.memref_slice %arg2[%add3A_74, %dma_start3A_77] : memref<49152x80xf32, #tpu.memory_space<hbm>> -> memref<128x80xf32, #tpu.memory_space<hbm>>
    tpu.enqueue_dma source(%dma_start3A_78 : memref<128x80xf32, #tpu.memory_space<hbm>>) target(%arg6 : memref<128x80xf32, #tpu.memory_space<vmem>>) target_semaphore(%arg11 : memref<!tpu.dma_semaphore, #tpu.memory_space<semaphore_mem>>)
    %add3A_79 = arith.constant 256 : i32
    %add3A_80 = arith.addi %mul3A_10, %add3A_79 : i32
    %dma_wait3A_81 = arith.constant 0 : i32
    %dma_wait3A_82 = tpu.memref_slice %arg2[%add3A_80, %dma_wait3A_81] : memref<49152x80xf32, #tpu.memory_space<hbm>> -> memref<128x80xf32, #tpu.memory_space<hbm>>
    %dma_wait3A_83 = arith.constant 0 : i32
    %dma_wait3A_84 = tpu.memref_slice %arg2[%add3A_80, %dma_wait3A_83] : memref<49152x80xf32, #tpu.memory_space<hbm>> -> memref<128x80xf32, #tpu.memory_space<hbm>>
    tpu.wait_dma2 semaphore(%arg12 : memref<!tpu.dma_semaphore, #tpu.memory_space<semaphore_mem>>) src(%dma_wait3A_84 : memref<128x80xf32, #tpu.memory_space<hbm>>) dst(%arg7 : memref<128x80xf32, #tpu.memory_space<vmem>>)
    %dma_start3A_85 = arith.constant 2 : i32
    %dma_start3A_86 = arith.constant 0 : i32
    %dma_start3A_87 = tpu.memref_slice %arg8[%dma_start3A_85, %dma_start3A_86] : memref<12x128xi32, #tpu.memory_space<vmem>> -> memref<1x128xi32, #tpu.memory_space<vmem>>
    %dma_start3A_88 = tpu.memref_squeeze %dma_start3A_87 : memref<1x128xi32, #tpu.memory_space<vmem>> -> memref<128xi32, #tpu.memory_space<vmem>>
    %dma_start3A_89 = arith.constant 0 : i32
    %dma_start3A_90 = arith.constant 0 : i32
    %dma_start3A_91 = tpu.memref_slice %arg9[%dma_start3A_89, %dma_start3A_90] : memref<192x80xf32, #tpu.memory_space<vmem_shared>> -> memref<192x80xf32, #tpu.memory_space<vmem_shared>>
    tpu.enqueue_indirect_dma source(%arg7 : memref<128x80xf32, #tpu.memory_space<vmem>>) target(%dma_start3A_91 : memref<192x80xf32, #tpu.memory_space<vmem_shared>>) offsets(%dma_start3A_88 : memref<128xi32, #tpu.memory_space<vmem>>) semaphore(%arg15 : memref<!tpu.dma_semaphore, #tpu.memory_space<semaphore_mem>>) {add = true}
    %dma_wait3A_92 = arith.constant 2 : i32
    %dma_wait3A_93 = arith.constant 0 : i32
    %dma_wait3A_94 = tpu.memref_slice %arg8[%dma_wait3A_92, %dma_wait3A_93] : memref<12x128xi32, #tpu.memory_space<vmem>> -> memref<1x128xi32, #tpu.memory_space<vmem>>
    %dma_wait3A_95 = tpu.memref_squeeze %dma_wait3A_94 : memref<1x128xi32, #tpu.memory_space<vmem>> -> memref<128xi32, #tpu.memory_space<vmem>>
    %dma_wait3A_96 = arith.constant 0 : i32
    %dma_wait3A_97 = arith.constant 0 : i32
    %dma_wait3A_98 = tpu.memref_slice %arg9[%dma_wait3A_96, %dma_wait3A_97] : memref<192x80xf32, #tpu.memory_space<vmem_shared>> -> memref<192x80xf32, #tpu.memory_space<vmem_shared>>
    tpu.wait_indirect_dma semaphore(%arg15 : memref<!tpu.dma_semaphore, #tpu.memory_space<semaphore_mem>>) src(%arg7 : memref<128x80xf32, #tpu.memory_space<vmem>>) dst(%dma_wait3A_98 : memref<192x80xf32, #tpu.memory_space<vmem_shared>>)
    %add3A_99 = arith.constant 640 : i32
    %add3A_100 = arith.addi %mul3A_10, %add3A_99 : i32
    %dma_start3A_101 = arith.constant 0 : i32
    %dma_start3A_102 = tpu.memref_slice %arg2[%add3A_100, %dma_start3A_101] : memref<49152x80xf32, #tpu.memory_space<hbm>> -> memref<128x80xf32, #tpu.memory_space<hbm>>
    %dma_start3A_103 = arith.constant 0 : i32
    %dma_start3A_104 = tpu.memref_slice %arg2[%add3A_100, %dma_start3A_103] : memref<49152x80xf32, #tpu.memory_space<hbm>> -> memref<128x80xf32, #tpu.memory_space<hbm>>
    tpu.enqueue_dma source(%dma_start3A_104 : memref<128x80xf32, #tpu.memory_space<hbm>>) target(%arg7 : memref<128x80xf32, #tpu.memory_space<vmem>>) target_semaphore(%arg12 : memref<!tpu.dma_semaphore, #tpu.memory_space<semaphore_mem>>)
    %add3A_105 = arith.constant 384 : i32
    %add3A_106 = arith.addi %mul3A_10, %add3A_105 : i32
    %dma_wait3A_107 = arith.constant 0 : i32
    %dma_wait3A_108 = tpu.memref_slice %arg2[%add3A_106, %dma_wait3A_107] : memref<49152x80xf32, #tpu.memory_space<hbm>> -> memref<128x80xf32, #tpu.memory_space<hbm>>
    %dma_wait3A_109 = arith.constant 0 : i32
    %dma_wait3A_110 = tpu.memref_slice %arg2[%add3A_106, %dma_wait3A_109] : memref<49152x80xf32, #tpu.memory_space<hbm>> -> memref<128x80xf32, #tpu.memory_space<hbm>>
    tpu.wait_dma2 semaphore(%arg10 : memref<!tpu.dma_semaphore, #tpu.memory_space<semaphore_mem>>) src(%dma_wait3A_110 : memref<128x80xf32, #tpu.memory_space<hbm>>) dst(%arg5 : memref<128x80xf32, #tpu.memory_space<vmem>>)
    %dma_start3A_111 = arith.constant 3 : i32
    %dma_start3A_112 = arith.constant 0 : i32
    %dma_start3A_113 = tpu.memref_slice %arg8[%dma_start3A_111, %dma_start3A_112] : memref<12x128xi32, #tpu.memory_space<vmem>> -> memref<1x128xi32, #tpu.memory_space<vmem>>
    %dma_start3A_114 = tpu.memref_squeeze %dma_start3A_113 : memref<1x128xi32, #tpu.memory_space<vmem>> -> memref<128xi32, #tpu.memory_space<vmem>>
    %dma_start3A_115 = arith.constant 0 : i32
    %dma_start3A_116 = arith.constant 0 : i32
    %dma_start3A_117 = tpu.memref_slice %arg9[%dma_start3A_115, %dma_start3A_116] : memref<192x80xf32, #tpu.memory_space<vmem_shared>> -> memref<192x80xf32, #tpu.memory_space<vmem_shared>>
    tpu.enqueue_indirect_dma source(%arg5 : memref<128x80xf32, #tpu.memory_space<vmem>>) target(%dma_start3A_117 : memref<192x80xf32, #tpu.memory_space<vmem_shared>>) offsets(%dma_start3A_114 : memref<128xi32, #tpu.memory_space<vmem>>) semaphore(%arg13 : memref<!tpu.dma_semaphore, #tpu.memory_space<semaphore_mem>>) {add = true}
    %dma_wait3A_118 = arith.constant 3 : i32
    %dma_wait3A_119 = arith.constant 0 : i32
    %dma_wait3A_120 = tpu.memref_slice %arg8[%dma_wait3A_118, %dma_wait3A_119] : memref<12x128xi32, #tpu.memory_space<vmem>> -> memref<1x128xi32, #tpu.memory_space<vmem>>
    %dma_wait3A_121 = tpu.memref_squeeze %dma_wait3A_120 : memref<1x128xi32, #tpu.memory_space<vmem>> -> memref<128xi32, #tpu.memory_space<vmem>>
    %dma_wait3A_122 = arith.constant 0 : i32
    %dma_wait3A_123 = arith.constant 0 : i32
    %dma_wait3A_124 = tpu.memref_slice %arg9[%dma_wait3A_122, %dma_wait3A_123] : memref<192x80xf32, #tpu.memory_space<vmem_shared>> -> memref<192x80xf32, #tpu.memory_space<vmem_shared>>
    tpu.wait_indirect_dma semaphore(%arg13 : memref<!tpu.dma_semaphore, #tpu.memory_space<semaphore_mem>>) src(%arg5 : memref<128x80xf32, #tpu.memory_space<vmem>>) dst(%dma_wait3A_124 : memref<192x80xf32, #tpu.memory_space<vmem_shared>>)
    %add3A_125 = arith.constant 768 : i32
    %add3A_126 = arith.addi %mul3A_10, %add3A_125 : i32
    %dma_start3A_127 = arith.constant 0 : i32
    %dma_start3A_128 = tpu.memref_slice %arg2[%add3A_126, %dma_start3A_127] : memref<49152x80xf32, #tpu.memory_space<hbm>> -> memref<128x80xf32, #tpu.memory_space<hbm>>
    %dma_start3A_129 = arith.constant 0 : i32
    %dma_start3A_130 = tpu.memref_slice %arg2[%add3A_126, %dma_start3A_129] : memref<49152x80xf32, #tpu.memory_space<hbm>> -> memref<128x80xf32, #tpu.memory_space<hbm>>
    tpu.enqueue_dma source(%dma_start3A_130 : memref<128x80xf32, #tpu.memory_space<hbm>>) target(%arg5 : memref<128x80xf32, #tpu.memory_space<vmem>>) target_semaphore(%arg10 : memref<!tpu.dma_semaphore, #tpu.memory_space<semaphore_mem>>)
    %add3A_131 = arith.constant 512 : i32
    %add3A_132 = arith.addi %mul3A_10, %add3A_131 : i32
    %dma_wait3A_133 = arith.constant 0 : i32
    %dma_wait3A_134 = tpu.memref_slice %arg2[%add3A_132, %dma_wait3A_133] : memref<49152x80xf32, #tpu.memory_space<hbm>> -> memref<128x80xf32, #tpu.memory_space<hbm>>
    %dma_wait3A_135 = arith.constant 0 : i32
    %dma_wait3A_136 = tpu.memref_slice %arg2[%add3A_132, %dma_wait3A_135] : memref<49152x80xf32, #tpu.memory_space<hbm>> -> memref<128x80xf32, #tpu.memory_space<hbm>>
    tpu.wait_dma2 semaphore(%arg11 : memref<!tpu.dma_semaphore, #tpu.memory_space<semaphore_mem>>) src(%dma_wait3A_136 : memref<128x80xf32, #tpu.memory_space<hbm>>) dst(%arg6 : memref<128x80xf32, #tpu.memory_space<vmem>>)
    %dma_start3A_137 = arith.constant 4 : i32
    %dma_start3A_138 = arith.constant 0 : i32
    %dma_start3A_139 = tpu.memref_slice %arg8[%dma_start3A_137, %dma_start3A_138] : memref<12x128xi32, #tpu.memory_space<vmem>> -> memref<1x128xi32, #tpu.memory_space<vmem>>
    %dma_start3A_140 = tpu.memref_squeeze %dma_start3A_139 : memref<1x128xi32, #tpu.memory_space<vmem>> -> memref<128xi32, #tpu.memory_space<vmem>>
    %dma_start3A_141 = arith.constant 0 : i32
    %dma_start3A_142 = arith.constant 0 : i32
    %dma_start3A_143 = tpu.memref_slice %arg9[%dma_start3A_141, %dma_start3A_142] : memref<192x80xf32, #tpu.memory_space<vmem_shared>> -> memref<192x80xf32, #tpu.memory_space<vmem_shared>>
    tpu.enqueue_indirect_dma source(%arg6 : memref<128x80xf32, #tpu.memory_space<vmem>>) target(%dma_start3A_143 : memref<192x80xf32, #tpu.memory_space<vmem_shared>>) offsets(%dma_start3A_140 : memref<128xi32, #tpu.memory_space<vmem>>) semaphore(%arg14 : memref<!tpu.dma_semaphore, #tpu.memory_space<semaphore_mem>>) {add = true}
    %dma_wait3A_144 = arith.constant 4 : i32
    %dma_wait3A_145 = arith.constant 0 : i32
    %dma_wait3A_146 = tpu.memref_slice %arg8[%dma_wait3A_144, %dma_wait3A_145] : memref<12x128xi32, #tpu.memory_space<vmem>> -> memref<1x128xi32, #tpu.memory_space<vmem>>
    %dma_wait3A_147 = tpu.memref_squeeze %dma_wait3A_146 : memref<1x128xi32, #tpu.memory_space<vmem>> -> memref<128xi32, #tpu.memory_space<vmem>>
    %dma_wait3A_148 = arith.constant 0 : i32
    %dma_wait3A_149 = arith.constant 0 : i32
    %dma_wait3A_150 = tpu.memref_slice %arg9[%dma_wait3A_148, %dma_wait3A_149] : memref<192x80xf32, #tpu.memory_space<vmem_shared>> -> memref<192x80xf32, #tpu.memory_space<vmem_shared>>
    tpu.wait_indirect_dma semaphore(%arg14 : memref<!tpu.dma_semaphore, #tpu.memory_space<semaphore_mem>>) src(%arg6 : memref<128x80xf32, #tpu.memory_space<vmem>>) dst(%dma_wait3A_150 : memref<192x80xf32, #tpu.memory_space<vmem_shared>>)
    %add3A_151 = arith.constant 896 : i32
    %add3A_152 = arith.addi %mul3A_10, %add3A_151 : i32
    %dma_start3A_153 = arith.constant 0 : i32
    %dma_start3A_154 = tpu.memref_slice %arg2[%add3A_152, %dma_start3A_153] : memref<49152x80xf32, #tpu.memory_space<hbm>> -> memref<128x80xf32, #tpu.memory_space<hbm>>
    %dma_start3A_155 = arith.constant 0 : i32
    %dma_start3A_156 = tpu.memref_slice %arg2[%add3A_152, %dma_start3A_155] : memref<49152x80xf32, #tpu.memory_space<hbm>> -> memref<128x80xf32, #tpu.memory_space<hbm>>
    tpu.enqueue_dma source(%dma_start3A_156 : memref<128x80xf32, #tpu.memory_space<hbm>>) target(%arg6 : memref<128x80xf32, #tpu.memory_space<vmem>>) target_semaphore(%arg11 : memref<!tpu.dma_semaphore, #tpu.memory_space<semaphore_mem>>)
    %add3A_157 = arith.constant 640 : i32
    %add3A_158 = arith.addi %mul3A_10, %add3A_157 : i32
    %dma_wait3A_159 = arith.constant 0 : i32
    %dma_wait3A_160 = tpu.memref_slice %arg2[%add3A_158, %dma_wait3A_159] : memref<49152x80xf32, #tpu.memory_space<hbm>> -> memref<128x80xf32, #tpu.memory_space<hbm>>
    %dma_wait3A_161 = arith.constant 0 : i32
    %dma_wait3A_162 = tpu.memref_slice %arg2[%add3A_158, %dma_wait3A_161] : memref<49152x80xf32, #tpu.memory_space<hbm>> -> memref<128x80xf32, #tpu.memory_space<hbm>>
    tpu.wait_dma2 semaphore(%arg12 : memref<!tpu.dma_semaphore, #tpu.memory_space<semaphore_mem>>) src(%dma_wait3A_162 : memref<128x80xf32, #tpu.memory_space<hbm>>) dst(%arg7 : memref<128x80xf32, #tpu.memory_space<vmem>>)
    %dma_start3A_163 = arith.constant 5 : i32
    %dma_start3A_164 = arith.constant 0 : i32
    %dma_start3A_165 = tpu.memref_slice %arg8[%dma_start3A_163, %dma_start3A_164] : memref<12x128xi32, #tpu.memory_space<vmem>> -> memref<1x128xi32, #tpu.memory_space<vmem>>
    %dma_start3A_166 = tpu.memref_squeeze %dma_start3A_165 : memref<1x128xi32, #tpu.memory_space<vmem>> -> memref<128xi32, #tpu.memory_space<vmem>>
    %dma_start3A_167 = arith.constant 0 : i32
    %dma_start3A_168 = arith.constant 0 : i32
    %dma_start3A_169 = tpu.memref_slice %arg9[%dma_start3A_167, %dma_start3A_168] : memref<192x80xf32, #tpu.memory_space<vmem_shared>> -> memref<192x80xf32, #tpu.memory_space<vmem_shared>>
    tpu.enqueue_indirect_dma source(%arg7 : memref<128x80xf32, #tpu.memory_space<vmem>>) target(%dma_start3A_169 : memref<192x80xf32, #tpu.memory_space<vmem_shared>>) offsets(%dma_start3A_166 : memref<128xi32, #tpu.memory_space<vmem>>) semaphore(%arg15 : memref<!tpu.dma_semaphore, #tpu.memory_space<semaphore_mem>>) {add = true}
    %dma_wait3A_170 = arith.constant 5 : i32
    %dma_wait3A_171 = arith.constant 0 : i32
    %dma_wait3A_172 = tpu.memref_slice %arg8[%dma_wait3A_170, %dma_wait3A_171] : memref<12x128xi32, #tpu.memory_space<vmem>> -> memref<1x128xi32, #tpu.memory_space<vmem>>
    %dma_wait3A_173 = tpu.memref_squeeze %dma_wait3A_172 : memref<1x128xi32, #tpu.memory_space<vmem>> -> memref<128xi32, #tpu.memory_space<vmem>>
    %dma_wait3A_174 = arith.constant 0 : i32
    %dma_wait3A_175 = arith.constant 0 : i32
    %dma_wait3A_176 = tpu.memref_slice %arg9[%dma_wait3A_174, %dma_wait3A_175] : memref<192x80xf32, #tpu.memory_space<vmem_shared>> -> memref<192x80xf32, #tpu.memory_space<vmem_shared>>
    tpu.wait_indirect_dma semaphore(%arg15 : memref<!tpu.dma_semaphore, #tpu.memory_space<semaphore_mem>>) src(%arg7 : memref<128x80xf32, #tpu.memory_space<vmem>>) dst(%dma_wait3A_176 : memref<192x80xf32, #tpu.memory_space<vmem_shared>>)
    %add3A_177 = arith.constant 1024 : i32
    %add3A_178 = arith.addi %mul3A_10, %add3A_177 : i32
    %dma_start3A_179 = arith.constant 0 : i32
    %dma_start3A_180 = tpu.memref_slice %arg2[%add3A_178, %dma_start3A_179] : memref<49152x80xf32, #tpu.memory_space<hbm>> -> memref<128x80xf32, #tpu.memory_space<hbm>>
    %dma_start3A_181 = arith.constant 0 : i32
    %dma_start3A_182 = tpu.memref_slice %arg2[%add3A_178, %dma_start3A_181] : memref<49152x80xf32, #tpu.memory_space<hbm>> -> memref<128x80xf32, #tpu.memory_space<hbm>>
    tpu.enqueue_dma source(%dma_start3A_182 : memref<128x80xf32, #tpu.memory_space<hbm>>) target(%arg7 : memref<128x80xf32, #tpu.memory_space<vmem>>) target_semaphore(%arg12 : memref<!tpu.dma_semaphore, #tpu.memory_space<semaphore_mem>>)
    %add3A_183 = arith.constant 768 : i32
    %add3A_184 = arith.addi %mul3A_10, %add3A_183 : i32
    %dma_wait3A_185 = arith.constant 0 : i32
    %dma_wait3A_186 = tpu.memref_slice %arg2[%add3A_184, %dma_wait3A_185] : memref<49152x80xf32, #tpu.memory_space<hbm>> -> memref<128x80xf32, #tpu.memory_space<hbm>>
    %dma_wait3A_187 = arith.constant 0 : i32
    %dma_wait3A_188 = tpu.memref_slice %arg2[%add3A_184, %dma_wait3A_187] : memref<49152x80xf32, #tpu.memory_space<hbm>> -> memref<128x80xf32, #tpu.memory_space<hbm>>
    tpu.wait_dma2 semaphore(%arg10 : memref<!tpu.dma_semaphore, #tpu.memory_space<semaphore_mem>>) src(%dma_wait3A_188 : memref<128x80xf32, #tpu.memory_space<hbm>>) dst(%arg5 : memref<128x80xf32, #tpu.memory_space<vmem>>)
    %dma_start3A_189 = arith.constant 6 : i32
    %dma_start3A_190 = arith.constant 0 : i32
    %dma_start3A_191 = tpu.memref_slice %arg8[%dma_start3A_189, %dma_start3A_190] : memref<12x128xi32, #tpu.memory_space<vmem>> -> memref<1x128xi32, #tpu.memory_space<vmem>>
    %dma_start3A_192 = tpu.memref_squeeze %dma_start3A_191 : memref<1x128xi32, #tpu.memory_space<vmem>> -> memref<128xi32, #tpu.memory_space<vmem>>
    %dma_start3A_193 = arith.constant 0 : i32
    %dma_start3A_194 = arith.constant 0 : i32
    %dma_start3A_195 = tpu.memref_slice %arg9[%dma_start3A_193, %dma_start3A_194] : memref<192x80xf32, #tpu.memory_space<vmem_shared>> -> memref<192x80xf32, #tpu.memory_space<vmem_shared>>
    tpu.enqueue_indirect_dma source(%arg5 : memref<128x80xf32, #tpu.memory_space<vmem>>) target(%dma_start3A_195 : memref<192x80xf32, #tpu.memory_space<vmem_shared>>) offsets(%dma_start3A_192 : memref<128xi32, #tpu.memory_space<vmem>>) semaphore(%arg13 : memref<!tpu.dma_semaphore, #tpu.memory_space<semaphore_mem>>) {add = true}
    %dma_wait3A_196 = arith.constant 6 : i32
    %dma_wait3A_197 = arith.constant 0 : i32
    %dma_wait3A_198 = tpu.memref_slice %arg8[%dma_wait3A_196, %dma_wait3A_197] : memref<12x128xi32, #tpu.memory_space<vmem>> -> memref<1x128xi32, #tpu.memory_space<vmem>>
    %dma_wait3A_199 = tpu.memref_squeeze %dma_wait3A_198 : memref<1x128xi32, #tpu.memory_space<vmem>> -> memref<128xi32, #tpu.memory_space<vmem>>
    %dma_wait3A_200 = arith.constant 0 : i32
    %dma_wait3A_201 = arith.constant 0 : i32
    %dma_wait3A_202 = tpu.memref_slice %arg9[%dma_wait3A_200, %dma_wait3A_201] : memref<192x80xf32, #tpu.memory_space<vmem_shared>> -> memref<192x80xf32, #tpu.memory_space<vmem_shared>>
    tpu.wait_indirect_dma semaphore(%arg13 : memref<!tpu.dma_semaphore, #tpu.memory_space<semaphore_mem>>) src(%arg5 : memref<128x80xf32, #tpu.memory_space<vmem>>) dst(%dma_wait3A_202 : memref<192x80xf32, #tpu.memory_space<vmem_shared>>)
    %add3A_203 = arith.constant 1152 : i32
    %add3A_204 = arith.addi %mul3A_10, %add3A_203 : i32
    %dma_start3A_205 = arith.constant 0 : i32
    %dma_start3A_206 = tpu.memref_slice %arg2[%add3A_204, %dma_start3A_205] : memref<49152x80xf32, #tpu.memory_space<hbm>> -> memref<128x80xf32, #tpu.memory_space<hbm>>
    %dma_start3A_207 = arith.constant 0 : i32
    %dma_start3A_208 = tpu.memref_slice %arg2[%add3A_204, %dma_start3A_207] : memref<49152x80xf32, #tpu.memory_space<hbm>> -> memref<128x80xf32, #tpu.memory_space<hbm>>
    tpu.enqueue_dma source(%dma_start3A_208 : memref<128x80xf32, #tpu.memory_space<hbm>>) target(%arg5 : memref<128x80xf32, #tpu.memory_space<vmem>>) target_semaphore(%arg10 : memref<!tpu.dma_semaphore, #tpu.memory_space<semaphore_mem>>)
    %add3A_209 = arith.constant 896 : i32
    %add3A_210 = arith.addi %mul3A_10, %add3A_209 : i32
    %dma_wait3A_211 = arith.constant 0 : i32
    %dma_wait3A_212 = tpu.memref_slice %arg2[%add3A_210, %dma_wait3A_211] : memref<49152x80xf32, #tpu.memory_space<hbm>> -> memref<128x80xf32, #tpu.memory_space<hbm>>
    %dma_wait3A_213 = arith.constant 0 : i32
    %dma_wait3A_214 = tpu.memref_slice %arg2[%add3A_210, %dma_wait3A_213] : memref<49152x80xf32, #tpu.memory_space<hbm>> -> memref<128x80xf32, #tpu.memory_space<hbm>>
    tpu.wait_dma2 semaphore(%arg11 : memref<!tpu.dma_semaphore, #tpu.memory_space<semaphore_mem>>) src(%dma_wait3A_214 : memref<128x80xf32, #tpu.memory_space<hbm>>) dst(%arg6 : memref<128x80xf32, #tpu.memory_space<vmem>>)
    %dma_start3A_215 = arith.constant 7 : i32
    %dma_start3A_216 = arith.constant 0 : i32
    %dma_start3A_217 = tpu.memref_slice %arg8[%dma_start3A_215, %dma_start3A_216] : memref<12x128xi32, #tpu.memory_space<vmem>> -> memref<1x128xi32, #tpu.memory_space<vmem>>
    %dma_start3A_218 = tpu.memref_squeeze %dma_start3A_217 : memref<1x128xi32, #tpu.memory_space<vmem>> -> memref<128xi32, #tpu.memory_space<vmem>>
    %dma_start3A_219 = arith.constant 0 : i32
    %dma_start3A_220 = arith.constant 0 : i32
    %dma_start3A_221 = tpu.memref_slice %arg9[%dma_start3A_219, %dma_start3A_220] : memref<192x80xf32, #tpu.memory_space<vmem_shared>> -> memref<192x80xf32, #tpu.memory_space<vmem_shared>>
    tpu.enqueue_indirect_dma source(%arg6 : memref<128x80xf32, #tpu.memory_space<vmem>>) target(%dma_start3A_221 : memref<192x80xf32, #tpu.memory_space<vmem_shared>>) offsets(%dma_start3A_218 : memref<128xi32, #tpu.memory_space<vmem>>) semaphore(%arg14 : memref<!tpu.dma_semaphore, #tpu.memory_space<semaphore_mem>>) {add = true}
    %dma_wait3A_222 = arith.constant 7 : i32
    %dma_wait3A_223 = arith.constant 0 : i32
    %dma_wait3A_224 = tpu.memref_slice %arg8[%dma_wait3A_222, %dma_wait3A_223] : memref<12x128xi32, #tpu.memory_space<vmem>> -> memref<1x128xi32, #tpu.memory_space<vmem>>
    %dma_wait3A_225 = tpu.memref_squeeze %dma_wait3A_224 : memref<1x128xi32, #tpu.memory_space<vmem>> -> memref<128xi32, #tpu.memory_space<vmem>>
    %dma_wait3A_226 = arith.constant 0 : i32
    %dma_wait3A_227 = arith.constant 0 : i32
    %dma_wait3A_228 = tpu.memref_slice %arg9[%dma_wait3A_226, %dma_wait3A_227] : memref<192x80xf32, #tpu.memory_space<vmem_shared>> -> memref<192x80xf32, #tpu.memory_space<vmem_shared>>
    tpu.wait_indirect_dma semaphore(%arg14 : memref<!tpu.dma_semaphore, #tpu.memory_space<semaphore_mem>>) src(%arg6 : memref<128x80xf32, #tpu.memory_space<vmem>>) dst(%dma_wait3A_228 : memref<192x80xf32, #tpu.memory_space<vmem_shared>>)
    %add3A_229 = arith.constant 1280 : i32
    %add3A_230 = arith.addi %mul3A_10, %add3A_229 : i32
    %dma_start3A_231 = arith.constant 0 : i32
    %dma_start3A_232 = tpu.memref_slice %arg2[%add3A_230, %dma_start3A_231] : memref<49152x80xf32, #tpu.memory_space<hbm>> -> memref<128x80xf32, #tpu.memory_space<hbm>>
    %dma_start3A_233 = arith.constant 0 : i32
    %dma_start3A_234 = tpu.memref_slice %arg2[%add3A_230, %dma_start3A_233] : memref<49152x80xf32, #tpu.memory_space<hbm>> -> memref<128x80xf32, #tpu.memory_space<hbm>>
    tpu.enqueue_dma source(%dma_start3A_234 : memref<128x80xf32, #tpu.memory_space<hbm>>) target(%arg6 : memref<128x80xf32, #tpu.memory_space<vmem>>) target_semaphore(%arg11 : memref<!tpu.dma_semaphore, #tpu.memory_space<semaphore_mem>>)
    %add3A_235 = arith.constant 1024 : i32
    %add3A_236 = arith.addi %mul3A_10, %add3A_235 : i32
    %dma_wait3A_237 = arith.constant 0 : i32
    %dma_wait3A_238 = tpu.memref_slice %arg2[%add3A_236, %dma_wait3A_237] : memref<49152x80xf32, #tpu.memory_space<hbm>> -> memref<128x80xf32, #tpu.memory_space<hbm>>
    %dma_wait3A_239 = arith.constant 0 : i32
    %dma_wait3A_240 = tpu.memref_slice %arg2[%add3A_236, %dma_wait3A_239] : memref<49152x80xf32, #tpu.memory_space<hbm>> -> memref<128x80xf32, #tpu.memory_space<hbm>>
    tpu.wait_dma2 semaphore(%arg12 : memref<!tpu.dma_semaphore, #tpu.memory_space<semaphore_mem>>) src(%dma_wait3A_240 : memref<128x80xf32, #tpu.memory_space<hbm>>) dst(%arg7 : memref<128x80xf32, #tpu.memory_space<vmem>>)
    %dma_start3A_241 = arith.constant 8 : i32
    %dma_start3A_242 = arith.constant 0 : i32
    %dma_start3A_243 = tpu.memref_slice %arg8[%dma_start3A_241, %dma_start3A_242] : memref<12x128xi32, #tpu.memory_space<vmem>> -> memref<1x128xi32, #tpu.memory_space<vmem>>
    %dma_start3A_244 = tpu.memref_squeeze %dma_start3A_243 : memref<1x128xi32, #tpu.memory_space<vmem>> -> memref<128xi32, #tpu.memory_space<vmem>>
    %dma_start3A_245 = arith.constant 0 : i32
    %dma_start3A_246 = arith.constant 0 : i32
    %dma_start3A_247 = tpu.memref_slice %arg9[%dma_start3A_245, %dma_start3A_246] : memref<192x80xf32, #tpu.memory_space<vmem_shared>> -> memref<192x80xf32, #tpu.memory_space<vmem_shared>>
    tpu.enqueue_indirect_dma source(%arg7 : memref<128x80xf32, #tpu.memory_space<vmem>>) target(%dma_start3A_247 : memref<192x80xf32, #tpu.memory_space<vmem_shared>>) offsets(%dma_start3A_244 : memref<128xi32, #tpu.memory_space<vmem>>) semaphore(%arg15 : memref<!tpu.dma_semaphore, #tpu.memory_space<semaphore_mem>>) {add = true}
    %dma_wait3A_248 = arith.constant 8 : i32
    %dma_wait3A_249 = arith.constant 0 : i32
    %dma_wait3A_250 = tpu.memref_slice %arg8[%dma_wait3A_248, %dma_wait3A_249] : memref<12x128xi32, #tpu.memory_space<vmem>> -> memref<1x128xi32, #tpu.memory_space<vmem>>
    %dma_wait3A_251 = tpu.memref_squeeze %dma_wait3A_250 : memref<1x128xi32, #tpu.memory_space<vmem>> -> memref<128xi32, #tpu.memory_space<vmem>>
    %dma_wait3A_252 = arith.constant 0 : i32
    %dma_wait3A_253 = arith.constant 0 : i32
    %dma_wait3A_254 = tpu.memref_slice %arg9[%dma_wait3A_252, %dma_wait3A_253] : memref<192x80xf32, #tpu.memory_space<vmem_shared>> -> memref<192x80xf32, #tpu.memory_space<vmem_shared>>
    tpu.wait_indirect_dma semaphore(%arg15 : memref<!tpu.dma_semaphore, #tpu.memory_space<semaphore_mem>>) src(%arg7 : memref<128x80xf32, #tpu.memory_space<vmem>>) dst(%dma_wait3A_254 : memref<192x80xf32, #tpu.memory_space<vmem_shared>>)
    %add3A_255 = arith.constant 1408 : i32
    %add3A_256 = arith.addi %mul3A_10, %add3A_255 : i32
    %dma_start3A_257 = arith.constant 0 : i32
    %dma_start3A_258 = tpu.memref_slice %arg2[%add3A_256, %dma_start3A_257] : memref<49152x80xf32, #tpu.memory_space<hbm>> -> memref<128x80xf32, #tpu.memory_space<hbm>>
    %dma_start3A_259 = arith.constant 0 : i32
    %dma_start3A_260 = tpu.memref_slice %arg2[%add3A_256, %dma_start3A_259] : memref<49152x80xf32, #tpu.memory_space<hbm>> -> memref<128x80xf32, #tpu.memory_space<hbm>>
    tpu.enqueue_dma source(%dma_start3A_260 : memref<128x80xf32, #tpu.memory_space<hbm>>) target(%arg7 : memref<128x80xf32, #tpu.memory_space<vmem>>) target_semaphore(%arg12 : memref<!tpu.dma_semaphore, #tpu.memory_space<semaphore_mem>>)
    %add3A_261 = arith.constant 1152 : i32
    %add3A_262 = arith.addi %mul3A_10, %add3A_261 : i32
    %dma_wait3A_263 = arith.constant 0 : i32
    %dma_wait3A_264 = tpu.memref_slice %arg2[%add3A_262, %dma_wait3A_263] : memref<49152x80xf32, #tpu.memory_space<hbm>> -> memref<128x80xf32, #tpu.memory_space<hbm>>
    %dma_wait3A_265 = arith.constant 0 : i32
    %dma_wait3A_266 = tpu.memref_slice %arg2[%add3A_262, %dma_wait3A_265] : memref<49152x80xf32, #tpu.memory_space<hbm>> -> memref<128x80xf32, #tpu.memory_space<hbm>>
    tpu.wait_dma2 semaphore(%arg10 : memref<!tpu.dma_semaphore, #tpu.memory_space<semaphore_mem>>) src(%dma_wait3A_266 : memref<128x80xf32, #tpu.memory_space<hbm>>) dst(%arg5 : memref<128x80xf32, #tpu.memory_space<vmem>>)
    %dma_start3A_267 = arith.constant 9 : i32
    %dma_start3A_268 = arith.constant 0 : i32
    %dma_start3A_269 = tpu.memref_slice %arg8[%dma_start3A_267, %dma_start3A_268] : memref<12x128xi32, #tpu.memory_space<vmem>> -> memref<1x128xi32, #tpu.memory_space<vmem>>
    %dma_start3A_270 = tpu.memref_squeeze %dma_start3A_269 : memref<1x128xi32, #tpu.memory_space<vmem>> -> memref<128xi32, #tpu.memory_space<vmem>>
    %dma_start3A_271 = arith.constant 0 : i32
    %dma_start3A_272 = arith.constant 0 : i32
    %dma_start3A_273 = tpu.memref_slice %arg9[%dma_start3A_271, %dma_start3A_272] : memref<192x80xf32, #tpu.memory_space<vmem_shared>> -> memref<192x80xf32, #tpu.memory_space<vmem_shared>>
    tpu.enqueue_indirect_dma source(%arg5 : memref<128x80xf32, #tpu.memory_space<vmem>>) target(%dma_start3A_273 : memref<192x80xf32, #tpu.memory_space<vmem_shared>>) offsets(%dma_start3A_270 : memref<128xi32, #tpu.memory_space<vmem>>) semaphore(%arg13 : memref<!tpu.dma_semaphore, #tpu.memory_space<semaphore_mem>>) {add = true}
    %add3A_274 = arith.constant 1280 : i32
    %add3A_275 = arith.addi %mul3A_10, %add3A_274 : i32
    %dma_wait3A_276 = arith.constant 0 : i32
    %dma_wait3A_277 = tpu.memref_slice %arg2[%add3A_275, %dma_wait3A_276] : memref<49152x80xf32, #tpu.memory_space<hbm>> -> memref<128x80xf32, #tpu.memory_space<hbm>>
    %dma_wait3A_278 = arith.constant 0 : i32
    %dma_wait3A_279 = tpu.memref_slice %arg2[%add3A_275, %dma_wait3A_278] : memref<49152x80xf32, #tpu.memory_space<hbm>> -> memref<128x80xf32, #tpu.memory_space<hbm>>
    tpu.wait_dma2 semaphore(%arg11 : memref<!tpu.dma_semaphore, #tpu.memory_space<semaphore_mem>>) src(%dma_wait3A_279 : memref<128x80xf32, #tpu.memory_space<hbm>>) dst(%arg6 : memref<128x80xf32, #tpu.memory_space<vmem>>)
    %dma_start3A_280 = arith.constant 10 : i32
    %dma_start3A_281 = arith.constant 0 : i32
    %dma_start3A_282 = tpu.memref_slice %arg8[%dma_start3A_280, %dma_start3A_281] : memref<12x128xi32, #tpu.memory_space<vmem>> -> memref<1x128xi32, #tpu.memory_space<vmem>>
    %dma_start3A_283 = tpu.memref_squeeze %dma_start3A_282 : memref<1x128xi32, #tpu.memory_space<vmem>> -> memref<128xi32, #tpu.memory_space<vmem>>
    %dma_start3A_284 = arith.constant 0 : i32
    %dma_start3A_285 = arith.constant 0 : i32
    %dma_start3A_286 = tpu.memref_slice %arg9[%dma_start3A_284, %dma_start3A_285] : memref<192x80xf32, #tpu.memory_space<vmem_shared>> -> memref<192x80xf32, #tpu.memory_space<vmem_shared>>
    tpu.enqueue_indirect_dma source(%arg6 : memref<128x80xf32, #tpu.memory_space<vmem>>) target(%dma_start3A_286 : memref<192x80xf32, #tpu.memory_space<vmem_shared>>) offsets(%dma_start3A_283 : memref<128xi32, #tpu.memory_space<vmem>>) semaphore(%arg14 : memref<!tpu.dma_semaphore, #tpu.memory_space<semaphore_mem>>) {add = true}
    %add3A_287 = arith.constant 1408 : i32
    %add3A_288 = arith.addi %mul3A_10, %add3A_287 : i32
    %dma_wait3A_289 = arith.constant 0 : i32
    %dma_wait3A_290 = tpu.memref_slice %arg2[%add3A_288, %dma_wait3A_289] : memref<49152x80xf32, #tpu.memory_space<hbm>> -> memref<128x80xf32, #tpu.memory_space<hbm>>
    %dma_wait3A_291 = arith.constant 0 : i32
    %dma_wait3A_292 = tpu.memref_slice %arg2[%add3A_288, %dma_wait3A_291] : memref<49152x80xf32, #tpu.memory_space<hbm>> -> memref<128x80xf32, #tpu.memory_space<hbm>>
    tpu.wait_dma2 semaphore(%arg12 : memref<!tpu.dma_semaphore, #tpu.memory_space<semaphore_mem>>) src(%dma_wait3A_292 : memref<128x80xf32, #tpu.memory_space<hbm>>) dst(%arg7 : memref<128x80xf32, #tpu.memory_space<vmem>>)
    %dma_start3A_293 = arith.constant 11 : i32
    %dma_start3A_294 = arith.constant 0 : i32
    %dma_start3A_295 = tpu.memref_slice %arg8[%dma_start3A_293, %dma_start3A_294] : memref<12x128xi32, #tpu.memory_space<vmem>> -> memref<1x128xi32, #tpu.memory_space<vmem>>
    %dma_start3A_296 = tpu.memref_squeeze %dma_start3A_295 : memref<1x128xi32, #tpu.memory_space<vmem>> -> memref<128xi32, #tpu.memory_space<vmem>>
    %dma_start3A_297 = arith.constant 0 : i32
    %dma_start3A_298 = arith.constant 0 : i32
    %dma_start3A_299 = tpu.memref_slice %arg9[%dma_start3A_297, %dma_start3A_298] : memref<192x80xf32, #tpu.memory_space<vmem_shared>> -> memref<192x80xf32, #tpu.memory_space<vmem_shared>>
    tpu.enqueue_indirect_dma source(%arg7 : memref<128x80xf32, #tpu.memory_space<vmem>>) target(%dma_start3A_299 : memref<192x80xf32, #tpu.memory_space<vmem_shared>>) offsets(%dma_start3A_296 : memref<128xi32, #tpu.memory_space<vmem>>) semaphore(%arg15 : memref<!tpu.dma_semaphore, #tpu.memory_space<semaphore_mem>>) {add = true}
    %dma_wait3A_300 = arith.constant 9 : i32
    %dma_wait3A_301 = arith.constant 0 : i32
    %dma_wait3A_302 = tpu.memref_slice %arg8[%dma_wait3A_300, %dma_wait3A_301] : memref<12x128xi32, #tpu.memory_space<vmem>> -> memref<1x128xi32, #tpu.memory_space<vmem>>
    %dma_wait3A_303 = tpu.memref_squeeze %dma_wait3A_302 : memref<1x128xi32, #tpu.memory_space<vmem>> -> memref<128xi32, #tpu.memory_space<vmem>>
    %dma_wait3A_304 = arith.constant 0 : i32
    %dma_wait3A_305 = arith.constant 0 : i32
    %dma_wait3A_306 = tpu.memref_slice %arg9[%dma_wait3A_304, %dma_wait3A_305] : memref<192x80xf32, #tpu.memory_space<vmem_shared>> -> memref<192x80xf32, #tpu.memory_space<vmem_shared>>
    tpu.wait_indirect_dma semaphore(%arg13 : memref<!tpu.dma_semaphore, #tpu.memory_space<semaphore_mem>>) src(%arg5 : memref<128x80xf32, #tpu.memory_space<vmem>>) dst(%dma_wait3A_306 : memref<192x80xf32, #tpu.memory_space<vmem_shared>>)
    %dma_wait3A_307 = arith.constant 10 : i32
    %dma_wait3A_308 = arith.constant 0 : i32
    %dma_wait3A_309 = tpu.memref_slice %arg8[%dma_wait3A_307, %dma_wait3A_308] : memref<12x128xi32, #tpu.memory_space<vmem>> -> memref<1x128xi32, #tpu.memory_space<vmem>>
    %dma_wait3A_310 = tpu.memref_squeeze %dma_wait3A_309 : memref<1x128xi32, #tpu.memory_space<vmem>> -> memref<128xi32, #tpu.memory_space<vmem>>
    %dma_wait3A_311 = arith.constant 0 : i32
    %dma_wait3A_312 = arith.constant 0 : i32
    %dma_wait3A_313 = tpu.memref_slice %arg9[%dma_wait3A_311, %dma_wait3A_312] : memref<192x80xf32, #tpu.memory_space<vmem_shared>> -> memref<192x80xf32, #tpu.memory_space<vmem_shared>>
    tpu.wait_indirect_dma semaphore(%arg14 : memref<!tpu.dma_semaphore, #tpu.memory_space<semaphore_mem>>) src(%arg6 : memref<128x80xf32, #tpu.memory_space<vmem>>) dst(%dma_wait3A_313 : memref<192x80xf32, #tpu.memory_space<vmem_shared>>)
    %dma_wait3A_314 = arith.constant 11 : i32
    %dma_wait3A_315 = arith.constant 0 : i32
    %dma_wait3A_316 = tpu.memref_slice %arg8[%dma_wait3A_314, %dma_wait3A_315] : memref<12x128xi32, #tpu.memory_space<vmem>> -> memref<1x128xi32, #tpu.memory_space<vmem>>
    %dma_wait3A_317 = tpu.memref_squeeze %dma_wait3A_316 : memref<1x128xi32, #tpu.memory_space<vmem>> -> memref<128xi32, #tpu.memory_space<vmem>>
    %dma_wait3A_318 = arith.constant 0 : i32
    %dma_wait3A_319 = arith.constant 0 : i32
    %dma_wait3A_320 = tpu.memref_slice %arg9[%dma_wait3A_318, %dma_wait3A_319] : memref<192x80xf32, #tpu.memory_space<vmem_shared>> -> memref<192x80xf32, #tpu.memory_space<vmem_shared>>
    tpu.wait_indirect_dma semaphore(%arg15 : memref<!tpu.dma_semaphore, #tpu.memory_space<semaphore_mem>>) src(%arg7 : memref<128x80xf32, #tpu.memory_space<vmem>>) dst(%dma_wait3A_320 : memref<192x80xf32, #tpu.memory_space<vmem_shared>>)
    %barrier3A_321 = arith.constant 0 : index
    tpu.barrier barrier_id(%barrier3A_321)
    %lt3A_322 = arith.constant 6 : i32
    %lt3A_323 = arith.cmpi slt, %arg1, %lt3A_322 : i32
    %convert_element_type3A_324 = arith.extui %lt3A_323 : i1 to i32
    %cond3A_325 = arith.constant 0 : i32
    %cond3A_326 = arith.cmpi ne, %convert_element_type3A_324, %cond3A_325 : i32
    scf.if %cond3A_326 {
      %mul3A_327 = arith.constant 32 : i32
      %mul3A_328 = arith.muli %arg1, %mul3A_327 : i32
      %mul3A_329 = arith.constant 32 : i32
      %mul3A_330 = arith.muli %arg1, %mul3A_329 : i32
      "tpu.region"() ({
        %run_scoped3A = tpu.sem_alloc : memref<!tpu.dma_semaphore, #tpu.memory_space<semaphore_mem>>
        %dma_start3A_331 = arith.constant 0 : i32
        %dma_start3A_332 = tpu.memref_slice %arg4[%arg0, %mul3A_330, %dma_start3A_331] : memref<2x192x80xf32, #tpu.memory_space<hbm>> -> memref<1x32x80xf32, #tpu.memory_space<hbm>>
        %dma_start3A_333 = tpu.memref_squeeze %dma_start3A_332 : memref<1x32x80xf32, #tpu.memory_space<hbm>> -> memref<32x80xf32, #tpu.memory_space<hbm>>
        %dma_start3A_334 = arith.constant 0 : i32
        %dma_start3A_335 = tpu.memref_slice %arg9[%mul3A_328, %dma_start3A_334] : memref<192x80xf32, #tpu.memory_space<vmem_shared>> -> memref<32x80xf32, #tpu.memory_space<vmem_shared>>
        tpu.enqueue_dma source(%dma_start3A_335 : memref<32x80xf32, #tpu.memory_space<vmem_shared>>) target(%dma_start3A_333 : memref<32x80xf32, #tpu.memory_space<hbm>>) target_semaphore(%run_scoped3A : memref<!tpu.dma_semaphore, #tpu.memory_space<semaphore_mem>>)
        %dma_wait3A_336 = arith.constant 0 : i32
        %dma_wait3A_337 = tpu.memref_slice %arg4[%arg0, %mul3A_330, %dma_wait3A_336] : memref<2x192x80xf32, #tpu.memory_space<hbm>> -> memref<1x32x80xf32, #tpu.memory_space<hbm>>
        %dma_wait3A_338 = tpu.memref_squeeze %dma_wait3A_337 : memref<1x32x80xf32, #tpu.memory_space<hbm>> -> memref<32x80xf32, #tpu.memory_space<hbm>>
        %dma_wait3A_339 = arith.constant 0 : i32
        %dma_wait3A_340 = tpu.memref_slice %arg9[%mul3A_328, %dma_wait3A_339] : memref<192x80xf32, #tpu.memory_space<vmem_shared>> -> memref<32x80xf32, #tpu.memory_space<vmem_shared>>
        tpu.wait_dma2 semaphore(%run_scoped3A : memref<!tpu.dma_semaphore, #tpu.memory_space<semaphore_mem>>) src(%dma_wait3A_340 : memref<32x80xf32, #tpu.memory_space<vmem_shared>>) dst(%dma_wait3A_338 : memref<32x80xf32, #tpu.memory_space<hbm>>)
        tpu.yield
      }) : () -> ()
    } else {
    }
    return
  }
}

module attributes {stable_mosaic.version = 14 : i64} {
  func.func @_prep_body(%arg0: i32, %arg1: i32, %arg2: memref<1x64x16384xf32, #tpu.memory_space<vmem>>, %arg3: memref<1x16384x80xf32, #tpu.memory_space<vmem>>) attributes {dimension_semantics = [#tpu.dimension_semantics<arbitrary>, #tpu.dimension_semantics<arbitrary>], iteration_bounds = array<i64: 5, 1>, scalar_prefetch = 0 : i64, scratch_operands = 0 : i64, tpu.core_type = #tpu.core_type<tc>, window_params = [{transform_indices = @transform_0, window_bounds = array<i64: 1, 64, 16384>}, {transform_indices = @transform_1, window_bounds = array<i64: 1, 16384, 80>}]} {
    %get3A = arith.constant 0 : index
    %get3A_0 = arith.constant 0 : index
    %get3A_1 = arith.constant 0 : index
    %get3A_2 = vector.load %arg2[%get3A, %get3A_0, %get3A_1] : memref<1x64x16384xf32, #tpu.memory_space<vmem>>, vector<1x64x16384xf32>
    %get3A_3 = vector.shape_cast %get3A_2 : vector<1x64x16384xf32> to vector<64x16384xf32>
    %reduce_sum3A = arith.constant dense<0.000000e+00> : vector<16384xf32>
    %reduce_sum3A_4 = vector.multi_reduction <add>, %get3A_3, %reduce_sum3A [0] : vector<64x16384xf32> to vector<16384xf32>
    %mul3A = arith.constant 1.562500e-02 : f32
    %mul3A_5 = vector.broadcast %mul3A : f32 to vector<16384xf32>
    %mul3A_6 = arith.mulf %reduce_sum3A_4, %mul3A_5 : vector<16384xf32>
    %broadcast_in_dim3A = vector.shape_cast %mul3A_6 : vector<16384xf32> to vector<1x16384xf32>
    %sub3A = vector.broadcast %broadcast_in_dim3A : vector<1x16384xf32> to vector<64x16384xf32>
    %sub3A_7 = arith.subf %get3A_3, %sub3A : vector<64x16384xf32>
    %mul3A_8 = arith.mulf %sub3A_7, %sub3A_7 : vector<64x16384xf32>
    %reduce_sum3A_9 = arith.constant dense<0.000000e+00> : vector<16384xf32>
    %reduce_sum3A_10 = vector.multi_reduction <add>, %mul3A_8, %reduce_sum3A_9 [0] : vector<64x16384xf32> to vector<16384xf32>
    %sqrt3A = math.sqrt %reduce_sum3A_10 : vector<16384xf32>
    %sub3A_11 = arith.constant 5.000000e-01 : f32
    %sub3A_12 = vector.broadcast %sub3A_11 : f32 to vector<16384xf32>
    %sub3A_13 = arith.subf %sqrt3A, %sub3A_12 : vector<16384xf32>
    %max3A = arith.constant 0.000000e+00 : f32
    %max3A_14 = vector.broadcast %max3A : f32 to vector<16384xf32>
    %max3A_15 = arith.maximumf %sub3A_13, %max3A_14 : vector<16384xf32>
    %mul3A_16 = arith.mulf %max3A_15, %max3A_15 : vector<16384xf32>
    %transpose3A = tpu.transpose %get3A_3, [1, 0] : vector<64x16384xf32> -> vector<16384x64xf32>
    %swap3A = arith.constant 0 : index
    %swap3A_17 = arith.constant 0 : index
    %swap3A_18 = arith.constant 0 : index
    %swap3A_19 = vector.load %arg3[%swap3A, %swap3A_17, %swap3A_18] : memref<1x16384x80xf32, #tpu.memory_space<vmem>>, vector<1x16384x64xf32>
    %swap3A_20 = vector.shape_cast %swap3A_19 : vector<1x16384x64xf32> to vector<16384x64xf32>
    %swap3A_21 = vector.shape_cast %transpose3A : vector<16384x64xf32> to vector<1x16384x64xf32>
    tpu.vector_store %arg3[%swap3A, %swap3A_17, %swap3A_18], %swap3A_21 {strides = array<i32>} : memref<1x16384x80xf32, #tpu.memory_space<vmem>>, vector<1x16384x64xf32>,
    %iota3A = tpu.iota {dimensions = array<i32: 1>} : vector<16384x16xi32>
    %eq3A = arith.constant 0 : i32
    %eq3A_22 = vector.broadcast %eq3A : i32 to vector<16384x16xi32>
    %eq3A_23 = arith.cmpi eq, %iota3A, %eq3A_22 : vector<16384x16xi32>
    %broadcast_in_dim3A_24 = vector.shape_cast %mul3A_16 : vector<16384xf32> to vector<16384x1xf32>
    %eq3A_25 = arith.constant 1 : i32
    %eq3A_26 = vector.broadcast %eq3A_25 : i32 to vector<16384x16xi32>
    %eq3A_27 = arith.cmpi eq, %iota3A, %eq3A_26 : vector<16384x16xi32>
    %jit3A = arith.constant 1.000000e+00 : f32
    %jit3A_28 = arith.constant 0.000000e+00 : f32
    %broadcast_in_dim3A_29 = vector.broadcast %jit3A : f32 to vector<16384x16xf32>
    %broadcast_in_dim3A_30 = vector.broadcast %jit3A_28 : f32 to vector<16384x16xf32>
    %select_n3A = arith.select %eq3A_27, %broadcast_in_dim3A_29, %broadcast_in_dim3A_30 : vector<16384x16xi1>, vector<16384x16xf32>
    %broadcast_in_dim3A_31 = vector.shape_cast %broadcast_in_dim3A_24 : vector<16384x1xf32> to vector<16384x1xf32>
    %broadcast_in_dim3A_32 = vector.broadcast %broadcast_in_dim3A_31 : vector<16384x1xf32> to vector<16384x16xf32>
    %select_n3A_33 = arith.select %eq3A_23, %broadcast_in_dim3A_32, %select_n3A : vector<16384x16xi1>, vector<16384x16xf32>
    %swap3A_34 = arith.constant 0 : index
    %swap3A_35 = arith.constant 0 : index
    %swap3A_36 = arith.constant 64 : index
    %swap3A_37 = vector.load %arg3[%swap3A_34, %swap3A_35, %swap3A_36] : memref<1x16384x80xf32, #tpu.memory_space<vmem>>, vector<1x16384x16xf32>
    %swap3A_38 = vector.shape_cast %swap3A_37 : vector<1x16384x16xf32> to vector<16384x16xf32>
    %swap3A_39 = vector.shape_cast %select_n3A_33 : vector<16384x16xf32> to vector<1x16384x16xf32>
    tpu.vector_store %arg3[%swap3A_34, %swap3A_35, %swap3A_36], %swap3A_39 {strides = array<i32>} : memref<1x16384x80xf32, #tpu.memory_space<vmem>>, vector<1x16384x16xf32>,
    return
  }
  func.func @transform_0(%arg0: i32, %arg1: i32) -> (i32, i32, i32) {
    %add3A = arith.constant 0 : i32
    %add3A_0 = arith.addi %arg0, %add3A : i32
    %c0_i32 = arith.constant 0 : i32
    %c0_i32_1 = arith.constant 0 : i32
    return %add3A_0, %c0_i32, %arg1 : i32, i32, i32
  }
  func.func @transform_1(%arg0: i32, %arg1: i32) -> (i32, i32, i32) {
    %c0_i32 = arith.constant 0 : i32
    %c0_i32_0 = arith.constant 0 : i32
    return %arg0, %arg1, %c0_i32 : i32, i32, i32
  }
}

module attributes {stable_mosaic.version = 14 : i64} {
  func.func @_prep_body(%arg0: i32, %arg1: i32, %arg2: memref<1x64x16384xf32, #tpu.memory_space<vmem>>, %arg3: memref<1x16384x80xf32, #tpu.memory_space<vmem>>) attributes {dimension_semantics = [#tpu.dimension_semantics<arbitrary>, #tpu.dimension_semantics<arbitrary>], iteration_bounds = array<i64: 3, 1>, scalar_prefetch = 0 : i64, scratch_operands = 0 : i64, tpu.core_type = #tpu.core_type<tc>, window_params = [{transform_indices = @transform_0, window_bounds = array<i64: 1, 64, 16384>}, {transform_indices = @transform_1, window_bounds = array<i64: 1, 16384, 80>}]} {
    %get3A = arith.constant 0 : index
    %get3A_0 = arith.constant 0 : index
    %get3A_1 = arith.constant 0 : index
    %get3A_2 = vector.load %arg2[%get3A, %get3A_0, %get3A_1] : memref<1x64x16384xf32, #tpu.memory_space<vmem>>, vector<1x64x16384xf32>
    %get3A_3 = vector.shape_cast %get3A_2 : vector<1x64x16384xf32> to vector<64x16384xf32>
    %reduce_sum3A = arith.constant dense<0.000000e+00> : vector<16384xf32>
    %reduce_sum3A_4 = vector.multi_reduction <add>, %get3A_3, %reduce_sum3A [0] : vector<64x16384xf32> to vector<16384xf32>
    %mul3A = arith.constant 1.562500e-02 : f32
    %mul3A_5 = vector.broadcast %mul3A : f32 to vector<16384xf32>
    %mul3A_6 = arith.mulf %reduce_sum3A_4, %mul3A_5 : vector<16384xf32>
    %broadcast_in_dim3A = vector.shape_cast %mul3A_6 : vector<16384xf32> to vector<1x16384xf32>
    %sub3A = vector.broadcast %broadcast_in_dim3A : vector<1x16384xf32> to vector<64x16384xf32>
    %sub3A_7 = arith.subf %get3A_3, %sub3A : vector<64x16384xf32>
    %mul3A_8 = arith.mulf %sub3A_7, %sub3A_7 : vector<64x16384xf32>
    %reduce_sum3A_9 = arith.constant dense<0.000000e+00> : vector<16384xf32>
    %reduce_sum3A_10 = vector.multi_reduction <add>, %mul3A_8, %reduce_sum3A_9 [0] : vector<64x16384xf32> to vector<16384xf32>
    %sqrt3A = math.sqrt %reduce_sum3A_10 : vector<16384xf32>
    %sub3A_11 = arith.constant 5.000000e-01 : f32
    %sub3A_12 = vector.broadcast %sub3A_11 : f32 to vector<16384xf32>
    %sub3A_13 = arith.subf %sqrt3A, %sub3A_12 : vector<16384xf32>
    %max3A = arith.constant 0.000000e+00 : f32
    %max3A_14 = vector.broadcast %max3A : f32 to vector<16384xf32>
    %max3A_15 = arith.maximumf %sub3A_13, %max3A_14 : vector<16384xf32>
    %mul3A_16 = arith.mulf %max3A_15, %max3A_15 : vector<16384xf32>
    %transpose3A = tpu.transpose %get3A_3, [1, 0] : vector<64x16384xf32> -> vector<16384x64xf32>
    %swap3A = arith.constant 0 : index
    %swap3A_17 = arith.constant 0 : index
    %swap3A_18 = arith.constant 0 : index
    %swap3A_19 = vector.load %arg3[%swap3A, %swap3A_17, %swap3A_18] : memref<1x16384x80xf32, #tpu.memory_space<vmem>>, vector<1x16384x64xf32>
    %swap3A_20 = vector.shape_cast %swap3A_19 : vector<1x16384x64xf32> to vector<16384x64xf32>
    %swap3A_21 = vector.shape_cast %transpose3A : vector<16384x64xf32> to vector<1x16384x64xf32>
    tpu.vector_store %arg3[%swap3A, %swap3A_17, %swap3A_18], %swap3A_21 {strides = array<i32>} : memref<1x16384x80xf32, #tpu.memory_space<vmem>>, vector<1x16384x64xf32>,
    %iota3A = tpu.iota {dimensions = array<i32: 1>} : vector<16384x16xi32>
    %eq3A = arith.constant 0 : i32
    %eq3A_22 = vector.broadcast %eq3A : i32 to vector<16384x16xi32>
    %eq3A_23 = arith.cmpi eq, %iota3A, %eq3A_22 : vector<16384x16xi32>
    %broadcast_in_dim3A_24 = vector.shape_cast %mul3A_16 : vector<16384xf32> to vector<16384x1xf32>
    %eq3A_25 = arith.constant 1 : i32
    %eq3A_26 = vector.broadcast %eq3A_25 : i32 to vector<16384x16xi32>
    %eq3A_27 = arith.cmpi eq, %iota3A, %eq3A_26 : vector<16384x16xi32>
    %jit3A = arith.constant 1.000000e+00 : f32
    %jit3A_28 = arith.constant 0.000000e+00 : f32
    %broadcast_in_dim3A_29 = vector.broadcast %jit3A : f32 to vector<16384x16xf32>
    %broadcast_in_dim3A_30 = vector.broadcast %jit3A_28 : f32 to vector<16384x16xf32>
    %select_n3A = arith.select %eq3A_27, %broadcast_in_dim3A_29, %broadcast_in_dim3A_30 : vector<16384x16xi1>, vector<16384x16xf32>
    %broadcast_in_dim3A_31 = vector.shape_cast %broadcast_in_dim3A_24 : vector<16384x1xf32> to vector<16384x1xf32>
    %broadcast_in_dim3A_32 = vector.broadcast %broadcast_in_dim3A_31 : vector<16384x1xf32> to vector<16384x16xf32>
    %select_n3A_33 = arith.select %eq3A_23, %broadcast_in_dim3A_32, %select_n3A : vector<16384x16xi1>, vector<16384x16xf32>
    %swap3A_34 = arith.constant 0 : index
    %swap3A_35 = arith.constant 0 : index
    %swap3A_36 = arith.constant 64 : index
    %swap3A_37 = vector.load %arg3[%swap3A_34, %swap3A_35, %swap3A_36] : memref<1x16384x80xf32, #tpu.memory_space<vmem>>, vector<1x16384x16xf32>
    %swap3A_38 = vector.shape_cast %swap3A_37 : vector<1x16384x16xf32> to vector<16384x16xf32>
    %swap3A_39 = vector.shape_cast %select_n3A_33 : vector<16384x16xf32> to vector<1x16384x16xf32>
    tpu.vector_store %arg3[%swap3A_34, %swap3A_35, %swap3A_36], %swap3A_39 {strides = array<i32>} : memref<1x16384x80xf32, #tpu.memory_space<vmem>>, vector<1x16384x16xf32>,
    return
  }
  func.func @transform_0(%arg0: i32, %arg1: i32) -> (i32, i32, i32) {
    %add3A = arith.constant 5 : i32
    %add3A_0 = arith.addi %arg0, %add3A : i32
    %c0_i32 = arith.constant 0 : i32
    %c0_i32_1 = arith.constant 0 : i32
    return %add3A_0, %c0_i32, %arg1 : i32, i32, i32
  }
  func.func @transform_1(%arg0: i32, %arg1: i32) -> (i32, i32, i32) {
    %c0_i32 = arith.constant 0 : i32
    %c0_i32_0 = arith.constant 0 : i32
    return %arg0, %arg1, %c0_i32 : i32, i32, i32
  }
}

module attributes {stable_mosaic.version = 14 : i64} {
  func.func @_finish_body(%arg0: memref<2x320x80xf32, #tpu.memory_space<vmem>>, %arg1: memref<2x192x80xf32, #tpu.memory_space<vmem>>, %arg2: memref<1x1xf32, #tpu.memory_space<vmem>>) attributes {dimension_semantics = [], scalar_prefetch = 0 : i64, scratch_operands = 0 : i64, tpu.core_type = #tpu.core_type<tc>} {
    %get3A = arith.constant 0 : index
    %get3A_0 = arith.constant 0 : index
    %get3A_1 = arith.constant 0 : index
    %get3A_2 = vector.load %arg0[%get3A, %get3A_0, %get3A_1] : memref<2x320x80xf32, #tpu.memory_space<vmem>>, vector<1x320x80xf32>
    %get3A_3 = vector.shape_cast %get3A_2 : vector<1x320x80xf32> to vector<320x80xf32>
    %get3A_4 = arith.constant 1 : index
    %get3A_5 = arith.constant 0 : index
    %get3A_6 = arith.constant 0 : index
    %get3A_7 = vector.load %arg0[%get3A_4, %get3A_5, %get3A_6] : memref<2x320x80xf32, #tpu.memory_space<vmem>>, vector<1x320x80xf32>
    %get3A_8 = vector.shape_cast %get3A_7 : vector<1x320x80xf32> to vector<320x80xf32>
    %add3A = arith.addf %get3A_3, %get3A_8 : vector<320x80xf32>
    %slice3A = vector.extract_strided_slice %add3A {offsets = [0, 0], sizes = [64, 80], strides = [1, 1]} : vector<320x80xf32> to vector<64x80xf32>
    %slice3A_9 = vector.extract_strided_slice %slice3A {offsets = [0, 0], sizes = [64, 64], strides = [1, 1]} : vector<64x80xf32> to vector<64x64xf32>
    %slice3A_10 = vector.extract_strided_slice %slice3A {offsets = [0, 64], sizes = [64, 1], strides = [1, 1]} : vector<64x80xf32> to vector<64x1xf32>
    %slice3A_11 = vector.extract_strided_slice %slice3A {offsets = [0, 65], sizes = [64, 1], strides = [1, 1]} : vector<64x80xf32> to vector<64x1xf32>
    %div3A = vector.broadcast %slice3A_11 : vector<64x1xf32> to vector<64x64xf32>
    %div3A_12 = arith.divf %slice3A_9, %div3A : vector<64x64xf32>
    %mul3A = arith.mulf %div3A_12, %div3A_12 : vector<64x64xf32>
    %reduce_sum3A = arith.constant dense<0.000000e+00> : vector<64xf32>
    %reduce_sum3A_13 = vector.multi_reduction <add>, %mul3A, %reduce_sum3A [0] : vector<64x64xf32> to vector<64xf32>
    %sqrt3A = math.sqrt %reduce_sum3A_13 : vector<64xf32>
    %reduce_sum3A_14 = vector.shape_cast %sqrt3A : vector<64xf32> to vector<1x64xf32>
    %reduce_sum3A_15 = arith.constant dense<0.000000e+00> : vector<1xf32>
    %reduce_sum3A_16 = vector.multi_reduction <add>, %reduce_sum3A_14, %reduce_sum3A_15 [1] : vector<1x64xf32> to vector<1xf32>
    %reduce_sum3A_17 = vector.shape_cast %reduce_sum3A_16 : vector<1xf32> to vector<1x1xf32>
    %reduce_sum3A_18 = vector.extract %reduce_sum3A_17[0, 0] : f32 from vector<1x1xf32>
    %div3A_19 = arith.constant 6.400000e+01 : f32
    %div3A_20 = arith.divf %reduce_sum3A_18, %div3A_19 : f32
    %div3A_21 = arith.divf %slice3A_10, %slice3A_11 : vector<64x1xf32>
    %reduce_sum3A_22 = vector.shape_cast %div3A_21 : vector<64x1xf32> to vector<1x64x1xf32>
    %reduce_sum3A_23 = arith.constant dense<0.000000e+00> : vector<1xf32>
    %reduce_sum3A_24 = vector.multi_reduction <add>, %reduce_sum3A_22, %reduce_sum3A_23 [1, 2] : vector<1x64x1xf32> to vector<1xf32>
    %reduce_sum3A_25 = vector.shape_cast %reduce_sum3A_24 : vector<1xf32> to vector<1x1x1xf32>
    %reduce_sum3A_26 = vector.extract %reduce_sum3A_25[0, 0, 0] : f32 from vector<1x1x1xf32>
    %div3A_27 = arith.constant 6.400000e+01 : f32
    %div3A_28 = arith.divf %reduce_sum3A_26, %div3A_27 : f32
    %dot_general3A = arith.constant dense<0.000000e+00> : vector<64x64xf32>
    %dot_general3A_29 = tpu.matmul %div3A_12, %div3A_12, %dot_general3A {dimension_numbers = #tpu.dot_dimension_numbers<[0], [0], [1], [1], [0, 1, 1, 1], [], []>, precision = #tpu.contract_precision<fp32>, transpose_lhs_hint = false} : vector<64x64xf32>, vector<64x64xf32>, vector<64x64xf32> -> vector<64x64xf32>
    %mul3A_30 = arith.constant -2.000000e+00 : f32
    %mul3A_31 = vector.broadcast %mul3A_30 : f32 to vector<64x64xf32>
    %mul3A_32 = arith.mulf %mul3A_31, %dot_general3A_29 : vector<64x64xf32>
    %broadcast_in_dim3A = vector.shape_cast %reduce_sum3A_13 : vector<64xf32> to vector<64x1xf32>
    %add3A_33 = vector.broadcast %broadcast_in_dim3A : vector<64x1xf32> to vector<64x64xf32>
    %add3A_34 = arith.addf %mul3A_32, %add3A_33 : vector<64x64xf32>
    %broadcast_in_dim3A_35 = vector.shape_cast %reduce_sum3A_13 : vector<64xf32> to vector<1x64xf32>
    %add3A_36 = vector.broadcast %broadcast_in_dim3A_35 : vector<1x64xf32> to vector<64x64xf32>
    %add3A_37 = arith.addf %add3A_34, %add3A_36 : vector<64x64xf32>
    %max3A = arith.constant 0.000000e+00 : f32
    %max3A_38 = vector.broadcast %max3A : f32 to vector<64x64xf32>
    %max3A_39 = arith.maximumf %add3A_37, %max3A_38 : vector<64x64xf32>
    %sqrt3A_40 = math.sqrt %max3A_39 : vector<64x64xf32>
    %sub3A = arith.constant 3.000000e+00 : f32
    %sub3A_41 = vector.broadcast %sub3A : f32 to vector<64x64xf32>
    %sub3A_42 = arith.subf %sub3A_41, %sqrt3A_40 : vector<64x64xf32>
    %max3A_43 = arith.constant 0.000000e+00 : f32
    %max3A_44 = vector.broadcast %max3A_43 : f32 to vector<64x64xf32>
    %max3A_45 = arith.maximumf %sub3A_42, %max3A_44 : vector<64x64xf32>
    %mul3A_46 = arith.mulf %max3A_45, %max3A_45 : vector<64x64xf32>
    %reduce_sum3A_47 = vector.shape_cast %mul3A_46 : vector<64x64xf32> to vector<1x64x64xf32>
    %reduce_sum3A_48 = arith.constant dense<0.000000e+00> : vector<1xf32>
    %reduce_sum3A_49 = vector.multi_reduction <add>, %reduce_sum3A_47, %reduce_sum3A_48 [1, 2] : vector<1x64x64xf32> to vector<1xf32>
    %reduce_sum3A_50 = vector.shape_cast %reduce_sum3A_49 : vector<1xf32> to vector<1x1x1xf32>
    %reduce_sum3A_51 = vector.extract %reduce_sum3A_50[0, 0, 0] : f32 from vector<1x1x1xf32>
    %div3A_52 = arith.constant 8.064000e+03 : f32
    %div3A_53 = arith.divf %reduce_sum3A_51, %div3A_52 : f32
    %mul3A_54 = arith.constant 1.000000e+00 : f32
    %mul3A_55 = arith.mulf %mul3A_54, %div3A_28 : f32
    %mul3A_56 = arith.constant 1.000000e+00 : f32
    %mul3A_57 = arith.mulf %mul3A_56, %div3A_53 : f32
    %add3A_58 = arith.addf %mul3A_55, %mul3A_57 : f32
    %mul3A_59 = arith.constant 1.000000e-03 : f32
    %mul3A_60 = arith.mulf %mul3A_59, %div3A_20 : f32
    %add3A_61 = arith.addf %add3A_58, %mul3A_60 : f32
    %add3A_62 = arith.constant 0.000000e+00 : f32
    %add3A_63 = arith.addf %add3A_62, %add3A_61 : f32
    %slice3A_64 = vector.extract_strided_slice %add3A {offsets = [64, 0], sizes = [64, 80], strides = [1, 1]} : vector<320x80xf32> to vector<64x80xf32>
    %slice3A_65 = vector.extract_strided_slice %slice3A_64 {offsets = [0, 0], sizes = [64, 64], strides = [1, 1]} : vector<64x80xf32> to vector<64x64xf32>
    %slice3A_66 = vector.extract_strided_slice %slice3A_64 {offsets = [0, 64], sizes = [64, 1], strides = [1, 1]} : vector<64x80xf32> to vector<64x1xf32>
    %slice3A_67 = vector.extract_strided_slice %slice3A_64 {offsets = [0, 65], sizes = [64, 1], strides = [1, 1]} : vector<64x80xf32> to vector<64x1xf32>
    %div3A_68 = vector.broadcast %slice3A_67 : vector<64x1xf32> to vector<64x64xf32>
    %div3A_69 = arith.divf %slice3A_65, %div3A_68 : vector<64x64xf32>
    %mul3A_70 = arith.mulf %div3A_69, %div3A_69 : vector<64x64xf32>
    %reduce_sum3A_71 = arith.constant dense<0.000000e+00> : vector<64xf32>
    %reduce_sum3A_72 = vector.multi_reduction <add>, %mul3A_70, %reduce_sum3A_71 [0] : vector<64x64xf32> to vector<64xf32>
    %sqrt3A_73 = math.sqrt %reduce_sum3A_72 : vector<64xf32>
    %reduce_sum3A_74 = vector.shape_cast %sqrt3A_73 : vector<64xf32> to vector<1x64xf32>
    %reduce_sum3A_75 = arith.constant dense<0.000000e+00> : vector<1xf32>
    %reduce_sum3A_76 = vector.multi_reduction <add>, %reduce_sum3A_74, %reduce_sum3A_75 [1] : vector<1x64xf32> to vector<1xf32>
    %reduce_sum3A_77 = vector.shape_cast %reduce_sum3A_76 : vector<1xf32> to vector<1x1xf32>
    %reduce_sum3A_78 = vector.extract %reduce_sum3A_77[0, 0] : f32 from vector<1x1xf32>
    %div3A_79 = arith.constant 6.400000e+01 : f32
    %div3A_80 = arith.divf %reduce_sum3A_78, %div3A_79 : f32
    %div3A_81 = arith.divf %slice3A_66, %slice3A_67 : vector<64x1xf32>
    %reduce_sum3A_82 = vector.shape_cast %div3A_81 : vector<64x1xf32> to vector<1x64x1xf32>
    %reduce_sum3A_83 = arith.constant dense<0.000000e+00> : vector<1xf32>
    %reduce_sum3A_84 = vector.multi_reduction <add>, %reduce_sum3A_82, %reduce_sum3A_83 [1, 2] : vector<1x64x1xf32> to vector<1xf32>
    %reduce_sum3A_85 = vector.shape_cast %reduce_sum3A_84 : vector<1xf32> to vector<1x1x1xf32>
    %reduce_sum3A_86 = vector.extract %reduce_sum3A_85[0, 0, 0] : f32 from vector<1x1x1xf32>
    %div3A_87 = arith.constant 6.400000e+01 : f32
    %div3A_88 = arith.divf %reduce_sum3A_86, %div3A_87 : f32
    %dot_general3A_89 = arith.constant dense<0.000000e+00> : vector<64x64xf32>
    %dot_general3A_90 = tpu.matmul %div3A_69, %div3A_69, %dot_general3A_89 {dimension_numbers = #tpu.dot_dimension_numbers<[0], [0], [1], [1], [0, 1, 1, 1], [], []>, precision = #tpu.contract_precision<fp32>, transpose_lhs_hint = false} : vector<64x64xf32>, vector<64x64xf32>, vector<64x64xf32> -> vector<64x64xf32>
    %mul3A_91 = arith.constant -2.000000e+00 : f32
    %mul3A_92 = vector.broadcast %mul3A_91 : f32 to vector<64x64xf32>
    %mul3A_93 = arith.mulf %mul3A_92, %dot_general3A_90 : vector<64x64xf32>
    %broadcast_in_dim3A_94 = vector.shape_cast %reduce_sum3A_72 : vector<64xf32> to vector<64x1xf32>
    %add3A_95 = vector.broadcast %broadcast_in_dim3A_94 : vector<64x1xf32> to vector<64x64xf32>
    %add3A_96 = arith.addf %mul3A_93, %add3A_95 : vector<64x64xf32>
    %broadcast_in_dim3A_97 = vector.shape_cast %reduce_sum3A_72 : vector<64xf32> to vector<1x64xf32>
    %add3A_98 = vector.broadcast %broadcast_in_dim3A_97 : vector<1x64xf32> to vector<64x64xf32>
    %add3A_99 = arith.addf %add3A_96, %add3A_98 : vector<64x64xf32>
    %max3A_100 = arith.constant 0.000000e+00 : f32
    %max3A_101 = vector.broadcast %max3A_100 : f32 to vector<64x64xf32>
    %max3A_102 = arith.maximumf %add3A_99, %max3A_101 : vector<64x64xf32>
    %sqrt3A_103 = math.sqrt %max3A_102 : vector<64x64xf32>
    %sub3A_104 = arith.constant 3.000000e+00 : f32
    %sub3A_105 = vector.broadcast %sub3A_104 : f32 to vector<64x64xf32>
    %sub3A_106 = arith.subf %sub3A_105, %sqrt3A_103 : vector<64x64xf32>
    %max3A_107 = arith.constant 0.000000e+00 : f32
    %max3A_108 = vector.broadcast %max3A_107 : f32 to vector<64x64xf32>
    %max3A_109 = arith.maximumf %sub3A_106, %max3A_108 : vector<64x64xf32>
    %mul3A_110 = arith.mulf %max3A_109, %max3A_109 : vector<64x64xf32>
    %reduce_sum3A_111 = vector.shape_cast %mul3A_110 : vector<64x64xf32> to vector<1x64x64xf32>
    %reduce_sum3A_112 = arith.constant dense<0.000000e+00> : vector<1xf32>
    %reduce_sum3A_113 = vector.multi_reduction <add>, %reduce_sum3A_111, %reduce_sum3A_112 [1, 2] : vector<1x64x64xf32> to vector<1xf32>
    %reduce_sum3A_114 = vector.shape_cast %reduce_sum3A_113 : vector<1xf32> to vector<1x1x1xf32>
    %reduce_sum3A_115 = vector.extract %reduce_sum3A_114[0, 0, 0] : f32 from vector<1x1x1xf32>
    %div3A_116 = arith.constant 8.064000e+03 : f32
    %div3A_117 = arith.divf %reduce_sum3A_115, %div3A_116 : f32
    %mul3A_118 = arith.constant 1.000000e+00 : f32
    %mul3A_119 = arith.mulf %mul3A_118, %div3A_88 : f32
    %mul3A_120 = arith.constant 1.000000e+00 : f32
    %mul3A_121 = arith.mulf %mul3A_120, %div3A_117 : f32
    %add3A_122 = arith.addf %mul3A_119, %mul3A_121 : f32
    %mul3A_123 = arith.constant 1.000000e-03 : f32
    %mul3A_124 = arith.mulf %mul3A_123, %div3A_80 : f32
    %add3A_125 = arith.addf %add3A_122, %mul3A_124 : f32
    %add3A_126 = arith.addf %add3A_63, %add3A_125 : f32
    %slice3A_127 = vector.extract_strided_slice %add3A {offsets = [128, 0], sizes = [64, 80], strides = [1, 1]} : vector<320x80xf32> to vector<64x80xf32>
    %slice3A_128 = vector.extract_strided_slice %slice3A_127 {offsets = [0, 0], sizes = [64, 64], strides = [1, 1]} : vector<64x80xf32> to vector<64x64xf32>
    %slice3A_129 = vector.extract_strided_slice %slice3A_127 {offsets = [0, 64], sizes = [64, 1], strides = [1, 1]} : vector<64x80xf32> to vector<64x1xf32>
    %slice3A_130 = vector.extract_strided_slice %slice3A_127 {offsets = [0, 65], sizes = [64, 1], strides = [1, 1]} : vector<64x80xf32> to vector<64x1xf32>
    %div3A_131 = vector.broadcast %slice3A_130 : vector<64x1xf32> to vector<64x64xf32>
    %div3A_132 = arith.divf %slice3A_128, %div3A_131 : vector<64x64xf32>
    %mul3A_133 = arith.mulf %div3A_132, %div3A_132 : vector<64x64xf32>
    %reduce_sum3A_134 = arith.constant dense<0.000000e+00> : vector<64xf32>
    %reduce_sum3A_135 = vector.multi_reduction <add>, %mul3A_133, %reduce_sum3A_134 [0] : vector<64x64xf32> to vector<64xf32>
    %sqrt3A_136 = math.sqrt %reduce_sum3A_135 : vector<64xf32>
    %reduce_sum3A_137 = vector.shape_cast %sqrt3A_136 : vector<64xf32> to vector<1x64xf32>
    %reduce_sum3A_138 = arith.constant dense<0.000000e+00> : vector<1xf32>
    %reduce_sum3A_139 = vector.multi_reduction <add>, %reduce_sum3A_137, %reduce_sum3A_138 [1] : vector<1x64xf32> to vector<1xf32>
    %reduce_sum3A_140 = vector.shape_cast %reduce_sum3A_139 : vector<1xf32> to vector<1x1xf32>
    %reduce_sum3A_141 = vector.extract %reduce_sum3A_140[0, 0] : f32 from vector<1x1xf32>
    %div3A_142 = arith.constant 6.400000e+01 : f32
    %div3A_143 = arith.divf %reduce_sum3A_141, %div3A_142 : f32
    %div3A_144 = arith.divf %slice3A_129, %slice3A_130 : vector<64x1xf32>
    %reduce_sum3A_145 = vector.shape_cast %div3A_144 : vector<64x1xf32> to vector<1x64x1xf32>
    %reduce_sum3A_146 = arith.constant dense<0.000000e+00> : vector<1xf32>
    %reduce_sum3A_147 = vector.multi_reduction <add>, %reduce_sum3A_145, %reduce_sum3A_146 [1, 2] : vector<1x64x1xf32> to vector<1xf32>
    %reduce_sum3A_148 = vector.shape_cast %reduce_sum3A_147 : vector<1xf32> to vector<1x1x1xf32>
    %reduce_sum3A_149 = vector.extract %reduce_sum3A_148[0, 0, 0] : f32 from vector<1x1x1xf32>
    %div3A_150 = arith.constant 6.400000e+01 : f32
    %div3A_151 = arith.divf %reduce_sum3A_149, %div3A_150 : f32
    %dot_general3A_152 = arith.constant dense<0.000000e+00> : vector<64x64xf32>
    %dot_general3A_153 = tpu.matmul %div3A_132, %div3A_132, %dot_general3A_152 {dimension_numbers = #tpu.dot_dimension_numbers<[0], [0], [1], [1], [0, 1, 1, 1], [], []>, precision = #tpu.contract_precision<fp32>, transpose_lhs_hint = false} : vector<64x64xf32>, vector<64x64xf32>, vector<64x64xf32> -> vector<64x64xf32>
    %mul3A_154 = arith.constant -2.000000e+00 : f32
    %mul3A_155 = vector.broadcast %mul3A_154 : f32 to vector<64x64xf32>
    %mul3A_156 = arith.mulf %mul3A_155, %dot_general3A_153 : vector<64x64xf32>
    %broadcast_in_dim3A_157 = vector.shape_cast %reduce_sum3A_135 : vector<64xf32> to vector<64x1xf32>
    %add3A_158 = vector.broadcast %broadcast_in_dim3A_157 : vector<64x1xf32> to vector<64x64xf32>
    %add3A_159 = arith.addf %mul3A_156, %add3A_158 : vector<64x64xf32>
    %broadcast_in_dim3A_160 = vector.shape_cast %reduce_sum3A_135 : vector<64xf32> to vector<1x64xf32>
    %add3A_161 = vector.broadcast %broadcast_in_dim3A_160 : vector<1x64xf32> to vector<64x64xf32>
    %add3A_162 = arith.addf %add3A_159, %add3A_161 : vector<64x64xf32>
    %max3A_163 = arith.constant 0.000000e+00 : f32
    %max3A_164 = vector.broadcast %max3A_163 : f32 to vector<64x64xf32>
    %max3A_165 = arith.maximumf %add3A_162, %max3A_164 : vector<64x64xf32>
    %sqrt3A_166 = math.sqrt %max3A_165 : vector<64x64xf32>
    %sub3A_167 = arith.constant 3.000000e+00 : f32
    %sub3A_168 = vector.broadcast %sub3A_167 : f32 to vector<64x64xf32>
    %sub3A_169 = arith.subf %sub3A_168, %sqrt3A_166 : vector<64x64xf32>
    %max3A_170 = arith.constant 0.000000e+00 : f32
    %max3A_171 = vector.broadcast %max3A_170 : f32 to vector<64x64xf32>
    %max3A_172 = arith.maximumf %sub3A_169, %max3A_171 : vector<64x64xf32>
    %mul3A_173 = arith.mulf %max3A_172, %max3A_172 : vector<64x64xf32>
    %reduce_sum3A_174 = vector.shape_cast %mul3A_173 : vector<64x64xf32> to vector<1x64x64xf32>
    %reduce_sum3A_175 = arith.constant dense<0.000000e+00> : vector<1xf32>
    %reduce_sum3A_176 = vector.multi_reduction <add>, %reduce_sum3A_174, %reduce_sum3A_175 [1, 2] : vector<1x64x64xf32> to vector<1xf32>
    %reduce_sum3A_177 = vector.shape_cast %reduce_sum3A_176 : vector<1xf32> to vector<1x1x1xf32>
    %reduce_sum3A_178 = vector.extract %reduce_sum3A_177[0, 0, 0] : f32 from vector<1x1x1xf32>
    %div3A_179 = arith.constant 8.064000e+03 : f32
    %div3A_180 = arith.divf %reduce_sum3A_178, %div3A_179 : f32
    %mul3A_181 = arith.constant 1.000000e+00 : f32
    %mul3A_182 = arith.mulf %mul3A_181, %div3A_151 : f32
    %mul3A_183 = arith.constant 1.000000e+00 : f32
    %mul3A_184 = arith.mulf %mul3A_183, %div3A_180 : f32
    %add3A_185 = arith.addf %mul3A_182, %mul3A_184 : f32
    %mul3A_186 = arith.constant 1.000000e-03 : f32
    %mul3A_187 = arith.mulf %mul3A_186, %div3A_143 : f32
    %add3A_188 = arith.addf %add3A_185, %mul3A_187 : f32
    %add3A_189 = arith.addf %add3A_126, %add3A_188 : f32
    %slice3A_190 = vector.extract_strided_slice %add3A {offsets = [192, 0], sizes = [64, 80], strides = [1, 1]} : vector<320x80xf32> to vector<64x80xf32>
    %slice3A_191 = vector.extract_strided_slice %slice3A_190 {offsets = [0, 0], sizes = [64, 64], strides = [1, 1]} : vector<64x80xf32> to vector<64x64xf32>
    %slice3A_192 = vector.extract_strided_slice %slice3A_190 {offsets = [0, 64], sizes = [64, 1], strides = [1, 1]} : vector<64x80xf32> to vector<64x1xf32>
    %slice3A_193 = vector.extract_strided_slice %slice3A_190 {offsets = [0, 65], sizes = [64, 1], strides = [1, 1]} : vector<64x80xf32> to vector<64x1xf32>
    %div3A_194 = vector.broadcast %slice3A_193 : vector<64x1xf32> to vector<64x64xf32>
    %div3A_195 = arith.divf %slice3A_191, %div3A_194 : vector<64x64xf32>
    %mul3A_196 = arith.mulf %div3A_195, %div3A_195 : vector<64x64xf32>
    %reduce_sum3A_197 = arith.constant dense<0.000000e+00> : vector<64xf32>
    %reduce_sum3A_198 = vector.multi_reduction <add>, %mul3A_196, %reduce_sum3A_197 [0] : vector<64x64xf32> to vector<64xf32>
    %sqrt3A_199 = math.sqrt %reduce_sum3A_198 : vector<64xf32>
    %reduce_sum3A_200 = vector.shape_cast %sqrt3A_199 : vector<64xf32> to vector<1x64xf32>
    %reduce_sum3A_201 = arith.constant dense<0.000000e+00> : vector<1xf32>
    %reduce_sum3A_202 = vector.multi_reduction <add>, %reduce_sum3A_200, %reduce_sum3A_201 [1] : vector<1x64xf32> to vector<1xf32>
    %reduce_sum3A_203 = vector.shape_cast %reduce_sum3A_202 : vector<1xf32> to vector<1x1xf32>
    %reduce_sum3A_204 = vector.extract %reduce_sum3A_203[0, 0] : f32 from vector<1x1xf32>
    %div3A_205 = arith.constant 6.400000e+01 : f32
    %div3A_206 = arith.divf %reduce_sum3A_204, %div3A_205 : f32
    %div3A_207 = arith.divf %slice3A_192, %slice3A_193 : vector<64x1xf32>
    %reduce_sum3A_208 = vector.shape_cast %div3A_207 : vector<64x1xf32> to vector<1x64x1xf32>
    %reduce_sum3A_209 = arith.constant dense<0.000000e+00> : vector<1xf32>
    %reduce_sum3A_210 = vector.multi_reduction <add>, %reduce_sum3A_208, %reduce_sum3A_209 [1, 2] : vector<1x64x1xf32> to vector<1xf32>
    %reduce_sum3A_211 = vector.shape_cast %reduce_sum3A_210 : vector<1xf32> to vector<1x1x1xf32>
    %reduce_sum3A_212 = vector.extract %reduce_sum3A_211[0, 0, 0] : f32 from vector<1x1x1xf32>
    %div3A_213 = arith.constant 6.400000e+01 : f32
    %div3A_214 = arith.divf %reduce_sum3A_212, %div3A_213 : f32
    %dot_general3A_215 = arith.constant dense<0.000000e+00> : vector<64x64xf32>
    %dot_general3A_216 = tpu.matmul %div3A_195, %div3A_195, %dot_general3A_215 {dimension_numbers = #tpu.dot_dimension_numbers<[0], [0], [1], [1], [0, 1, 1, 1], [], []>, precision = #tpu.contract_precision<fp32>, transpose_lhs_hint = false} : vector<64x64xf32>, vector<64x64xf32>, vector<64x64xf32> -> vector<64x64xf32>
    %mul3A_217 = arith.constant -2.000000e+00 : f32
    %mul3A_218 = vector.broadcast %mul3A_217 : f32 to vector<64x64xf32>
    %mul3A_219 = arith.mulf %mul3A_218, %dot_general3A_216 : vector<64x64xf32>
    %broadcast_in_dim3A_220 = vector.shape_cast %reduce_sum3A_198 : vector<64xf32> to vector<64x1xf32>
    %add3A_221 = vector.broadcast %broadcast_in_dim3A_220 : vector<64x1xf32> to vector<64x64xf32>
    %add3A_222 = arith.addf %mul3A_219, %add3A_221 : vector<64x64xf32>
    %broadcast_in_dim3A_223 = vector.shape_cast %reduce_sum3A_198 : vector<64xf32> to vector<1x64xf32>
    %add3A_224 = vector.broadcast %broadcast_in_dim3A_223 : vector<1x64xf32> to vector<64x64xf32>
    %add3A_225 = arith.addf %add3A_222, %add3A_224 : vector<64x64xf32>
    %max3A_226 = arith.constant 0.000000e+00 : f32
    %max3A_227 = vector.broadcast %max3A_226 : f32 to vector<64x64xf32>
    %max3A_228 = arith.maximumf %add3A_225, %max3A_227 : vector<64x64xf32>
    %sqrt3A_229 = math.sqrt %max3A_228 : vector<64x64xf32>
    %sub3A_230 = arith.constant 3.000000e+00 : f32
    %sub3A_231 = vector.broadcast %sub3A_230 : f32 to vector<64x64xf32>
    %sub3A_232 = arith.subf %sub3A_231, %sqrt3A_229 : vector<64x64xf32>
    %max3A_233 = arith.constant 0.000000e+00 : f32
    %max3A_234 = vector.broadcast %max3A_233 : f32 to vector<64x64xf32>
    %max3A_235 = arith.maximumf %sub3A_232, %max3A_234 : vector<64x64xf32>
    %mul3A_236 = arith.mulf %max3A_235, %max3A_235 : vector<64x64xf32>
    %reduce_sum3A_237 = vector.shape_cast %mul3A_236 : vector<64x64xf32> to vector<1x64x64xf32>
    %reduce_sum3A_238 = arith.constant dense<0.000000e+00> : vector<1xf32>
    %reduce_sum3A_239 = vector.multi_reduction <add>, %reduce_sum3A_237, %reduce_sum3A_238 [1, 2] : vector<1x64x64xf32> to vector<1xf32>
    %reduce_sum3A_240 = vector.shape_cast %reduce_sum3A_239 : vector<1xf32> to vector<1x1x1xf32>
    %reduce_sum3A_241 = vector.extract %reduce_sum3A_240[0, 0, 0] : f32 from vector<1x1x1xf32>
    %div3A_242 = arith.constant 8.064000e+03 : f32
    %div3A_243 = arith.divf %reduce_sum3A_241, %div3A_242 : f32
    %mul3A_244 = arith.constant 1.000000e+00 : f32
    %mul3A_245 = arith.mulf %mul3A_244, %div3A_214 : f32
    %mul3A_246 = arith.constant 1.000000e+00 : f32
    %mul3A_247 = arith.mulf %mul3A_246, %div3A_243 : f32
    %add3A_248 = arith.addf %mul3A_245, %mul3A_247 : f32
    %mul3A_249 = arith.constant 1.000000e-03 : f32
    %mul3A_250 = arith.mulf %mul3A_249, %div3A_206 : f32
    %add3A_251 = arith.addf %add3A_248, %mul3A_250 : f32
    %add3A_252 = arith.addf %add3A_189, %add3A_251 : f32
    %slice3A_253 = vector.extract_strided_slice %add3A {offsets = [256, 0], sizes = [64, 80], strides = [1, 1]} : vector<320x80xf32> to vector<64x80xf32>
    %slice3A_254 = vector.extract_strided_slice %slice3A_253 {offsets = [0, 0], sizes = [64, 64], strides = [1, 1]} : vector<64x80xf32> to vector<64x64xf32>
    %slice3A_255 = vector.extract_strided_slice %slice3A_253 {offsets = [0, 64], sizes = [64, 1], strides = [1, 1]} : vector<64x80xf32> to vector<64x1xf32>
    %slice3A_256 = vector.extract_strided_slice %slice3A_253 {offsets = [0, 65], sizes = [64, 1], strides = [1, 1]} : vector<64x80xf32> to vector<64x1xf32>
    %div3A_257 = vector.broadcast %slice3A_256 : vector<64x1xf32> to vector<64x64xf32>
    %div3A_258 = arith.divf %slice3A_254, %div3A_257 : vector<64x64xf32>
    %mul3A_259 = arith.mulf %div3A_258, %div3A_258 : vector<64x64xf32>
    %reduce_sum3A_260 = arith.constant dense<0.000000e+00> : vector<64xf32>
    %reduce_sum3A_261 = vector.multi_reduction <add>, %mul3A_259, %reduce_sum3A_260 [0] : vector<64x64xf32> to vector<64xf32>
    %sqrt3A_262 = math.sqrt %reduce_sum3A_261 : vector<64xf32>
    %reduce_sum3A_263 = vector.shape_cast %sqrt3A_262 : vector<64xf32> to vector<1x64xf32>
    %reduce_sum3A_264 = arith.constant dense<0.000000e+00> : vector<1xf32>
    %reduce_sum3A_265 = vector.multi_reduction <add>, %reduce_sum3A_263, %reduce_sum3A_264 [1] : vector<1x64xf32> to vector<1xf32>
    %reduce_sum3A_266 = vector.shape_cast %reduce_sum3A_265 : vector<1xf32> to vector<1x1xf32>
    %reduce_sum3A_267 = vector.extract %reduce_sum3A_266[0, 0] : f32 from vector<1x1xf32>
    %div3A_268 = arith.constant 6.400000e+01 : f32
    %div3A_269 = arith.divf %reduce_sum3A_267, %div3A_268 : f32
    %div3A_270 = arith.divf %slice3A_255, %slice3A_256 : vector<64x1xf32>
    %reduce_sum3A_271 = vector.shape_cast %div3A_270 : vector<64x1xf32> to vector<1x64x1xf32>
    %reduce_sum3A_272 = arith.constant dense<0.000000e+00> : vector<1xf32>
    %reduce_sum3A_273 = vector.multi_reduction <add>, %reduce_sum3A_271, %reduce_sum3A_272 [1, 2] : vector<1x64x1xf32> to vector<1xf32>
    %reduce_sum3A_274 = vector.shape_cast %reduce_sum3A_273 : vector<1xf32> to vector<1x1x1xf32>
    %reduce_sum3A_275 = vector.extract %reduce_sum3A_274[0, 0, 0] : f32 from vector<1x1x1xf32>
    %div3A_276 = arith.constant 6.400000e+01 : f32
    %div3A_277 = arith.divf %reduce_sum3A_275, %div3A_276 : f32
    %dot_general3A_278 = arith.constant dense<0.000000e+00> : vector<64x64xf32>
    %dot_general3A_279 = tpu.matmul %div3A_258, %div3A_258, %dot_general3A_278 {dimension_numbers = #tpu.dot_dimension_numbers<[0], [0], [1], [1], [0, 1, 1, 1], [], []>, precision = #tpu.contract_precision<fp32>, transpose_lhs_hint = false} : vector<64x64xf32>, vector<64x64xf32>, vector<64x64xf32> -> vector<64x64xf32>
    %mul3A_280 = arith.constant -2.000000e+00 : f32
    %mul3A_281 = vector.broadcast %mul3A_280 : f32 to vector<64x64xf32>
    %mul3A_282 = arith.mulf %mul3A_281, %dot_general3A_279 : vector<64x64xf32>
    %broadcast_in_dim3A_283 = vector.shape_cast %reduce_sum3A_261 : vector<64xf32> to vector<64x1xf32>
    %add3A_284 = vector.broadcast %broadcast_in_dim3A_283 : vector<64x1xf32> to vector<64x64xf32>
    %add3A_285 = arith.addf %mul3A_282, %add3A_284 : vector<64x64xf32>
    %broadcast_in_dim3A_286 = vector.shape_cast %reduce_sum3A_261 : vector<64xf32> to vector<1x64xf32>
    %add3A_287 = vector.broadcast %broadcast_in_dim3A_286 : vector<1x64xf32> to vector<64x64xf32>
    %add3A_288 = arith.addf %add3A_285, %add3A_287 : vector<64x64xf32>
    %max3A_289 = arith.constant 0.000000e+00 : f32
    %max3A_290 = vector.broadcast %max3A_289 : f32 to vector<64x64xf32>
    %max3A_291 = arith.maximumf %add3A_288, %max3A_290 : vector<64x64xf32>
    %sqrt3A_292 = math.sqrt %max3A_291 : vector<64x64xf32>
    %sub3A_293 = arith.constant 3.000000e+00 : f32
    %sub3A_294 = vector.broadcast %sub3A_293 : f32 to vector<64x64xf32>
    %sub3A_295 = arith.subf %sub3A_294, %sqrt3A_292 : vector<64x64xf32>
    %max3A_296 = arith.constant 0.000000e+00 : f32
    %max3A_297 = vector.broadcast %max3A_296 : f32 to vector<64x64xf32>
    %max3A_298 = arith.maximumf %sub3A_295, %max3A_297 : vector<64x64xf32>
    %mul3A_299 = arith.mulf %max3A_298, %max3A_298 : vector<64x64xf32>
    %reduce_sum3A_300 = vector.shape_cast %mul3A_299 : vector<64x64xf32> to vector<1x64x64xf32>
    %reduce_sum3A_301 = arith.constant dense<0.000000e+00> : vector<1xf32>
    %reduce_sum3A_302 = vector.multi_reduction <add>, %reduce_sum3A_300, %reduce_sum3A_301 [1, 2] : vector<1x64x64xf32> to vector<1xf32>
    %reduce_sum3A_303 = vector.shape_cast %reduce_sum3A_302 : vector<1xf32> to vector<1x1x1xf32>
    %reduce_sum3A_304 = vector.extract %reduce_sum3A_303[0, 0, 0] : f32 from vector<1x1x1xf32>
    %div3A_305 = arith.constant 8.064000e+03 : f32
    %div3A_306 = arith.divf %reduce_sum3A_304, %div3A_305 : f32
    %mul3A_307 = arith.constant 1.000000e+00 : f32
    %mul3A_308 = arith.mulf %mul3A_307, %div3A_277 : f32
    %mul3A_309 = arith.constant 1.000000e+00 : f32
    %mul3A_310 = arith.mulf %mul3A_309, %div3A_306 : f32
    %add3A_311 = arith.addf %mul3A_308, %mul3A_310 : f32
    %mul3A_312 = arith.constant 1.000000e-03 : f32
    %mul3A_313 = arith.mulf %mul3A_312, %div3A_269 : f32
    %add3A_314 = arith.addf %add3A_311, %mul3A_313 : f32
    %add3A_315 = arith.addf %add3A_252, %add3A_314 : f32
    %get3A_316 = arith.constant 0 : index
    %get3A_317 = arith.constant 0 : index
    %get3A_318 = arith.constant 0 : index
    %get3A_319 = vector.load %arg1[%get3A_316, %get3A_317, %get3A_318] : memref<2x192x80xf32, #tpu.memory_space<vmem>>, vector<1x192x80xf32>
    %get3A_320 = vector.shape_cast %get3A_319 : vector<1x192x80xf32> to vector<192x80xf32>
    %get3A_321 = arith.constant 1 : index
    %get3A_322 = arith.constant 0 : index
    %get3A_323 = arith.constant 0 : index
    %get3A_324 = vector.load %arg1[%get3A_321, %get3A_322, %get3A_323] : memref<2x192x80xf32, #tpu.memory_space<vmem>>, vector<1x192x80xf32>
    %get3A_325 = vector.shape_cast %get3A_324 : vector<1x192x80xf32> to vector<192x80xf32>
    %add3A_326 = arith.addf %get3A_320, %get3A_325 : vector<192x80xf32>
    %slice3A_327 = vector.extract_strided_slice %add3A_326 {offsets = [0, 0], sizes = [64, 80], strides = [1, 1]} : vector<192x80xf32> to vector<64x80xf32>
    %slice3A_328 = vector.extract_strided_slice %slice3A_327 {offsets = [0, 0], sizes = [64, 64], strides = [1, 1]} : vector<64x80xf32> to vector<64x64xf32>
    %slice3A_329 = vector.extract_strided_slice %slice3A_327 {offsets = [0, 64], sizes = [64, 1], strides = [1, 1]} : vector<64x80xf32> to vector<64x1xf32>
    %slice3A_330 = vector.extract_strided_slice %slice3A_327 {offsets = [0, 65], sizes = [64, 1], strides = [1, 1]} : vector<64x80xf32> to vector<64x1xf32>
    %div3A_331 = vector.broadcast %slice3A_330 : vector<64x1xf32> to vector<64x64xf32>
    %div3A_332 = arith.divf %slice3A_328, %div3A_331 : vector<64x64xf32>
    %mul3A_333 = arith.mulf %div3A_332, %div3A_332 : vector<64x64xf32>
    %reduce_sum3A_334 = arith.constant dense<0.000000e+00> : vector<64xf32>
    %reduce_sum3A_335 = vector.multi_reduction <add>, %mul3A_333, %reduce_sum3A_334 [0] : vector<64x64xf32> to vector<64xf32>
    %sqrt3A_336 = math.sqrt %reduce_sum3A_335 : vector<64xf32>
    %reduce_sum3A_337 = vector.shape_cast %sqrt3A_336 : vector<64xf32> to vector<1x64xf32>
    %reduce_sum3A_338 = arith.constant dense<0.000000e+00> : vector<1xf32>
    %reduce_sum3A_339 = vector.multi_reduction <add>, %reduce_sum3A_337, %reduce_sum3A_338 [1] : vector<1x64xf32> to vector<1xf32>
    %reduce_sum3A_340 = vector.shape_cast %reduce_sum3A_339 : vector<1xf32> to vector<1x1xf32>
    %reduce_sum3A_341 = vector.extract %reduce_sum3A_340[0, 0] : f32 from vector<1x1xf32>
    %div3A_342 = arith.constant 6.400000e+01 : f32
    %div3A_343 = arith.divf %reduce_sum3A_341, %div3A_342 : f32
    %div3A_344 = arith.divf %slice3A_329, %slice3A_330 : vector<64x1xf32>
    %reduce_sum3A_345 = vector.shape_cast %div3A_344 : vector<64x1xf32> to vector<1x64x1xf32>
    %reduce_sum3A_346 = arith.constant dense<0.000000e+00> : vector<1xf32>
    %reduce_sum3A_347 = vector.multi_reduction <add>, %reduce_sum3A_345, %reduce_sum3A_346 [1, 2] : vector<1x64x1xf32> to vector<1xf32>
    %reduce_sum3A_348 = vector.shape_cast %reduce_sum3A_347 : vector<1xf32> to vector<1x1x1xf32>
    %reduce_sum3A_349 = vector.extract %reduce_sum3A_348[0, 0, 0] : f32 from vector<1x1x1xf32>
    %div3A_350 = arith.constant 6.400000e+01 : f32
    %div3A_351 = arith.divf %reduce_sum3A_349, %div3A_350 : f32
    %dot_general3A_352 = arith.constant dense<0.000000e+00> : vector<64x64xf32>
    %dot_general3A_353 = tpu.matmul %div3A_332, %div3A_332, %dot_general3A_352 {dimension_numbers = #tpu.dot_dimension_numbers<[0], [0], [1], [1], [0, 1, 1, 1], [], []>, precision = #tpu.contract_precision<fp32>, transpose_lhs_hint = false} : vector<64x64xf32>, vector<64x64xf32>, vector<64x64xf32> -> vector<64x64xf32>
    %mul3A_354 = arith.constant -2.000000e+00 : f32
    %mul3A_355 = vector.broadcast %mul3A_354 : f32 to vector<64x64xf32>
    %mul3A_356 = arith.mulf %mul3A_355, %dot_general3A_353 : vector<64x64xf32>
    %broadcast_in_dim3A_357 = vector.shape_cast %reduce_sum3A_335 : vector<64xf32> to vector<64x1xf32>
    %add3A_358 = vector.broadcast %broadcast_in_dim3A_357 : vector<64x1xf32> to vector<64x64xf32>
    %add3A_359 = arith.addf %mul3A_356, %add3A_358 : vector<64x64xf32>
    %broadcast_in_dim3A_360 = vector.shape_cast %reduce_sum3A_335 : vector<64xf32> to vector<1x64xf32>
    %add3A_361 = vector.broadcast %broadcast_in_dim3A_360 : vector<1x64xf32> to vector<64x64xf32>
    %add3A_362 = arith.addf %add3A_359, %add3A_361 : vector<64x64xf32>
    %max3A_363 = arith.constant 0.000000e+00 : f32
    %max3A_364 = vector.broadcast %max3A_363 : f32 to vector<64x64xf32>
    %max3A_365 = arith.maximumf %add3A_362, %max3A_364 : vector<64x64xf32>
    %sqrt3A_366 = math.sqrt %max3A_365 : vector<64x64xf32>
    %sub3A_367 = arith.constant 3.000000e+00 : f32
    %sub3A_368 = vector.broadcast %sub3A_367 : f32 to vector<64x64xf32>
    %sub3A_369 = arith.subf %sub3A_368, %sqrt3A_366 : vector<64x64xf32>
    %max3A_370 = arith.constant 0.000000e+00 : f32
    %max3A_371 = vector.broadcast %max3A_370 : f32 to vector<64x64xf32>
    %max3A_372 = arith.maximumf %sub3A_369, %max3A_371 : vector<64x64xf32>
    %mul3A_373 = arith.mulf %max3A_372, %max3A_372 : vector<64x64xf32>
    %reduce_sum3A_374 = vector.shape_cast %mul3A_373 : vector<64x64xf32> to vector<1x64x64xf32>
    %reduce_sum3A_375 = arith.constant dense<0.000000e+00> : vector<1xf32>
    %reduce_sum3A_376 = vector.multi_reduction <add>, %reduce_sum3A_374, %reduce_sum3A_375 [1, 2] : vector<1x64x64xf32> to vector<1xf32>
    %reduce_sum3A_377 = vector.shape_cast %reduce_sum3A_376 : vector<1xf32> to vector<1x1x1xf32>
    %reduce_sum3A_378 = vector.extract %reduce_sum3A_377[0, 0, 0] : f32 from vector<1x1x1xf32>
    %div3A_379 = arith.constant 8.064000e+03 : f32
    %div3A_380 = arith.divf %reduce_sum3A_378, %div3A_379 : f32
    %mul3A_381 = arith.constant 1.000000e+00 : f32
    %mul3A_382 = arith.mulf %mul3A_381, %div3A_351 : f32
    %mul3A_383 = arith.constant 1.000000e+00 : f32
    %mul3A_384 = arith.mulf %mul3A_383, %div3A_380 : f32
    %add3A_385 = arith.addf %mul3A_382, %mul3A_384 : f32
    %mul3A_386 = arith.constant 1.000000e-03 : f32
    %mul3A_387 = arith.mulf %mul3A_386, %div3A_343 : f32
    %add3A_388 = arith.addf %add3A_385, %mul3A_387 : f32
    %add3A_389 = arith.addf %add3A_315, %add3A_388 : f32
    %slice3A_390 = vector.extract_strided_slice %add3A_326 {offsets = [64, 0], sizes = [64, 80], strides = [1, 1]} : vector<192x80xf32> to vector<64x80xf32>
    %slice3A_391 = vector.extract_strided_slice %slice3A_390 {offsets = [0, 0], sizes = [64, 64], strides = [1, 1]} : vector<64x80xf32> to vector<64x64xf32>
    %slice3A_392 = vector.extract_strided_slice %slice3A_390 {offsets = [0, 64], sizes = [64, 1], strides = [1, 1]} : vector<64x80xf32> to vector<64x1xf32>
    %slice3A_393 = vector.extract_strided_slice %slice3A_390 {offsets = [0, 65], sizes = [64, 1], strides = [1, 1]} : vector<64x80xf32> to vector<64x1xf32>
    %div3A_394 = vector.broadcast %slice3A_393 : vector<64x1xf32> to vector<64x64xf32>
    %div3A_395 = arith.divf %slice3A_391, %div3A_394 : vector<64x64xf32>
    %mul3A_396 = arith.mulf %div3A_395, %div3A_395 : vector<64x64xf32>
    %reduce_sum3A_397 = arith.constant dense<0.000000e+00> : vector<64xf32>
    %reduce_sum3A_398 = vector.multi_reduction <add>, %mul3A_396, %reduce_sum3A_397 [0] : vector<64x64xf32> to vector<64xf32>
    %sqrt3A_399 = math.sqrt %reduce_sum3A_398 : vector<64xf32>
    %reduce_sum3A_400 = vector.shape_cast %sqrt3A_399 : vector<64xf32> to vector<1x64xf32>
    %reduce_sum3A_401 = arith.constant dense<0.000000e+00> : vector<1xf32>
    %reduce_sum3A_402 = vector.multi_reduction <add>, %reduce_sum3A_400, %reduce_sum3A_401 [1] : vector<1x64xf32> to vector<1xf32>
    %reduce_sum3A_403 = vector.shape_cast %reduce_sum3A_402 : vector<1xf32> to vector<1x1xf32>
    %reduce_sum3A_404 = vector.extract %reduce_sum3A_403[0, 0] : f32 from vector<1x1xf32>
    %div3A_405 = arith.constant 6.400000e+01 : f32
    %div3A_406 = arith.divf %reduce_sum3A_404, %div3A_405 : f32
    %div3A_407 = arith.divf %slice3A_392, %slice3A_393 : vector<64x1xf32>
    %reduce_sum3A_408 = vector.shape_cast %div3A_407 : vector<64x1xf32> to vector<1x64x1xf32>
    %reduce_sum3A_409 = arith.constant dense<0.000000e+00> : vector<1xf32>
    %reduce_sum3A_410 = vector.multi_reduction <add>, %reduce_sum3A_408, %reduce_sum3A_409 [1, 2] : vector<1x64x1xf32> to vector<1xf32>
    %reduce_sum3A_411 = vector.shape_cast %reduce_sum3A_410 : vector<1xf32> to vector<1x1x1xf32>
    %reduce_sum3A_412 = vector.extract %reduce_sum3A_411[0, 0, 0] : f32 from vector<1x1x1xf32>
    %div3A_413 = arith.constant 6.400000e+01 : f32
    %div3A_414 = arith.divf %reduce_sum3A_412, %div3A_413 : f32
    %dot_general3A_415 = arith.constant dense<0.000000e+00> : vector<64x64xf32>
    %dot_general3A_416 = tpu.matmul %div3A_395, %div3A_395, %dot_general3A_415 {dimension_numbers = #tpu.dot_dimension_numbers<[0], [0], [1], [1], [0, 1, 1, 1], [], []>, precision = #tpu.contract_precision<fp32>, transpose_lhs_hint = false} : vector<64x64xf32>, vector<64x64xf32>, vector<64x64xf32> -> vector<64x64xf32>
    %mul3A_417 = arith.constant -2.000000e+00 : f32
    %mul3A_418 = vector.broadcast %mul3A_417 : f32 to vector<64x64xf32>
    %mul3A_419 = arith.mulf %mul3A_418, %dot_general3A_416 : vector<64x64xf32>
    %broadcast_in_dim3A_420 = vector.shape_cast %reduce_sum3A_398 : vector<64xf32> to vector<64x1xf32>
    %add3A_421 = vector.broadcast %broadcast_in_dim3A_420 : vector<64x1xf32> to vector<64x64xf32>
    %add3A_422 = arith.addf %mul3A_419, %add3A_421 : vector<64x64xf32>
    %broadcast_in_dim3A_423 = vector.shape_cast %reduce_sum3A_398 : vector<64xf32> to vector<1x64xf32>
    %add3A_424 = vector.broadcast %broadcast_in_dim3A_423 : vector<1x64xf32> to vector<64x64xf32>
    %add3A_425 = arith.addf %add3A_422, %add3A_424 : vector<64x64xf32>
    %max3A_426 = arith.constant 0.000000e+00 : f32
    %max3A_427 = vector.broadcast %max3A_426 : f32 to vector<64x64xf32>
    %max3A_428 = arith.maximumf %add3A_425, %max3A_427 : vector<64x64xf32>
    %sqrt3A_429 = math.sqrt %max3A_428 : vector<64x64xf32>
    %sub3A_430 = arith.constant 3.000000e+00 : f32
    %sub3A_431 = vector.broadcast %sub3A_430 : f32 to vector<64x64xf32>
    %sub3A_432 = arith.subf %sub3A_431, %sqrt3A_429 : vector<64x64xf32>
    %max3A_433 = arith.constant 0.000000e+00 : f32
    %max3A_434 = vector.broadcast %max3A_433 : f32 to vector<64x64xf32>
    %max3A_435 = arith.maximumf %sub3A_432, %max3A_434 : vector<64x64xf32>
    %mul3A_436 = arith.mulf %max3A_435, %max3A_435 : vector<64x64xf32>
    %reduce_sum3A_437 = vector.shape_cast %mul3A_436 : vector<64x64xf32> to vector<1x64x64xf32>
    %reduce_sum3A_438 = arith.constant dense<0.000000e+00> : vector<1xf32>
    %reduce_sum3A_439 = vector.multi_reduction <add>, %reduce_sum3A_437, %reduce_sum3A_438 [1, 2] : vector<1x64x64xf32> to vector<1xf32>
    %reduce_sum3A_440 = vector.shape_cast %reduce_sum3A_439 : vector<1xf32> to vector<1x1x1xf32>
    %reduce_sum3A_441 = vector.extract %reduce_sum3A_440[0, 0, 0] : f32 from vector<1x1x1xf32>
    %div3A_442 = arith.constant 8.064000e+03 : f32
    %div3A_443 = arith.divf %reduce_sum3A_441, %div3A_442 : f32
    %mul3A_444 = arith.constant 1.000000e+00 : f32
    %mul3A_445 = arith.mulf %mul3A_444, %div3A_414 : f32
    %mul3A_446 = arith.constant 1.000000e+00 : f32
    %mul3A_447 = arith.mulf %mul3A_446, %div3A_443 : f32
    %add3A_448 = arith.addf %mul3A_445, %mul3A_447 : f32
    %mul3A_449 = arith.constant 1.000000e-03 : f32
    %mul3A_450 = arith.mulf %mul3A_449, %div3A_406 : f32
    %add3A_451 = arith.addf %add3A_448, %mul3A_450 : f32
    %add3A_452 = arith.addf %add3A_389, %add3A_451 : f32
    %slice3A_453 = vector.extract_strided_slice %add3A_326 {offsets = [128, 0], sizes = [64, 80], strides = [1, 1]} : vector<192x80xf32> to vector<64x80xf32>
    %slice3A_454 = vector.extract_strided_slice %slice3A_453 {offsets = [0, 0], sizes = [64, 64], strides = [1, 1]} : vector<64x80xf32> to vector<64x64xf32>
    %slice3A_455 = vector.extract_strided_slice %slice3A_453 {offsets = [0, 64], sizes = [64, 1], strides = [1, 1]} : vector<64x80xf32> to vector<64x1xf32>
    %slice3A_456 = vector.extract_strided_slice %slice3A_453 {offsets = [0, 65], sizes = [64, 1], strides = [1, 1]} : vector<64x80xf32> to vector<64x1xf32>
    %div3A_457 = vector.broadcast %slice3A_456 : vector<64x1xf32> to vector<64x64xf32>
    %div3A_458 = arith.divf %slice3A_454, %div3A_457 : vector<64x64xf32>
    %mul3A_459 = arith.mulf %div3A_458, %div3A_458 : vector<64x64xf32>
    %reduce_sum3A_460 = arith.constant dense<0.000000e+00> : vector<64xf32>
    %reduce_sum3A_461 = vector.multi_reduction <add>, %mul3A_459, %reduce_sum3A_460 [0] : vector<64x64xf32> to vector<64xf32>
    %sqrt3A_462 = math.sqrt %reduce_sum3A_461 : vector<64xf32>
    %reduce_sum3A_463 = vector.shape_cast %sqrt3A_462 : vector<64xf32> to vector<1x64xf32>
    %reduce_sum3A_464 = arith.constant dense<0.000000e+00> : vector<1xf32>
    %reduce_sum3A_465 = vector.multi_reduction <add>, %reduce_sum3A_463, %reduce_sum3A_464 [1] : vector<1x64xf32> to vector<1xf32>
    %reduce_sum3A_466 = vector.shape_cast %reduce_sum3A_465 : vector<1xf32> to vector<1x1xf32>
    %reduce_sum3A_467 = vector.extract %reduce_sum3A_466[0, 0] : f32 from vector<1x1xf32>
    %div3A_468 = arith.constant 6.400000e+01 : f32
    %div3A_469 = arith.divf %reduce_sum3A_467, %div3A_468 : f32
    %div3A_470 = arith.divf %slice3A_455, %slice3A_456 : vector<64x1xf32>
    %reduce_sum3A_471 = vector.shape_cast %div3A_470 : vector<64x1xf32> to vector<1x64x1xf32>
    %reduce_sum3A_472 = arith.constant dense<0.000000e+00> : vector<1xf32>
    %reduce_sum3A_473 = vector.multi_reduction <add>, %reduce_sum3A_471, %reduce_sum3A_472 [1, 2] : vector<1x64x1xf32> to vector<1xf32>
    %reduce_sum3A_474 = vector.shape_cast %reduce_sum3A_473 : vector<1xf32> to vector<1x1x1xf32>
    %reduce_sum3A_475 = vector.extract %reduce_sum3A_474[0, 0, 0] : f32 from vector<1x1x1xf32>
    %div3A_476 = arith.constant 6.400000e+01 : f32
    %div3A_477 = arith.divf %reduce_sum3A_475, %div3A_476 : f32
    %dot_general3A_478 = arith.constant dense<0.000000e+00> : vector<64x64xf32>
    %dot_general3A_479 = tpu.matmul %div3A_458, %div3A_458, %dot_general3A_478 {dimension_numbers = #tpu.dot_dimension_numbers<[0], [0], [1], [1], [0, 1, 1, 1], [], []>, precision = #tpu.contract_precision<fp32>, transpose_lhs_hint = false} : vector<64x64xf32>, vector<64x64xf32>, vector<64x64xf32> -> vector<64x64xf32>
    %mul3A_480 = arith.constant -2.000000e+00 : f32
    %mul3A_481 = vector.broadcast %mul3A_480 : f32 to vector<64x64xf32>
    %mul3A_482 = arith.mulf %mul3A_481, %dot_general3A_479 : vector<64x64xf32>
    %broadcast_in_dim3A_483 = vector.shape_cast %reduce_sum3A_461 : vector<64xf32> to vector<64x1xf32>
    %add3A_484 = vector.broadcast %broadcast_in_dim3A_483 : vector<64x1xf32> to vector<64x64xf32>
    %add3A_485 = arith.addf %mul3A_482, %add3A_484 : vector<64x64xf32>
    %broadcast_in_dim3A_486 = vector.shape_cast %reduce_sum3A_461 : vector<64xf32> to vector<1x64xf32>
    %add3A_487 = vector.broadcast %broadcast_in_dim3A_486 : vector<1x64xf32> to vector<64x64xf32>
    %add3A_488 = arith.addf %add3A_485, %add3A_487 : vector<64x64xf32>
    %max3A_489 = arith.constant 0.000000e+00 : f32
    %max3A_490 = vector.broadcast %max3A_489 : f32 to vector<64x64xf32>
    %max3A_491 = arith.maximumf %add3A_488, %max3A_490 : vector<64x64xf32>
    %sqrt3A_492 = math.sqrt %max3A_491 : vector<64x64xf32>
    %sub3A_493 = arith.constant 3.000000e+00 : f32
    %sub3A_494 = vector.broadcast %sub3A_493 : f32 to vector<64x64xf32>
    %sub3A_495 = arith.subf %sub3A_494, %sqrt3A_492 : vector<64x64xf32>
    %max3A_496 = arith.constant 0.000000e+00 : f32
    %max3A_497 = vector.broadcast %max3A_496 : f32 to vector<64x64xf32>
    %max3A_498 = arith.maximumf %sub3A_495, %max3A_497 : vector<64x64xf32>
    %mul3A_499 = arith.mulf %max3A_498, %max3A_498 : vector<64x64xf32>
    %reduce_sum3A_500 = vector.shape_cast %mul3A_499 : vector<64x64xf32> to vector<1x64x64xf32>
    %reduce_sum3A_501 = arith.constant dense<0.000000e+00> : vector<1xf32>
    %reduce_sum3A_502 = vector.multi_reduction <add>, %reduce_sum3A_500, %reduce_sum3A_501 [1, 2] : vector<1x64x64xf32> to vector<1xf32>
    %reduce_sum3A_503 = vector.shape_cast %reduce_sum3A_502 : vector<1xf32> to vector<1x1x1xf32>
    %reduce_sum3A_504 = vector.extract %reduce_sum3A_503[0, 0, 0] : f32 from vector<1x1x1xf32>
    %div3A_505 = arith.constant 8.064000e+03 : f32
    %div3A_506 = arith.divf %reduce_sum3A_504, %div3A_505 : f32
    %mul3A_507 = arith.constant 1.000000e+00 : f32
    %mul3A_508 = arith.mulf %mul3A_507, %div3A_477 : f32
    %mul3A_509 = arith.constant 1.000000e+00 : f32
    %mul3A_510 = arith.mulf %mul3A_509, %div3A_506 : f32
    %add3A_511 = arith.addf %mul3A_508, %mul3A_510 : f32
    %mul3A_512 = arith.constant 1.000000e-03 : f32
    %mul3A_513 = arith.mulf %mul3A_512, %div3A_469 : f32
    %add3A_514 = arith.addf %add3A_511, %mul3A_513 : f32
    %add3A_515 = arith.addf %add3A_452, %add3A_514 : f32
    %reshape3A = vector.broadcast %add3A_515 : f32 to vector<1x1xf32>
    %swap3A = arith.constant 0 : index
    %swap3A_516 = arith.constant 0 : index
    %swap3A_517 = vector.load %arg2[%swap3A, %swap3A_516] : memref<1x1xf32, #tpu.memory_space<vmem>>, vector<1x1xf32>
    tpu.vector_store %arg2[%swap3A, %swap3A_516], %reshape3A {strides = array<i32>} : memref<1x1xf32, #tpu.memory_space<vmem>>, vector<1x1xf32>,
    return
  }
}

</mosaic_0001>

<sc_bundles>
// kernel: kernel.10.cloned.1.call-start
scs
__scs_entry_jumppad:
0x0: {  	(pc) =	sbr.rel $0x88, $3  }
0x1: {  	(tag) =	ssettag $0x0;
	lr =	simm.s32 $0x1  }
0x2: {  	[smem:$0x3F9F] =	sst lr;
	_ =	strace $0xD0000000  }
0x3: {  	_ = 	snop  }
0x4: {  	_ = 	snop  }
0x5: {  	_ = 	snop  }
0x6: {  	_ = 	snop  }
0x7: {  	_ = 	snop  }
__scs_overlays_trampoline_lowered:
0x8: {  	[smem:$0x3FAE] =	sst s0  }
0x9: {  	[smem:$0x3FAF] =	sst s1  }
0xa: {  	[smem:$0x3FB0] =	sst s2  }
0xb: {  	[smem:$0x3FB1] =	sst s3  }
0xc: {  	[smem:$0x3FB2] =	sst s4  }
0xd: {  	[smem:$0x3FB3] =	sst s5  }
0xe: {  	[smem:$0x3FB4] =	sst s6  }
0xf: {  	[smem:$0x3FB5] =	sst s7  }
0x10: {  	[smem:$0x3FB6] =	sst s8  }
0x11: {  	[smem:$0x3FB7] =	sst s9;
	s0 =	simm.s32 @!p0 $0x0  }
0x12: {  	s1 =	sld [smem:$0x3F9D];
	s0 =	simm.s32 @p0 $0x1  }
0x13: {  	[smem:$0x3FB8] =	sst s0;
	s0 =	simm.s32 @!p1 $0x0  }
0x14: {  	s2 =	sld [smem:$0x3F9C];
	s0 =	simm.s32 @p1 $0x1  }
0x15: {  	[smem:$0x3FB9] =	sst s0;
	s0 =	simm.s32 @!p2 $0x0  }
0x16: {  	s3 =	sld [smem:$0x3FDB];
	s0 =	simm.s32 @p2 $0x1  }
0x17: {  	s4 =	simm.s32 $0x1BF5;
	[smem:$0x3FBB] =	sst s0  }
0x18: {  	s0 =	sld [smem:$0x3F9E];
	_ =	swait.ge [sflag:s4], $0x0  }
0x19: {  	s7 =	sld [smem:$0x3F9F]  }
0x1a: {  	s8 =	sadd.s32 $0xFFFFE003, lr  }
0x1b: {  	s9 =	sadd.s32 $0xFFFFFEF7, lr;
	s5 =	simm.s32 $0xFFFFFFFF;
	p2 =	slt.u32 s8, $0xFFFFF086  }
0x1c: {  	p1 =	slt.u32 s9, $0xF7A;
	s5 =	simm.s32 @!p2 $0x0  }
0x1d: {  	s5 =	simm.s32 @p1 $0x1;
	p0 =	seq.s32 s7, s2  }
0x1e: {  	s7 =	smul.u32 @!p0 $0xF7A, s2;
	p2 =	seq.s32 @!p0 s5, $0x0  }
0x1f: {  	s9 =	smul.u32 $0xF7A, s1;
	s8 =	simm.s32 @!p0 $0x1BF5;
	p2 =	por !p2, p0  }
0x20: {  	[sflag:s8] =	ssyncset.s32 @!p0 $0xFFFFF086;
	s6 =	sadd.s32 @!p0 s3, s7;
	s7 =	simm.s32 @!p0 $0x108  }
0x21: {  	s3 =	sadd.s32 s3, s9;
	s6 =	sadd.s32 @!p0 $0x88, s6;
	s7 =	simm.s32 @p2 $0x1082  }
0x22: {  	[simem:s7], [sflag:s8] =	dma.local @!p0 [hbm:s6], $0xF7A  }
0x23: {  	s9 =	sor.u32 $0xD0000000, s2;
	s6 =	simm.s32 $0x108;
	_ =	swait.ge @!p0 [sflag:s8], $0x0  }
0x24: {  	s3 =	sadd.s32 $0x88, s3;
	s6 =	simm.s32 @!p1 $0x1082;
	[sflag:s4] =	ssyncset.s32 $0xFFFFF086  }
0x25: {  	[simem:s6], [sflag:s4] =	dma.local [hbm:s3], $0xF7A  }
0x26: {  	[smem:$0x3F9F] =	sst s1;
	(tag) =	ssettag s2;
	_ =	strace s9  }
0x27: {  	s1 =	sld [smem:$0x3FAF]  }
0x28: {  	s2 =	sld [smem:$0x3FB0]  }
0x29: {  	s4 =	sld [smem:$0x3FB2]  }
0x2a: {  	p0 =	seq.s32 s5, $0x0;
	s5 =	sld [smem:$0x3FB3]  }
0x2b: {  	s6 =	sld [smem:$0x3FB4]  }
0x2c: {  	s7 =	sld [smem:$0x3FB5]  }
0x2d: {  	s3 =	simm.s32 $0x108;
	s8 =	sld [smem:$0x3FB6]  }
0x2e: {  	s3 =	simm.s32 @!p0 $0x1082;
	s9 =	sld [smem:$0x3FB7]  }
0x2f: {  	lr =	sadd.s32 s0, s3;
	s0 =	sld [smem:$0x3FAE]  }
0x30: {  	s3 =	sld [smem:$0x3FB1]  }
0x31: {  	[smem:$0x3FBA] =	sst s10  }
0x32: {  	s10 =	sld [smem:$0x3FB8];
	_ =	sdelay $0x3  }
0x33: {  	p0 =	seq.s32 s10, $0x1;
	s10 =	sld [smem:$0x3FBA];
	_ =	sdelay $0x3  }
0x34: {  	[smem:$0x3FBA] =	sst s10  }
0x35: {  	s10 =	sld [smem:$0x3FB9];
	_ =	sdelay $0x3  }
0x36: {  	p1 =	seq.s32 s10, $0x1;
	s10 =	sld [smem:$0x3FBA];
	_ =	sdelay $0x3  }
0x37: {  	[smem:$0x3FBA] =	sst s10  }
0x38: {  	s10 =	sld [smem:$0x3FBB]  }
0x39: {  	_ = 	snop;
	(pc) =	sbr.ind lr, $3  }
0x3a: {  	_ = 	snop  }
0x3b: {  	_ = 	snop  }
0x3c: {  	p2 =	seq.s32 s10, $0x1;
	s10 =	sld [smem:$0x3FBA]  }
0x3d: {  	_ =	shalt  }
0x3e: {  	_ =	shalt  }
0x3f: {  	_ =	shalt  }
0x40: {  	_ =	shalt  }
0x41: {  	_ =	shalt  }
0x42: {  	_ =	shalt  }
0x43: {  	_ =	shalt  }
0x44: {  	_ =	shalt  }
0x45: {  	_ =	shalt  }
0x46: {  	_ =	shalt  }
0x47: {  	_ =	shalt  }
0x48: {  	_ =	shalt  }
0x49: {  	_ =	shalt  }
0x4a: {  	_ =	shalt  }
0x4b: {  	_ =	shalt  }
0x4c: {  	_ =	shalt  }
0x4d: {  	_ =	shalt  }
0x4e: {  	_ =	shalt  }
0x4f: {  	_ =	shalt  }
0x50: {  	_ =	shalt  }
0x51: {  	_ =	shalt  }
0x52: {  	_ =	shalt  }
0x53: {  	_ =	shalt  }
0x54: {  	_ =	shalt  }
0x55: {  	_ =	shalt  }
0x56: {  	_ =	shalt  }
0x57: {  	_ =	shalt  }
0x58: {  	_ =	shalt  }
0x59: {  	_ =	shalt  }
0x5a: {  	_ =	shalt  }
0x5b: {  	_ =	shalt  }
0x5c: {  	_ =	shalt  }
0x5d: {  	_ =	shalt  }
0x5e: {  	_ =	shalt  }
0x5f: {  	_ =	shalt  }
0x60: {  	_ =	shalt  }
0x61: {  	_ =	shalt  }
0x62: {  	_ =	shalt  }
0x63: {  	_ =	shalt  }
0x64: {  	_ =	shalt  }
0x65: {  	_ =	shalt  }
0x66: {  	_ =	shalt  }
0x67: {  	_ =	shalt  }
0x68: {  	_ =	shalt  }
0x69: {  	_ =	shalt  }
0x6a: {  	_ =	shalt  }
0x6b: {  	_ =	shalt  }
0x6c: {  	_ =	shalt  }
0x6d: {  	_ =	shalt  }
0x6e: {  	_ =	shalt  }
0x6f: {  	_ =	shalt  }
0x70: {  	_ =	shalt  }
0x71: {  	_ =	shalt  }
0x72: {  	_ =	shalt  }
0x73: {  	_ =	shalt  }
0x74: {  	_ =	shalt  }
0x75: {  	_ =	shalt  }
0x76: {  	_ =	shalt  }
0x77: {  	_ =	shalt  }
0x78: {  	_ =	shalt  }
0x79: {  	_ =	shalt  }
0x7a: {  	_ =	shalt  }
0x7b: {  	_ =	shalt  }
0x7c: {  	_ =	shalt  }
0x7d: {  	_ =	shalt  }
0x7e: {  	_ =	shalt  }
0x7f: {  	_ =	shalt  }
0x80: {  	_ =	shalt  }
0x81: {  	_ =	shalt  }
0x82: {  	_ =	shalt  }
0x83: {  	_ =	shalt  }
0x84: {  	_ =	shalt  }
0x85: {  	_ =	shalt  }
0x86: {  	_ =	shalt  }
0x87: {  	_ =	shalt  }
.Lfunc_end0:
.L_simem_size_0:
called_computation.1_lowered:
.L_overlay_start_0:
0x88: {  	s2 =	sld [smem:$0x3FD9]  }
0x89: {  	s3 =	sld [smem:$0x3FFE];
	_ =	sdelay $0x1  }
0x8a: {  	s1 =	srdreg.scid  }
0x8b: {  	s0 =	sand.u32 $0x1, s1  }
0x8c: {  	s17 =	sshll.u32 s0, $0xA;
	s2 =	sadd.s32 s3, s2  }
0x8d: {  	s2 =	sadd.s32 s2, s17  }
0x8e: {  	[smem:$0x3FC6] =	sst s2  }
0x8f: {  	_ = 	snop  }
0x90: {  	(tm) =	ssettm $0x1  }
0x91: {  	s18 =	sld [smem:$0x3FFB];
	_ =	sdelay $0x3  }
0x92: {  	_ =	strace s18  }
0x93: {  	s2 =	sld [smem:$0x3FFC];
	_ =	sdelay $0x3  }
0x94: {  	_ =	strace s2  }
0x95: {  	s2 =	sld [smem:$0x3FFD];
	_ =	sdelay $0x3  }
0x96: {  	_ =	strace s2  }
0x97: {  	_ =	strace $0x8FFFFFFF  }
0x98: {  	s19 =	sld [smem:$0x3FDB];
	_ =	sdelay $0x1  }
0x99: {  	s20 =	simm.s32 $_scs_section_size  }
0x9a: {  	s4 =	simm.s32 $_size__tile_overlayer_lowered;
	s5 =	simm.s32 $_tile_overlayer_lowered  }
0x9b: {  	s6 =	simm.s32 $0x1BFF;
	s21 =	sshll.u32 s5, $0x1;
	s3 =	sadd.s32 s20, s19  }
0x9c: {  	s22 =	simm.s32 $0x0;
	s4 =	sshll.u32 s4, $0x1;
	s5 =	sadd.s32 s21, s3  }
0x9d: {  	[timem:s22], [sflag:s6] =	dma.local [hbm:s5], s4  }
0x9e: {  	_ =	swait.ge [sflag:s6], s4  }
0x9f: {  	s4 =	ssub.s32 $0x0, s4;
	[sflag:s6] =	ssyncset.done $0x0  }
0xa0: {  	[sflag:s6] =	ssyncadd.s32 s4;
	_ =	sdelay $0x1  }
0xa1: {  	s23 =	simm.s32 $0x1B8B  }
0xa2: {  	_ =	swait.ge [sflag:s23], $0x1  }
0xa3: {  	[sflag:s23] =	ssyncset.done $0x0  }
0xa4: {  	[sflag:s23] =	ssyncadd.s32 $0xFFFFFFFF  }
0xa5: {  	s4 =	sld [smem:$0x0]  }
0xa6: {  	s5 =	sand.u32 $0xFFFFFFFE, s1  }
0xa7: {  	p0 =	sne.s32 s1, s5  }
0xa8: {  	s5 =	sshll.u32 @p0 s5, $0xE  }
0xa9: {  	s5 =	sadd.s32 @p0 $0x11B8D, s5;
	s6 =	sshll.u32 @p0 s4, $0x11  }
0xaa: {  	s5 =	sor.u32 @p0 s6, s5  }
0xab: {  	[sflag:s5] =	ssyncadd.remote.s32 @p0 $0x1;
	_ =	sdelay $0x1  }
0xac: {  	s5 =	simm.s32 @p0 $0x1B8D  }
0xad: {  	_ =	swait.eq @p0 [sflag:s5], $0x1  }
0xae: {  	[sflag:s5] =	ssyncadd.s32 @p0 $0xFFFFFFFF  }
0xaf: {  	s6 =	sshll.u32 @!p0 s1, $0xE  }
0xb0: {  	s6 =	sor.u32 @!p0 $0x4000, s6;
	s5 =	simm.s32 @!p0 $0x1B8D  }
0xb1: {  	s4 =	sshll.u32 @!p0 s4, $0x11;
	s6 =	sadd.s32 @!p0 $0x11B8D, s6;
	_ =	swait.eq @!p0 [sflag:s5], $0x1  }
0xb2: {  	s4 =	sor.u32 @!p0 s4, s6;
	[sflag:s5] =	ssyncadd.s32 @!p0 $0xFFFFFFFF  }
0xb3: {  	s25 =	simm.s32 $0x1B8E;
	s24 =	sld [smem:$0x3FFE];
	[sflag:s4] =	ssyncadd.remote.s32 @!p0 $0x1  }
0xb4: {  	s26 =	simm.s32 $execute0_lowered;
	[smem:$0x3FD2] =	sst s25  }
0xb5: {  	s5 =	sshll.u32 s26, $0x1;
	_ =	strace $0x80000049;
	[dreg:$0x1] =	wrdreg $0xFFFFFFFF  }
0xb6: {  	s28 =	simm.s32 $_size_execute0_lowered;
	s3 =	sadd.s32 s3, s5;
	[dreg:$0x0] =	wrdreg $0x0  }
0xb7: {  	s5 =	sshll.u32 s28, $0x1;
	[dreg:$0x2] =	wrdreg s3  }
0xb8: {  	[dreg:$0x3] =	wrdreg s5  }
0xb9: {  	[dreg:$0x4] =	wrdreg $0xC0  }
0xba: {  	_ =	task [dreg:s22], $0x5FFFF  }
0xbb: {  	[dreg:$0x1] =	wrdreg $0xFFFFFFFF  }
0xbc: {  	[dreg:$0x0] =	wrdreg $0x60  }
0xbd: {  	[dreg:$0x2] =	wrdreg s24  }
0xbe: {  	[dreg:$0x3] =	wrdreg $0xC8000  }
0xbf: {  	[dreg:$0x4] =	wrdreg $0xA  }
0xc0: {  	_ =	task.clear_ibuf [dreg:s22], $0x5FFFF;
	_ =	strace $0x90000049  }
0xc1: {  	s29 =	simm.s32 $0xA;
	_ =	strace $0x8000004B  }
0xc2: {  	_ =	swait.ge [sflag:s29], $0x1  }
0xc3: {  	[sflag:s29] =	ssyncadd.s32 $0xFFFFFFFF  }
0xc4: {  	_ =	strace $0x9000004B  }
0xc5: {  	_ =	sfence  }
0xc6: {  	s30 =	sld [smem:$0x0];
	_ =	sdelay $0x2  }
0xc7: {  	s31 =	sshll.u32 s1, $0xD;
	s1 =	sshrl.u32 s1, $0x2  }
0xc8: {  	s4 =	sand.u32 $0x4000, s31;
	s1 =	sadd.s32 s1, s30  }
0xc9: {  	s0 =	sor.u32 s4, s0;
	s1 =	sshll.u32 s1, $0x11  }
0xca: {  	s0 =	sor.u32 s1, s0  }
0xcb: {  	s0 =	sadd.s32 $0x8F2B, s0  }
0xcc: {  	[sflag:s0] =	ssyncadd.remote.s32 $0x1  }
0xcd: {  	_ =	sfence.sel $0xFFFF  }
0xce: {  	[dreg:$0x0] =	wrdreg $0xFFFFFFFF;
	(pc) =	sbr.abs _section_cstart, $3  }
0xcf: {  	[dreg:$0x1] =	wrdreg $0xFFFFFFFF  }
0xd0: {  	_ =	task.clear_ibuf [dreg:s22], $0x2FFFF;
	_ =	strace $0x9FFFFFFF  }
0xd1: {  	(tm) =	ssettm $0x7FFFFFFF  }
tec
execute0_lowered:
.L_overlay_start_1:
0x0: {  	(tag) =	ssettag $0x1  }
0x1: {  	s0 =	rddreg [dreg:$0x0]  }
0x2: {  	s2 =	rddreg [dreg:$0x1]  }
0x3: {  	s3 =	simm.s32 $0x0;
	s1 =	srdreg.scid;
	s20 =	stileid.u32  }
0x4: {  	s21 =	simm.s32 $0x7;
	s22 =	simm.s32 $0x4000;
	s23 =	simm.s32 $0x8000  }
0x5: {  	s24 =	simm.s32 $0x1;
	s25 =	simm.s32 $0x80;
	s28 =	simm.s32 $0x2  }
0x6: {  	s30 =	simm.s32 $0x5;
	s31 =	simm.s32 $0x3;
	[smem:$0x7FF] =	sst s3  }
0x7: {  	s1 =	sand.u32 $0x1, s1;
	s4 =	sshll.u32 s20, $0x1;
	s6 =	sadd.s32 $0x146600, s0  }
0x8: {  	s8 =	sshll.u32 s20, $0xC;
	p0 =	sgt.u32 s20, $0x5;
	s20 =	simm.s32 $0xC000  }
0x9: {  	_ =	strace $0x8000004A;
	s4 =	sor.u32 s1, s4;
	s5 =	smul.u32 $0x6000, s1  }
0xa: {  	s1 =	ssub.s32 $0x2, s1;
	s7 =	sshll.u32 s4, $0x8;
	s9 =	smul.u32 $0x6000, s4  }
0xb: {  	s10 =	sshrl.u32 s1, $0x1;
	s11 =	smul.u32 $0x30000, s4;
	s4 =	sadd.s32 s8, s2  }
0xc: {  	s5 =	sadd.s32 s8, s5;
	s7 =	sadd.s32 s7, s0;
	s1 =	ssub.s32 s1, s10  }
0xd: {  	s5 =	sshrl.u32 s5, $0x3;
	s26 =	sshrl.u32 s11, $0x3;
	s7 =	sadd.s32 $0x206600, s7  }
0xe: {  	s19 =	smax.u32 s1, $0x1;
	s1 =	simm.s32 $0x6;
	s0 =	sadd.s32 s5, s0  }
0xf: {  	s5 =	sadd.s32 s6, s9;
	[dreg:$0x3] =	wrdreg s7;
	s6 =	sadd.s32 s6, s26  }
0x10: {  	s26 =	simm.s32 $0x4;
	s29 =	sadd.s32 $0x800, s5;
	s8 =	sadd.s32 $0x1000, s5  }
0x11: {  	s9 =	sadd.s32 $0x1800, s5;
	s10 =	sadd.s32 $0x2000, s6;
	s11 =	sadd.s32 $0x2800, s6  }
0x12: {  	s12 =	sadd.s32 $0x3000, s6;
	s13 =	sadd.s32 $0x3800, s6;
	s14 =	sadd.s32 $0x4000, s6  }
0x13: {  	s15 =	sadd.s32 $0x4800, s6;
	s16 =	sadd.s32 $0x5000, s6;
	s17 =	sadd.s32 $0x5800, s6  }
0x14: {  	v0 =	vimm.f32 $0.0e+00;
	s18 =	sadd.s32 $0x208600, s0;
	s0 =	simm.s32 $0x0;
	[dreg:$0x4] =	wrdreg s29  }
.LBB2_1:
0x15: {  	s6 =	simm.s32 $0x200;
	s29 =	simm.s32 $0x0  }
.LBB2_2:
0x16: {  	p1 =	sne.s32 s6, $0x3E00;
	[tilespmem:s29+$0x40] =	vst v0;
	s7 =	smov.u32 s6;
	s6 =	sadd.s32 $0x200, s6  }
.Ltmp0:
0x17: {  	[tilespmem:s29+$0x30] =	vst v0;
	(pc) =	sbr.rel @p1 .LBB2_2-.Ltmp0, $4  }
0x18: {  	[tilespmem:s29+$0x20] =	vst v0  }
0x19: {  	[tilespmem:s29+$0x0] =	vst v0  }
0x1a: {  	[tilespmem:s29+$0x10] =	vst v0  }
0x1b: {  	s29 =	sshra.s32 s7, $0x2  }
0x1c: {  	[tilespmem:s29+$0x40] =	vst v0  }
0x1d: {  	[tilespmem:s29+$0x30] =	vst v0  }
0x1e: {  	[tilespmem:s29+$0x20] =	vst v0  }
0x1f: {  	[tilespmem:s29+$0x0] =	vst v0  }
0x20: {  	[tilespmem:s29+$0x10] =	vst v0;
	s6 =	simm.s32 @!p0 $0x0;
	s29 =	simm.s32 @!p0 $0x7  }
0x21: {  	[spmem:s4] =	stream.linear.scatter @!p0 [tilespmem:s6], [sflag:$0x7], $0x1000, $0x38;
	[tilespmem:$0xCBC0] =	vst v63  }
0x22: {  	_ =	swait.ge @!p0 [sflag:s29], $0x1000  }
0x23: {  	[sflag:s29] =	ssyncset.done @!p0 $0x0  }
0x24: {  	[sflag:s29] =	ssyncadd.s32 @!p0 $0xFFFFF000  }
0x25: {  	[bflag:$0x0] =	sbarrier.arrive $0xFFFF  }
0x26: {  	s7 =	rddreg [dreg:$0x3]  }
0x27: {  	[tilespmem:s20], [sflag:$0x7] =	stream.linear.gather [hbm4b:s7+s3], $0x600, $0x38;
	[tilespmem:$0xCBC0] =	vst v63  }
0x28: {  	_ =	swait.ge [sflag:s21], $0x600  }
0x29: {  	[sflag:s21] =	ssyncset.done $0x0  }
0x2a: {  	[sflag:s21] =	ssyncadd.s32 $0xFFFFFA00  }
0x2b: {  	[tilespmem:s3], [sflag:$0x1] =	stream.linear.gather [hbm4b:s5+s3], $0x4000, $0x38;
	[tilespmem:$0xCBC0] =	vst v63  }
0x2c: {  	s7 =	rddreg [dreg:$0x4]  }
0x2d: {  	[tilespmem:s22], [sflag:$0x2] =	stream.linear.gather [hbm4b:s7+s3], $0x4000, $0x38;
	[tilespmem:$0xCBC0] =	vst v63  }
0x2e: {  	_ = 	snop  }
0x2f: {  	[tilespmem:s23], [sflag:$0x3] =	stream.linear.gather [hbm4b:s8+s3], $0x4000, $0x38;
	[tilespmem:$0xCBC0] =	vst v63  }
0x30: {  	_ =	swait.ge [sflag:s24], $0x4000  }
0x31: {  	[sflag:s24] =	ssyncset.done $0x0  }
0x32: {  	[sflag:s24] =	ssyncadd.s32 $0xFFFFC000  }
0x33: {  	[spmem:s2] =	stream.indirect.scatter.add.f32 [tilespmem:s3], [sflag:$0x4], $0x50, s20, s25, $0xb8;
	[tilespmem:$0xCBC0] =	vst v63  }
0x34: {  	_ =	swait.ge [sflag:s26], $0x2800  }
0x35: {  	[sflag:s26] =	ssyncset.done $0x0  }
0x36: {  	[sflag:s26] =	ssyncadd.s32 $0xFFFFD800  }
0x37: {  	[tilespmem:s3], [sflag:$0x1] =	stream.linear.gather [hbm4b:s9+s3], $0x4000, $0x38;
	[tilespmem:$0xCBC0] =	vst v63  }
0x38: {  	_ =	swait.ge [sflag:s28], $0x4000  }
0x39: {  	[sflag:s28] =	ssyncset.done $0x0  }
0x3a: {  	s7 =	simm.s32 $0xC080;
	[sflag:s28] =	ssyncadd.s32 $0xFFFFC000  }
0x3b: {  	[spmem:s2] =	stream.indirect.scatter.add.f32 [tilespmem:s22], [sflag:$0x5], $0x50, s7, s25, $0xb8;
	[tilespmem:$0xCBC0] =	vst v63  }
0x3c: {  	_ =	swait.ge [sflag:s30], $0x2800  }
0x3d: {  	[sflag:s30] =	ssyncset.done $0x0  }
0x3e: {  	[sflag:s30] =	ssyncadd.s32 $0xFFFFD800  }
0x3f: {  	[tilespmem:s22], [sflag:$0x2] =	stream.linear.gather [hbm4b:s10+s3], $0x4000, $0x38;
	[tilespmem:$0xCBC0] =	vst v63  }
0x40: {  	_ =	swait.ge [sflag:s31], $0x4000  }
0x41: {  	[sflag:s31] =	ssyncset.done $0x0  }
0x42: {  	s7 =	simm.s32 $0xC100;
	[sflag:s31] =	ssyncadd.s32 $0xFFFFC000  }
0x43: {  	[spmem:s2] =	stream.indirect.scatter.add.f32 [tilespmem:s23], [sflag:$0x6], $0x50, s7, s25, $0xb8;
	[tilespmem:$0xCBC0] =	vst v63  }
0x44: {  	_ =	swait.ge [sflag:s1], $0x2800  }
0x45: {  	[sflag:s1] =	ssyncset.done $0x0  }
0x46: {  	[sflag:s1] =	ssyncadd.s32 $0xFFFFD800  }
0x47: {  	[tilespmem:s23], [sflag:$0x3] =	stream.linear.gather [hbm4b:s11+s3], $0x4000, $0x38;
	[tilespmem:$0xCBC0] =	vst v63  }
0x48: {  	_ =	swait.ge [sflag:s24], $0x4000  }
0x49: {  	[sflag:s24] =	ssyncset.done $0x0  }
0x4a: {  	s7 =	simm.s32 $0xC180;
	[sflag:s24] =	ssyncadd.s32 $0xFFFFC000  }
0x4b: {  	[spmem:s2] =	stream.indirect.scatter.add.f32 [tilespmem:s3], [sflag:$0x4], $0x50, s7, s25, $0xb8;
	[tilespmem:$0xCBC0] =	vst v63  }
0x4c: {  	_ =	swait.ge [sflag:s26], $0x2800  }
0x4d: {  	[sflag:s26] =	ssyncset.done $0x0  }
0x4e: {  	[sflag:s26] =	ssyncadd.s32 $0xFFFFD800  }
0x4f: {  	[tilespmem:s3], [sflag:$0x1] =	stream.linear.gather [hbm4b:s12+s3], $0x4000, $0x38;
	[tilespmem:$0xCBC0] =	vst v63  }
0x50: {  	_ =	swait.ge [sflag:s28], $0x4000  }
0x51: {  	[sflag:s28] =	ssyncset.done $0x0  }
0x52: {  	s7 =	simm.s32 $0xC200;
	[sflag:s28] =	ssyncadd.s32 $0xFFFFC000  }
0x53: {  	[spmem:s2] =	stream.indirect.scatter.add.f32 [tilespmem:s22], [sflag:$0x5], $0x50, s7, s25, $0xb8;
	[tilespmem:$0xCBC0] =	vst v63  }
0x54: {  	_ =	swait.ge [sflag:s30], $0x2800  }
0x55: {  	[sflag:s30] =	ssyncset.done $0x0  }
0x56: {  	[sflag:s30] =	ssyncadd.s32 $0xFFFFD800  }
0x57: {  	[tilespmem:s22], [sflag:$0x2] =	stream.linear.gather [hbm4b:s13+s3], $0x4000, $0x38;
	[tilespmem:$0xCBC0] =	vst v63  }
0x58: {  	_ =	swait.ge [sflag:s31], $0x4000  }
0x59: {  	[sflag:s31] =	ssyncset.done $0x0  }
0x5a: {  	s7 =	simm.s32 $0xC280;
	[sflag:s31] =	ssyncadd.s32 $0xFFFFC000  }
0x5b: {  	[spmem:s2] =	stream.indirect.scatter.add.f32 [tilespmem:s23], [sflag:$0x6], $0x50, s7, s25, $0xb8;
	[tilespmem:$0xCBC0] =	vst v63  }
0x5c: {  	_ =	swait.ge [sflag:s1], $0x2800  }
0x5d: {  	[sflag:s1] =	ssyncset.done $0x0  }
0x5e: {  	[sflag:s1] =	ssyncadd.s32 $0xFFFFD800  }
0x5f: {  	[tilespmem:s23], [sflag:$0x3] =	stream.linear.gather [hbm4b:s14+s3], $0x4000, $0x38;
	[tilespmem:$0xCBC0] =	vst v63  }
0x60: {  	_ =	swait.ge [sflag:s24], $0x4000  }
0x61: {  	[sflag:s24] =	ssyncset.done $0x0  }
0x62: {  	s7 =	simm.s32 $0xC300;
	[sflag:s24] =	ssyncadd.s32 $0xFFFFC000  }
0x63: {  	[spmem:s2] =	stream.indirect.scatter.add.f32 [tilespmem:s3], [sflag:$0x4], $0x50, s7, s25, $0xb8;
	[tilespmem:$0xCBC0] =	vst v63  }
0x64: {  	_ =	swait.ge [sflag:s26], $0x2800  }
0x65: {  	[sflag:s26] =	ssyncset.done $0x0  }
0x66: {  	[sflag:s26] =	ssyncadd.s32 $0xFFFFD800  }
0x67: {  	[tilespmem:s3], [sflag:$0x1] =	stream.linear.gather [hbm4b:s15+s3], $0x4000, $0x38;
	[tilespmem:$0xCBC0] =	vst v63  }
0x68: {  	_ =	swait.ge [sflag:s28], $0x4000  }
0x69: {  	[sflag:s28] =	ssyncset.done $0x0  }
0x6a: {  	s7 =	simm.s32 $0xC380;
	[sflag:s28] =	ssyncadd.s32 $0xFFFFC000  }
0x6b: {  	[spmem:s2] =	stream.indirect.scatter.add.f32 [tilespmem:s22], [sflag:$0x5], $0x50, s7, s25, $0xb8;
	[tilespmem:$0xCBC0] =	vst v63  }
0x6c: {  	_ =	swait.ge [sflag:s30], $0x2800  }
0x6d: {  	[sflag:s30] =	ssyncset.done $0x0  }
0x6e: {  	[sflag:s30] =	ssyncadd.s32 $0xFFFFD800  }
0x6f: {  	[tilespmem:s22], [sflag:$0x2] =	stream.linear.gather [hbm4b:s16+s3], $0x4000, $0x38;
	[tilespmem:$0xCBC0] =	vst v63  }
0x70: {  	_ =	swait.ge [sflag:s31], $0x4000  }
0x71: {  	[sflag:s31] =	ssyncset.done $0x0  }
0x72: {  	s7 =	simm.s32 $0xC400;
	[sflag:s31] =	ssyncadd.s32 $0xFFFFC000  }
0x73: {  	[spmem:s2] =	stream.indirect.scatter.add.f32 [tilespmem:s23], [sflag:$0x6], $0x50, s7, s25, $0xb8;
	[tilespmem:$0xCBC0] =	vst v63  }
0x74: {  	_ =	swait.ge [sflag:s1], $0x2800  }
0x75: {  	[sflag:s1] =	ssyncset.done $0x0  }
0x76: {  	[sflag:s1] =	ssyncadd.s32 $0xFFFFD800  }
0x77: {  	[tilespmem:s23], [sflag:$0x3] =	stream.linear.gather [hbm4b:s17+s3], $0x4000, $0x38;
	[tilespmem:$0xCBC0] =	vst v63  }
0x78: {  	_ =	swait.ge [sflag:s24], $0x4000  }
0x79: {  	[sflag:s24] =	ssyncset.done $0x0  }
0x7a: {  	s7 =	simm.s32 $0xC480;
	[sflag:s24] =	ssyncadd.s32 $0xFFFFC000  }
0x7b: {  	[spmem:s2] =	stream.indirect.scatter.add.f32 [tilespmem:s3], [sflag:$0x4], $0x50, s7, s25, $0xb8;
	[tilespmem:$0xCBC0] =	vst v63  }
0x7c: {  	_ =	swait.ge [sflag:s28], $0x4000  }
0x7d: {  	[sflag:s28] =	ssyncset.done $0x0  }
0x7e: {  	s7 =	simm.s32 $0xC500;
	[sflag:s28] =	ssyncadd.s32 $0xFFFFC000  }
0x7f: {  	[spmem:s2] =	stream.indirect.scatter.add.f32 [tilespmem:s22], [sflag:$0x5], $0x50, s7, s25, $0xb8;
	[tilespmem:$0xCBC0] =	vst v63  }
0x80: {  	_ =	swait.ge [sflag:s31], $0x4000  }
0x81: {  	[sflag:s31] =	ssyncset.done $0x0  }
0x82: {  	s7 =	simm.s32 $0xC580;
	[sflag:s31] =	ssyncadd.s32 $0xFFFFC000  }
0x83: {  	[spmem:s2] =	stream.indirect.scatter.add.f32 [tilespmem:s23], [sflag:$0x6], $0x50, s7, s25, $0xb8;
	[tilespmem:$0xCBC0] =	vst v63  }
0x84: {  	_ =	swait.ge [sflag:s26], $0x2800  }
0x85: {  	[sflag:s26] =	ssyncset.done $0x0  }
0x86: {  	[sflag:s26] =	ssyncadd.s32 $0xFFFFD800  }
0x87: {  	_ =	swait.ge [sflag:s30], $0x2800  }
0x88: {  	[sflag:s30] =	ssyncset.done $0x0  }
0x89: {  	[sflag:s30] =	ssyncadd.s32 $0xFFFFD800  }
0x8a: {  	s6 =	stileid.u32;
	_ =	swait.ge [sflag:s1], $0x2800  }
0x8b: {  	s0 =	sadd.s32 $0x1, s0;
	s6 =	sshll.u32 @!p0 s6, $0x6;
	[sflag:s1] =	ssyncset.done $0x0  }
0x8c: {  	p1 =	sne.s32 s0, s19;
	s6 =	sor.u32 @!p0 $0x1C07, s6;
	[sflag:s1] =	ssyncadd.s32 $0xFFFFD800  }
.Ltmp1:
0x8d: {  	s7 =	sshrl.u32 @!p0 s4, $0x3;
	[bflag:$0x0] =	sbarrier.arrive $0xFFFF;
	(pc) =	sbr.rel @p1 .LBB2_1-.Ltmp1, $4  }
0x8e: {  	[hbm:s18], [sflag:s6] =	dma.local @!p0 [spmem:s7], $0x200  }
0x8f: {  	_ =	swait.ge @!p0 [sflag:s29], $0x200  }
0x90: {  	[sflag:s29] =	ssyncset.done @!p0 $0x0  }
0x91: {  	[sflag:s29] =	ssyncadd.s32 @!p0 $0xFFFFFE00  }
0x92: {  	_ =	sfence.sel $0x180000  }
0x93: {  	[bflag:$0x0] =	sbarrier.arrive $0xFFFF  }
0x94: {  	_ =	strace $0x9000004A  }
0x95: {  	s0 =	stileid.u32;
	[bflag:$0x2] =	sbarrier.arrive $0xFFFF  }
0x96: {  	p0 =	sne.s32 s0, $0x0;
	s0 =	rddreg [dreg:$0x2]  }
0x97: {  	s0 =	sadd.s32 @!p0 $0x100000, s0  }
0x98: {  	[sflag:s0] =	ssyncadd.tile.s32 @!p0 $0x1;
	_ =	shalt  }
.Lfunc_end2:
_tile_overlayer_lowered:
.L_overlay_start_2:
0x99: {  	(tag) =	ssettag $0x2  }
0x9a: {  	s0 =	rddreg [dreg:$0x0];
	s2 =	stileid.u32  }
0x9b: {  	s1 =	rddreg [dreg:$0x1];
	p0 =	sne.s32 s2, $0x0  }
0x9c: {  	s3 =	rddreg [dreg:$0x2];
	[bflag:$0x3] =	sbarrier.arrive $0xFFFF;
	s2 =	simm.s32 @!p0 $0x1C07  }
0x9d: {  	[timem:s3], [sflag:s2] =	dma.local @!p0 [hbm:s0], s1  }
0x9e: {  	s0 =	simm.s32 @!p0 $0x7  }
0x9f: {  	_ =	swait.ge @!p0 [sflag:s0], s1  }
0xa0: {  	s1 =	ssub.s32 @!p0 $0x0, s1;
	[sflag:s0] =	ssyncset.done @!p0 $0x0  }
0xa1: {  	[sflag:s0] =	ssyncadd.s32 @!p0 s1  }
0xa2: {  	[bflag:$0x3] =	sbarrier.arrive $0xFFFF  }
0xa3: {  	_ =	shalt  }

// kernel: kernel.7.cloned.1.call-start
scs
__scs_entry_jumppad:
0x0: {  	(pc) =	sbr.rel $0x88, $3  }
0x1: {  	(tag) =	ssettag $0x0;
	lr =	simm.s32 $0x1  }
0x2: {  	[smem:$0x3F9F] =	sst lr;
	_ =	strace $0xD0000000  }
0x3: {  	_ = 	snop  }
0x4: {  	_ = 	snop  }
0x5: {  	_ = 	snop  }
0x6: {  	_ = 	snop  }
0x7: {  	_ = 	snop  }
__scs_overlays_trampoline_lowered:
0x8: {  	[smem:$0x3FAE] =	sst s0  }
0x9: {  	[smem:$0x3FAF] =	sst s1  }
0xa: {  	[smem:$0x3FB0] =	sst s2  }
0xb: {  	[smem:$0x3FB1] =	sst s3  }
0xc: {  	[smem:$0x3FB2] =	sst s4  }
0xd: {  	[smem:$0x3FB3] =	sst s5  }
0xe: {  	[smem:$0x3FB4] =	sst s6  }
0xf: {  	[smem:$0x3FB5] =	sst s7  }
0x10: {  	[smem:$0x3FB6] =	sst s8  }
0x11: {  	[smem:$0x3FB7] =	sst s9;
	s0 =	simm.s32 @!p0 $0x0  }
0x12: {  	s1 =	sld [smem:$0x3F9D];
	s0 =	simm.s32 @p0 $0x1  }
0x13: {  	[smem:$0x3FB8] =	sst s0;
	s0 =	simm.s32 @!p1 $0x0  }
0x14: {  	s2 =	sld [smem:$0x3F9C];
	s0 =	simm.s32 @p1 $0x1  }
0x15: {  	[smem:$0x3FB9] =	sst s0;
	s0 =	simm.s32 @!p2 $0x0  }
0x16: {  	s3 =	sld [smem:$0x3FDB];
	s0 =	simm.s32 @p2 $0x1  }
0x17: {  	s4 =	simm.s32 $0x1BF5;
	[smem:$0x3FBB] =	sst s0  }
0x18: {  	s0 =	sld [smem:$0x3F9E];
	_ =	swait.ge [sflag:s4], $0x0  }
0x19: {  	s7 =	sld [smem:$0x3F9F]  }
0x1a: {  	s8 =	sadd.s32 $0xFFFFE003, lr  }
0x1b: {  	s9 =	sadd.s32 $0xFFFFFEF7, lr;
	s5 =	simm.s32 $0xFFFFFFFF;
	p2 =	slt.u32 s8, $0xFFFFF086  }
0x1c: {  	p1 =	slt.u32 s9, $0xF7A;
	s5 =	simm.s32 @!p2 $0x0  }
0x1d: {  	s5 =	simm.s32 @p1 $0x1;
	p0 =	seq.s32 s7, s2  }
0x1e: {  	s7 =	smul.u32 @!p0 $0xF7A, s2;
	p2 =	seq.s32 @!p0 s5, $0x0  }
0x1f: {  	s9 =	smul.u32 $0xF7A, s1;
	s8 =	simm.s32 @!p0 $0x1BF5;
	p2 =	por !p2, p0  }
0x20: {  	[sflag:s8] =	ssyncset.s32 @!p0 $0xFFFFF086;
	s6 =	sadd.s32 @!p0 s3, s7;
	s7 =	simm.s32 @!p0 $0x108  }
0x21: {  	s3 =	sadd.s32 s3, s9;
	s6 =	sadd.s32 @!p0 $0x88, s6;
	s7 =	simm.s32 @p2 $0x1082  }
0x22: {  	[simem:s7], [sflag:s8] =	dma.local @!p0 [hbm:s6], $0xF7A  }
0x23: {  	s9 =	sor.u32 $0xD0000000, s2;
	s6 =	simm.s32 $0x108;
	_ =	swait.ge @!p0 [sflag:s8], $0x0  }
0x24: {  	s3 =	sadd.s32 $0x88, s3;
	s6 =	simm.s32 @!p1 $0x1082;
	[sflag:s4] =	ssyncset.s32 $0xFFFFF086  }
0x25: {  	[simem:s6], [sflag:s4] =	dma.local [hbm:s3], $0xF7A  }
0x26: {  	[smem:$0x3F9F] =	sst s1;
	(tag) =	ssettag s2;
	_ =	strace s9  }
0x27: {  	s1 =	sld [smem:$0x3FAF]  }
0x28: {  	s2 =	sld [smem:$0x3FB0]  }
0x29: {  	s4 =	sld [smem:$0x3FB2]  }
0x2a: {  	p0 =	seq.s32 s5, $0x0;
	s5 =	sld [smem:$0x3FB3]  }
0x2b: {  	s6 =	sld [smem:$0x3FB4]  }
0x2c: {  	s7 =	sld [smem:$0x3FB5]  }
0x2d: {  	s3 =	simm.s32 $0x108;
	s8 =	sld [smem:$0x3FB6]  }
0x2e: {  	s3 =	simm.s32 @!p0 $0x1082;
	s9 =	sld [smem:$0x3FB7]  }
0x2f: {  	lr =	sadd.s32 s0, s3;
	s0 =	sld [smem:$0x3FAE]  }
0x30: {  	s3 =	sld [smem:$0x3FB1]  }
0x31: {  	[smem:$0x3FBA] =	sst s10  }
0x32: {  	s10 =	sld [smem:$0x3FB8];
	_ =	sdelay $0x3  }
0x33: {  	p0 =	seq.s32 s10, $0x1;
	s10 =	sld [smem:$0x3FBA];
	_ =	sdelay $0x3  }
0x34: {  	[smem:$0x3FBA] =	sst s10  }
0x35: {  	s10 =	sld [smem:$0x3FB9];
	_ =	sdelay $0x3  }
0x36: {  	p1 =	seq.s32 s10, $0x1;
	s10 =	sld [smem:$0x3FBA];
	_ =	sdelay $0x3  }
0x37: {  	[smem:$0x3FBA] =	sst s10  }
0x38: {  	s10 =	sld [smem:$0x3FBB]  }
0x39: {  	_ = 	snop;
	(pc) =	sbr.ind lr, $3  }
0x3a: {  	_ = 	snop  }
0x3b: {  	_ = 	snop  }
0x3c: {  	p2 =	seq.s32 s10, $0x1;
	s10 =	sld [smem:$0x3FBA]  }
0x3d: {  	_ =	shalt  }
0x3e: {  	_ =	shalt  }
0x3f: {  	_ =	shalt  }
0x40: {  	_ =	shalt  }
0x41: {  	_ =	shalt  }
0x42: {  	_ =	shalt  }
0x43: {  	_ =	shalt  }
0x44: {  	_ =	shalt  }
0x45: {  	_ =	shalt  }
0x46: {  	_ =	shalt  }
0x47: {  	_ =	shalt  }
0x48: {  	_ =	shalt  }
0x49: {  	_ =	shalt  }
0x4a: {  	_ =	shalt  }
0x4b: {  	_ =	shalt  }
0x4c: {  	_ =	shalt  }
0x4d: {  	_ =	shalt  }
0x4e: {  	_ =	shalt  }
0x4f: {  	_ =	shalt  }
0x50: {  	_ =	shalt  }
0x51: {  	_ =	shalt  }
0x52: {  	_ =	shalt  }
0x53: {  	_ =	shalt  }
0x54: {  	_ =	shalt  }
0x55: {  	_ =	shalt  }
0x56: {  	_ =	shalt  }
0x57: {  	_ =	shalt  }
0x58: {  	_ =	shalt  }
0x59: {  	_ =	shalt  }
0x5a: {  	_ =	shalt  }
0x5b: {  	_ =	shalt  }
0x5c: {  	_ =	shalt  }
0x5d: {  	_ =	shalt  }
0x5e: {  	_ =	shalt  }
0x5f: {  	_ =	shalt  }
0x60: {  	_ =	shalt  }
0x61: {  	_ =	shalt  }
0x62: {  	_ =	shalt  }
0x63: {  	_ =	shalt  }
0x64: {  	_ =	shalt  }
0x65: {  	_ =	shalt  }
0x66: {  	_ =	shalt  }
0x67: {  	_ =	shalt  }
0x68: {  	_ =	shalt  }
0x69: {  	_ =	shalt  }
0x6a: {  	_ =	shalt  }
0x6b: {  	_ =	shalt  }
0x6c: {  	_ =	shalt  }
0x6d: {  	_ =	shalt  }
0x6e: {  	_ =	shalt  }
0x6f: {  	_ =	shalt  }
0x70: {  	_ =	shalt  }
0x71: {  	_ =	shalt  }
0x72: {  	_ =	shalt  }
0x73: {  	_ =	shalt  }
0x74: {  	_ =	shalt  }
0x75: {  	_ =	shalt  }
0x76: {  	_ =	shalt  }
0x77: {  	_ =	shalt  }
0x78: {  	_ =	shalt  }
0x79: {  	_ =	shalt  }
0x7a: {  	_ =	shalt  }
0x7b: {  	_ =	shalt  }
0x7c: {  	_ =	shalt  }
0x7d: {  	_ =	shalt  }
0x7e: {  	_ =	shalt  }
0x7f: {  	_ =	shalt  }
0x80: {  	_ =	shalt  }
0x81: {  	_ =	shalt  }
0x82: {  	_ =	shalt  }
0x83: {  	_ =	shalt  }
0x84: {  	_ =	shalt  }
0x85: {  	_ =	shalt  }
0x86: {  	_ =	shalt  }
0x87: {  	_ =	shalt  }
.Lfunc_end0:
.L_simem_size_0:
called_computation_lowered:
.L_overlay_start_0:
0x88: {  	s2 =	sld [smem:$0x3FD9]  }
0x89: {  	s3 =	sld [smem:$0x3FFE];
	_ =	sdelay $0x1  }
0x8a: {  	s1 =	srdreg.scid  }
0x8b: {  	s0 =	sand.u32 $0x1, s1  }
0x8c: {  	s16 =	sshll.u32 s0, $0xA;
	s2 =	sadd.s32 s3, s2  }
0x8d: {  	s2 =	sadd.s32 s2, s16  }
0x8e: {  	[smem:$0x3FC6] =	sst s2  }
0x8f: {  	_ = 	snop  }
0x90: {  	(tm) =	ssettm $0x1  }
0x91: {  	s17 =	sld [smem:$0x3FFB];
	_ =	sdelay $0x3  }
0x92: {  	_ =	strace s17  }
0x93: {  	s2 =	sld [smem:$0x3FFC];
	_ =	sdelay $0x3  }
0x94: {  	_ =	strace s2  }
0x95: {  	s2 =	sld [smem:$0x3FFD];
	_ =	sdelay $0x3  }
0x96: {  	_ =	strace s2  }
0x97: {  	_ =	strace $0x8FFFFFFF  }
0x98: {  	s18 =	sld [smem:$0x3FDB];
	_ =	sdelay $0x1  }
0x99: {  	s19 =	simm.s32 $_scs_section_size  }
0x9a: {  	s4 =	simm.s32 $_size__tile_overlayer_lowered;
	s5 =	simm.s32 $_tile_overlayer_lowered  }
0x9b: {  	s22 =	simm.s32 $0x1BFF;
	s21 =	sshll.u32 s5, $0x1;
	s2 =	sadd.s32 s19, s18  }
0x9c: {  	s6 =	simm.s32 $0x0;
	s20 =	sshll.u32 s4, $0x1;
	s4 =	sadd.s32 s21, s2  }
0x9d: {  	[timem:s6], [sflag:s22] =	dma.local [hbm:s4], s20  }
0x9e: {  	_ =	swait.ge [sflag:s22], s20  }
0x9f: {  	s3 =	ssub.s32 $0x0, s20;
	[sflag:s22] =	ssyncset.done $0x0  }
0xa0: {  	[sflag:s22] =	ssyncadd.s32 s3;
	_ =	sdelay $0x1  }
0xa1: {  	s23 =	simm.s32 $0x1B8B  }
0xa2: {  	_ =	swait.ge [sflag:s23], $0x1  }
0xa3: {  	[sflag:s23] =	ssyncset.done $0x0  }
0xa4: {  	s25 =	simm.s32 $0x1B8E;
	s24 =	sld [smem:$0x3FFE];
	[sflag:s23] =	ssyncadd.s32 $0xFFFFFFFF  }
0xa5: {  	s26 =	simm.s32 $execute0_lowered;
	[smem:$0x3FD2] =	sst s25  }
0xa6: {  	s4 =	sshll.u32 s26, $0x1;
	_ =	strace $0x80000046;
	[dreg:$0x1] =	wrdreg $0xFFFFFFFF  }
0xa7: {  	s28 =	simm.s32 $_size_execute0_lowered;
	s2 =	sadd.s32 s2, s4;
	[dreg:$0x0] =	wrdreg $0x0  }
0xa8: {  	s4 =	sshll.u32 s28, $0x1;
	[dreg:$0x2] =	wrdreg s2  }
0xa9: {  	[dreg:$0x3] =	wrdreg s4  }
0xaa: {  	[dreg:$0x4] =	wrdreg $0xC0  }
0xab: {  	_ =	task [dreg:s6], $0x5FFFF  }
0xac: {  	[dreg:$0x1] =	wrdreg $0xFFFFFFFF  }
0xad: {  	[dreg:$0x0] =	wrdreg $0x60  }
0xae: {  	[dreg:$0x2] =	wrdreg s24  }
0xaf: {  	[dreg:$0x3] =	wrdreg $0xCC000  }
0xb0: {  	[dreg:$0x4] =	wrdreg $0x9  }
0xb1: {  	_ =	task.clear_ibuf [dreg:s6], $0x5FFFF;
	_ =	strace $0x90000046  }
0xb2: {  	s29 =	simm.s32 $0x9;
	_ =	strace $0x80000048  }
0xb3: {  	_ =	swait.ge [sflag:s29], $0x1  }
0xb4: {  	[sflag:s29] =	ssyncadd.s32 $0xFFFFFFFF  }
0xb5: {  	_ =	strace $0x90000048  }
0xb6: {  	_ =	sfence  }
0xb7: {  	s30 =	sld [smem:$0x0];
	_ =	sdelay $0x2  }
0xb8: {  	s31 =	sshll.u32 s1, $0xD;
	s1 =	sshrl.u32 s1, $0x2  }
0xb9: {  	s3 =	sand.u32 $0x4000, s31;
	s1 =	sadd.s32 s1, s30  }
0xba: {  	s0 =	sor.u32 s3, s0;
	s1 =	sshll.u32 s1, $0x11  }
0xbb: {  	s0 =	sor.u32 s1, s0  }
0xbc: {  	s0 =	sadd.s32 $0x8F2B, s0  }
0xbd: {  	[sflag:s0] =	ssyncadd.remote.s32 $0x1  }
0xbe: {  	_ =	sfence.sel $0xFFFF  }
0xbf: {  	[dreg:$0x0] =	wrdreg $0xFFFFFFFF;
	(pc) =	sbr.abs _section_cstart, $3  }
0xc0: {  	[dreg:$0x1] =	wrdreg $0xFFFFFFFF  }
0xc1: {  	_ =	task.clear_ibuf [dreg:s6], $0x2FFFF;
	_ =	strace $0x9FFFFFFF  }
0xc2: {  	(tm) =	ssettm $0x7FFFFFFF  }
0xc3: {  	_ =	shalt  }
tec
execute0_lowered:
.L_overlay_start_1:
0x0: {  	(tag) =	ssettag $0x1  }
0x1: {  	s0 =	rddreg [dreg:$0x0]  }
0x2: {  	s1 =	srdreg.scid;
	s12 =	stileid.u32  }
0x3: {  	s2 =	rddreg [dreg:$0x1];
	s3 =	simm.s32 $0x0;
	s29 =	simm.s32 $0xC000  }
0x4: {  	s30 =	simm.s32 $0x7;
	s31 =	simm.s32 $0x4000;
	s1 =	sand.u32 $0x1, s1  }
0x5: {  	s4 =	sshll.u32 s12, $0x1;
	[smem:$0x7FF] =	sst s3;
	s7 =	sadd.s32 $0xE00, s0  }
0x6: {  	s15 =	sshll.u32 s12, $0xC;
	s4 =	sor.u32 s1, s4;
	s6 =	smul.u32 $0xA000, s1  }
0x7: {  	p0 =	sgt.u32 s12, $0x9;
	s12 =	simm.s32 $0x0;
	s5 =	smul.u32 $0x180, s4  }
0x8: {  	_ =	strace $0x80000047;
	s1 =	ssub.s32 $0x2, s1;
	s9 =	smul.u32 $0x50000, s4  }
0x9: {  	s10 =	sshrl.u32 s1, $0x1;
	s11 =	smul.u32 $0xA000, s4;
	s4 =	sadd.s32 s15, s2  }
0xa: {  	s6 =	sadd.s32 s15, s6;
	s1 =	ssub.s32 s1, s10;
	s10 =	simm.s32 $0x3  }
0xb: {  	s8 =	sadd.s32 s5, s0;
	s6 =	sshrl.u32 s6, $0x3;
	s16 =	sshrl.u32 s9, $0x3  }
0xc: {  	s5 =	sadd.s32 s7, s11;
	s0 =	sadd.s32 s6, s0;
	s17 =	sadd.s32 $0x140E00, s8  }
0xd: {  	s6 =	sadd.s32 s7, s16;
	s18 =	sadd.s32 $0x800, s5;
	[dreg:$0x3] =	wrdreg s17  }
0xe: {  	s9 =	simm.s32 $0x5;
	[dreg:$0x4] =	wrdreg s18;
	s19 =	sadd.s32 $0x2000, s6  }
0xf: {  	s11 =	simm.s32 $0x6;
	s20 =	sadd.s32 $0x2800, s6;
	[dreg:$0x5] =	wrdreg s19  }
0x10: {  	s28 =	sadd.s32 $0x1800, s5;
	s21 =	sadd.s32 $0x3000, s6;
	[dreg:$0x6] =	wrdreg s20  }
0x11: {  	s7 =	simm.s32 $0x4;
	s22 =	sadd.s32 $0x3800, s6;
	[dreg:$0x7] =	wrdreg s21  }
0x12: {  	s8 =	simm.s32 $0x2;
	s23 =	sadd.s32 $0x4000, s6;
	[dreg:$0x8] =	wrdreg s22  }
0x13: {  	s24 =	sadd.s32 $0x4800, s6;
	s25 =	sadd.s32 $0x5000, s6;
	[dreg:$0x9] =	wrdreg s23  }
0x14: {  	s26 =	sadd.s32 $0x5800, s6;
	s16 =	sadd.s32 $0x6000, s6;
	[dreg:$0xa] =	wrdreg s24  }
0x15: {  	s17 =	sadd.s32 $0x6800, s6;
	s18 =	sadd.s32 $0x7000, s6;
	[dreg:$0xb] =	wrdreg s25  }
0x16: {  	[dreg:$0xc] =	wrdreg s26;
	s19 =	sadd.s32 $0x7800, s6;
	s20 =	sadd.s32 $0x8000, s6  }
0x17: {  	s21 =	sadd.s32 $0x8800, s6;
	s22 =	sadd.s32 $0x9000, s6;
	s23 =	sadd.s32 $0x9800, s6  }
0x18: {  	s24 =	sadd.s32 $0x143E00, s0;
	s25 =	smax.u32 s1, $0x1;
	s26 =	sadd.s32 $0x1000, s5  }
0x19: {  	v0 =	vimm.f32 $0.0e+00;
	s1 =	simm.s32 $0x8000;
	s0 =	simm.s32 $0x1;
	s6 =	simm.s32 $0x80  }
.LBB2_1:
0x1a: {  	s14 =	simm.s32 $0x200;
	s13 =	simm.s32 $0x0  }
.LBB2_2:
0x1b: {  	p1 =	sne.s32 s14, $0x3E00;
	[tilespmem:s13+$0x40] =	vst v0;
	s15 =	smov.u32 s14;
	s14 =	sadd.s32 $0x200, s14  }
.Ltmp0:
0x1c: {  	[tilespmem:s13+$0x30] =	vst v0;
	(pc) =	sbr.rel @p1 .LBB2_2-.Ltmp0, $4  }
0x1d: {  	[tilespmem:s13+$0x20] =	vst v0  }
0x1e: {  	[tilespmem:s13+$0x0] =	vst v0  }
0x1f: {  	[tilespmem:s13+$0x10] =	vst v0  }
0x20: {  	s13 =	sshra.s32 s15, $0x2  }
0x21: {  	[tilespmem:s13+$0x40] =	vst v0  }
0x22: {  	[tilespmem:s13+$0x30] =	vst v0  }
0x23: {  	[tilespmem:s13+$0x20] =	vst v0  }
0x24: {  	[tilespmem:s13+$0x0] =	vst v0  }
0x25: {  	[tilespmem:s13+$0x10] =	vst v0;
	s13 =	simm.s32 @!p0 $0x0  }
0x26: {  	[spmem:s4] =	stream.linear.scatter @!p0 [tilespmem:s13], [sflag:$0x7], $0x1000, $0x38;
	[tilespmem:$0xD240] =	vst v63  }
0x27: {  	s13 =	simm.s32 @!p0 $0x7  }
0x28: {  	_ =	swait.ge @!p0 [sflag:s13], $0x1000  }
0x29: {  	[sflag:s13] =	ssyncset.done @!p0 $0x0  }
0x2a: {  	[sflag:s13] =	ssyncadd.s32 @!p0 $0xFFFFF000  }
0x2b: {  	[bflag:$0x0] =	sbarrier.arrive $0xFFFF  }
0x2c: {  	s14 =	rddreg [dreg:$0x3]  }
0x2d: {  	[tilespmem:s29], [sflag:$0x7] =	stream.linear.gather [hbm4b:s14+s3], $0xA00, $0x38;
	[tilespmem:$0xD240] =	vst v63  }
0x2e: {  	_ =	swait.ge [sflag:s30], $0xA00  }
0x2f: {  	[sflag:s30] =	ssyncset.done $0x0  }
0x30: {  	[sflag:s30] =	ssyncadd.s32 $0xFFFFF600  }
0x31: {  	[tilespmem:s3], [sflag:$0x1] =	stream.linear.gather [hbm4b:s5+s3], $0x4000, $0x38;
	[tilespmem:$0xD240] =	vst v63  }
0x32: {  	s15 =	rddreg [dreg:$0x4]  }
0x33: {  	[tilespmem:s31], [sflag:$0x2] =	stream.linear.gather [hbm4b:s15+s3], $0x4000, $0x38;
	[tilespmem:$0xD240] =	vst v63  }
0x34: {  	_ = 	snop  }
0x35: {  	[tilespmem:s1], [sflag:$0x3] =	stream.linear.gather [hbm4b:s26+s3], $0x4000, $0x38;
	[tilespmem:$0xD240] =	vst v63  }
0x36: {  	_ =	swait.ge [sflag:s0], $0x4000  }
0x37: {  	[sflag:s0] =	ssyncset.done $0x0  }
0x38: {  	[sflag:s0] =	ssyncadd.s32 $0xFFFFC000  }
0x39: {  	[spmem:s2] =	stream.indirect.scatter.add.f32 [tilespmem:s3], [sflag:$0x4], $0x50, s29, s6, $0xb8;
	[tilespmem:$0xD240] =	vst v63  }
0x3a: {  	_ =	swait.ge [sflag:s7], $0x2800  }
0x3b: {  	[sflag:s7] =	ssyncset.done $0x0  }
0x3c: {  	[sflag:s7] =	ssyncadd.s32 $0xFFFFD800  }
0x3d: {  	[tilespmem:s3], [sflag:$0x1] =	stream.linear.gather [hbm4b:s28+s3], $0x4000, $0x38;
	[tilespmem:$0xD240] =	vst v63  }
0x3e: {  	_ =	swait.ge [sflag:s8], $0x4000  }
0x3f: {  	[sflag:s8] =	ssyncset.done $0x0  }
0x40: {  	s15 =	simm.s32 $0xC080;
	[sflag:s8] =	ssyncadd.s32 $0xFFFFC000  }
0x41: {  	[spmem:s2] =	stream.indirect.scatter.add.f32 [tilespmem:s31], [sflag:$0x5], $0x50, s15, s6, $0xb8;
	[tilespmem:$0xD240] =	vst v63  }
0x42: {  	_ =	swait.ge [sflag:s9], $0x2800  }
0x43: {  	[sflag:s9] =	ssyncset.done $0x0  }
0x44: {  	s15 =	rddreg [dreg:$0x5];
	[sflag:s9] =	ssyncadd.s32 $0xFFFFD800  }
0x45: {  	[tilespmem:s31], [sflag:$0x2] =	stream.linear.gather [hbm4b:s15+s3], $0x4000, $0x38;
	[tilespmem:$0xD240] =	vst v63  }
0x46: {  	_ =	swait.ge [sflag:s10], $0x4000  }
0x47: {  	[sflag:s10] =	ssyncset.done $0x0  }
0x48: {  	s15 =	simm.s32 $0xC100;
	[sflag:s10] =	ssyncadd.s32 $0xFFFFC000  }
0x49: {  	[spmem:s2] =	stream.indirect.scatter.add.f32 [tilespmem:s1], [sflag:$0x6], $0x50, s15, s6, $0xb8;
	[tilespmem:$0xD240] =	vst v63  }
0x4a: {  	_ =	swait.ge [sflag:s11], $0x2800  }
0x4b: {  	[sflag:s11] =	ssyncset.done $0x0  }
0x4c: {  	s15 =	rddreg [dreg:$0x6];
	[sflag:s11] =	ssyncadd.s32 $0xFFFFD800  }
0x4d: {  	[tilespmem:s1], [sflag:$0x3] =	stream.linear.gather [hbm4b:s15+s3], $0x4000, $0x38;
	[tilespmem:$0xD240] =	vst v63  }
0x4e: {  	_ =	swait.ge [sflag:s0], $0x4000  }
0x4f: {  	[sflag:s0] =	ssyncset.done $0x0  }
0x50: {  	s15 =	simm.s32 $0xC180;
	[sflag:s0] =	ssyncadd.s32 $0xFFFFC000  }
0x51: {  	[spmem:s2] =	stream.indirect.scatter.add.f32 [tilespmem:s3], [sflag:$0x4], $0x50, s15, s6, $0xb8;
	[tilespmem:$0xD240] =	vst v63  }
0x52: {  	_ =	swait.ge [sflag:s7], $0x2800  }
0x53: {  	[sflag:s7] =	ssyncset.done $0x0  }
0x54: {  	s15 =	rddreg [dreg:$0x7];
	[sflag:s7] =	ssyncadd.s32 $0xFFFFD800  }
0x55: {  	[tilespmem:s3], [sflag:$0x1] =	stream.linear.gather [hbm4b:s15+s3], $0x4000, $0x38;
	[tilespmem:$0xD240] =	vst v63  }
0x56: {  	_ =	swait.ge [sflag:s8], $0x4000  }
0x57: {  	[sflag:s8] =	ssyncset.done $0x0  }
0x58: {  	s15 =	simm.s32 $0xC200;
	[sflag:s8] =	ssyncadd.s32 $0xFFFFC000  }
0x59: {  	[spmem:s2] =	stream.indirect.scatter.add.f32 [tilespmem:s31], [sflag:$0x5], $0x50, s15, s6, $0xb8;
	[tilespmem:$0xD240] =	vst v63  }
0x5a: {  	_ =	swait.ge [sflag:s9], $0x2800  }
0x5b: {  	[sflag:s9] =	ssyncset.done $0x0  }
0x5c: {  	s15 =	rddreg [dreg:$0x8];
	[sflag:s9] =	ssyncadd.s32 $0xFFFFD800  }
0x5d: {  	[tilespmem:s31], [sflag:$0x2] =	stream.linear.gather [hbm4b:s15+s3], $0x4000, $0x38;
	[tilespmem:$0xD240] =	vst v63  }
0x5e: {  	_ =	swait.ge [sflag:s10], $0x4000  }
0x5f: {  	[sflag:s10] =	ssyncset.done $0x0  }
0x60: {  	s15 =	simm.s32 $0xC280;
	[sflag:s10] =	ssyncadd.s32 $0xFFFFC000  }
0x61: {  	[spmem:s2] =	stream.indirect.scatter.add.f32 [tilespmem:s1], [sflag:$0x6], $0x50, s15, s6, $0xb8;
	[tilespmem:$0xD240] =	vst v63  }
0x62: {  	_ =	swait.ge [sflag:s11], $0x2800  }
0x63: {  	[sflag:s11] =	ssyncset.done $0x0  }
0x64: {  	s15 =	rddreg [dreg:$0x9];
	[sflag:s11] =	ssyncadd.s32 $0xFFFFD800  }
0x65: {  	[tilespmem:s1], [sflag:$0x3] =	stream.linear.gather [hbm4b:s15+s3], $0x4000, $0x38;
	[tilespmem:$0xD240] =	vst v63  }
0x66: {  	_ =	swait.ge [sflag:s0], $0x4000  }
0x67: {  	[sflag:s0] =	ssyncset.done $0x0  }
0x68: {  	s15 =	simm.s32 $0xC300;
	[sflag:s0] =	ssyncadd.s32 $0xFFFFC000  }
0x69: {  	[spmem:s2] =	stream.indirect.scatter.add.f32 [tilespmem:s3], [sflag:$0x4], $0x50, s15, s6, $0xb8;
	[tilespmem:$0xD240] =	vst v63  }
0x6a: {  	_ =	swait.ge [sflag:s7], $0x2800  }
0x6b: {  	[sflag:s7] =	ssyncset.done $0x0  }
0x6c: {  	s15 =	rddreg [dreg:$0xa];
	[sflag:s7] =	ssyncadd.s32 $0xFFFFD800  }
0x6d: {  	[tilespmem:s3], [sflag:$0x1] =	stream.linear.gather [hbm4b:s15+s3], $0x4000, $0x38;
	[tilespmem:$0xD240] =	vst v63  }
0x6e: {  	_ =	swait.ge [sflag:s8], $0x4000  }
0x6f: {  	[sflag:s8] =	ssyncset.done $0x0  }
0x70: {  	s15 =	simm.s32 $0xC380;
	[sflag:s8] =	ssyncadd.s32 $0xFFFFC000  }
0x71: {  	[spmem:s2] =	stream.indirect.scatter.add.f32 [tilespmem:s31], [sflag:$0x5], $0x50, s15, s6, $0xb8;
	[tilespmem:$0xD240] =	vst v63  }
0x72: {  	_ =	swait.ge [sflag:s9], $0x2800  }
0x73: {  	[sflag:s9] =	ssyncset.done $0x0  }
0x74: {  	s15 =	rddreg [dreg:$0xb];
	[sflag:s9] =	ssyncadd.s32 $0xFFFFD800  }
0x75: {  	[tilespmem:s31], [sflag:$0x2] =	stream.linear.gather [hbm4b:s15+s3], $0x4000, $0x38;
	[tilespmem:$0xD240] =	vst v63  }
0x76: {  	_ =	swait.ge [sflag:s10], $0x4000  }
0x77: {  	[sflag:s10] =	ssyncset.done $0x0  }
0x78: {  	s15 =	simm.s32 $0xC400;
	[sflag:s10] =	ssyncadd.s32 $0xFFFFC000  }
0x79: {  	[spmem:s2] =	stream.indirect.scatter.add.f32 [tilespmem:s1], [sflag:$0x6], $0x50, s15, s6, $0xb8;
	[tilespmem:$0xD240] =	vst v63  }
0x7a: {  	_ =	swait.ge [sflag:s11], $0x2800  }
0x7b: {  	[sflag:s11] =	ssyncset.done $0x0  }
0x7c: {  	s15 =	rddreg [dreg:$0xc];
	[sflag:s11] =	ssyncadd.s32 $0xFFFFD800  }
0x7d: {  	[tilespmem:s1], [sflag:$0x3] =	stream.linear.gather [hbm4b:s15+s3], $0x4000, $0x38;
	[tilespmem:$0xD240] =	vst v63  }
0x7e: {  	_ =	swait.ge [sflag:s0], $0x4000  }
0x7f: {  	[sflag:s0] =	ssyncset.done $0x0  }
0x80: {  	s15 =	simm.s32 $0xC480;
	[sflag:s0] =	ssyncadd.s32 $0xFFFFC000  }
0x81: {  	[spmem:s2] =	stream.indirect.scatter.add.f32 [tilespmem:s3], [sflag:$0x4], $0x50, s15, s6, $0xb8;
	[tilespmem:$0xD240] =	vst v63  }
0x82: {  	_ =	swait.ge [sflag:s7], $0x2800  }
0x83: {  	[sflag:s7] =	ssyncset.done $0x0  }
0x84: {  	[sflag:s7] =	ssyncadd.s32 $0xFFFFD800  }
0x85: {  	[tilespmem:s3], [sflag:$0x1] =	stream.linear.gather [hbm4b:s16+s3], $0x4000, $0x38;
	[tilespmem:$0xD240] =	vst v63  }
0x86: {  	_ =	swait.ge [sflag:s8], $0x4000  }
0x87: {  	[sflag:s8] =	ssyncset.done $0x0  }
0x88: {  	s15 =	simm.s32 $0xC500;
	[sflag:s8] =	ssyncadd.s32 $0xFFFFC000  }
0x89: {  	[spmem:s2] =	stream.indirect.scatter.add.f32 [tilespmem:s31], [sflag:$0x5], $0x50, s15, s6, $0xb8;
	[tilespmem:$0xD240] =	vst v63  }
0x8a: {  	_ =	swait.ge [sflag:s9], $0x2800  }
0x8b: {  	[sflag:s9] =	ssyncset.done $0x0  }
0x8c: {  	[sflag:s9] =	ssyncadd.s32 $0xFFFFD800  }
0x8d: {  	[tilespmem:s31], [sflag:$0x2] =	stream.linear.gather [hbm4b:s17+s3], $0x4000, $0x38;
	[tilespmem:$0xD240] =	vst v63  }
0x8e: {  	_ =	swait.ge [sflag:s10], $0x4000  }
0x8f: {  	[sflag:s10] =	ssyncset.done $0x0  }
0x90: {  	s15 =	simm.s32 $0xC580;
	[sflag:s10] =	ssyncadd.s32 $0xFFFFC000  }
0x91: {  	[spmem:s2] =	stream.indirect.scatter.add.f32 [tilespmem:s1], [sflag:$0x6], $0x50, s15, s6, $0xb8;
	[tilespmem:$0xD240] =	vst v63  }
0x92: {  	_ =	swait.ge [sflag:s11], $0x2800  }
0x93: {  	[sflag:s11] =	ssyncset.done $0x0  }
0x94: {  	[sflag:s11] =	ssyncadd.s32 $0xFFFFD800  }
0x95: {  	[tilespmem:s1], [sflag:$0x3] =	stream.linear.gather [hbm4b:s18+s3], $0x4000, $0x38;
	[tilespmem:$0xD240] =	vst v63  }
0x96: {  	_ =	swait.ge [sflag:s0], $0x4000  }
0x97: {  	[sflag:s0] =	ssyncset.done $0x0  }
0x98: {  	s15 =	simm.s32 $0xC600;
	[sflag:s0] =	ssyncadd.s32 $0xFFFFC000  }
0x99: {  	[spmem:s2] =	stream.indirect.scatter.add.f32 [tilespmem:s3], [sflag:$0x4], $0x50, s15, s6, $0xb8;
	[tilespmem:$0xD240] =	vst v63  }
0x9a: {  	_ =	swait.ge [sflag:s7], $0x2800  }
0x9b: {  	[sflag:s7] =	ssyncset.done $0x0  }
0x9c: {  	[sflag:s7] =	ssyncadd.s32 $0xFFFFD800  }
0x9d: {  	[tilespmem:s3], [sflag:$0x1] =	stream.linear.gather [hbm4b:s19+s3], $0x4000, $0x38;
	[tilespmem:$0xD240] =	vst v63  }
0x9e: {  	_ =	swait.ge [sflag:s8], $0x4000  }
0x9f: {  	[sflag:s8] =	ssyncset.done $0x0  }
0xa0: {  	s15 =	simm.s32 $0xC680;
	[sflag:s8] =	ssyncadd.s32 $0xFFFFC000  }
0xa1: {  	[spmem:s2] =	stream.indirect.scatter.add.f32 [tilespmem:s31], [sflag:$0x5], $0x50, s15, s6, $0xb8;
	[tilespmem:$0xD240] =	vst v63  }
0xa2: {  	_ =	swait.ge [sflag:s9], $0x2800  }
0xa3: {  	[sflag:s9] =	ssyncset.done $0x0  }
0xa4: {  	[sflag:s9] =	ssyncadd.s32 $0xFFFFD800  }
0xa5: {  	[tilespmem:s31], [sflag:$0x2] =	stream.linear.gather [hbm4b:s20+s3], $0x4000, $0x38;
	[tilespmem:$0xD240] =	vst v63  }
0xa6: {  	_ =	swait.ge [sflag:s10], $0x4000  }
0xa7: {  	[sflag:s10] =	ssyncset.done $0x0  }
0xa8: {  	s15 =	simm.s32 $0xC700;
	[sflag:s10] =	ssyncadd.s32 $0xFFFFC000  }
0xa9: {  	[spmem:s2] =	stream.indirect.scatter.add.f32 [tilespmem:s1], [sflag:$0x6], $0x50, s15, s6, $0xb8;
	[tilespmem:$0xD240] =	vst v63  }
0xaa: {  	_ =	swait.ge [sflag:s11], $0x2800  }
0xab: {  	[sflag:s11] =	ssyncset.done $0x0  }
0xac: {  	[sflag:s11] =	ssyncadd.s32 $0xFFFFD800  }
0xad: {  	[tilespmem:s1], [sflag:$0x3] =	stream.linear.gather [hbm4b:s21+s3], $0x4000, $0x38;
	[tilespmem:$0xD240] =	vst v63  }
0xae: {  	_ =	swait.ge [sflag:s0], $0x4000  }
0xaf: {  	[sflag:s0] =	ssyncset.done $0x0  }
0xb0: {  	s15 =	simm.s32 $0xC780;
	[sflag:s0] =	ssyncadd.s32 $0xFFFFC000  }
0xb1: {  	[spmem:s2] =	stream.indirect.scatter.add.f32 [tilespmem:s3], [sflag:$0x4], $0x50, s15, s6, $0xb8;
	[tilespmem:$0xD240] =	vst v63  }
0xb2: {  	_ =	swait.ge [sflag:s7], $0x2800  }
0xb3: {  	[sflag:s7] =	ssyncset.done $0x0  }
0xb4: {  	[sflag:s7] =	ssyncadd.s32 $0xFFFFD800  }
0xb5: {  	[tilespmem:s3], [sflag:$0x1] =	stream.linear.gather [hbm4b:s22+s3], $0x4000, $0x38;
	[tilespmem:$0xD240] =	vst v63  }
0xb6: {  	_ =	swait.ge [sflag:s8], $0x4000  }
0xb7: {  	[sflag:s8] =	ssyncset.done $0x0  }
0xb8: {  	s15 =	simm.s32 $0xC800;
	[sflag:s8] =	ssyncadd.s32 $0xFFFFC000  }
0xb9: {  	[spmem:s2] =	stream.indirect.scatter.add.f32 [tilespmem:s31], [sflag:$0x5], $0x50, s15, s6, $0xb8;
	[tilespmem:$0xD240] =	vst v63  }
0xba: {  	_ =	swait.ge [sflag:s9], $0x2800  }
0xbb: {  	[sflag:s9] =	ssyncset.done $0x0  }
0xbc: {  	[sflag:s9] =	ssyncadd.s32 $0xFFFFD800  }
0xbd: {  	[tilespmem:s31], [sflag:$0x2] =	stream.linear.gather [hbm4b:s23+s3], $0x4000, $0x38;
	[tilespmem:$0xD240] =	vst v63  }
0xbe: {  	_ =	swait.ge [sflag:s10], $0x4000  }
0xbf: {  	[sflag:s10] =	ssyncset.done $0x0  }
0xc0: {  	s15 =	simm.s32 $0xC880;
	[sflag:s10] =	ssyncadd.s32 $0xFFFFC000  }
0xc1: {  	[spmem:s2] =	stream.indirect.scatter.add.f32 [tilespmem:s1], [sflag:$0x6], $0x50, s15, s6, $0xb8;
	[tilespmem:$0xD240] =	vst v63  }
0xc2: {  	_ =	swait.ge [sflag:s0], $0x4000  }
0xc3: {  	[sflag:s0] =	ssyncset.done $0x0  }
0xc4: {  	s15 =	simm.s32 $0xC900;
	[sflag:s0] =	ssyncadd.s32 $0xFFFFC000  }
0xc5: {  	[spmem:s2] =	stream.indirect.scatter.add.f32 [tilespmem:s3], [sflag:$0x4], $0x50, s15, s6, $0xb8;
	[tilespmem:$0xD240] =	vst v63  }
0xc6: {  	_ =	swait.ge [sflag:s8], $0x4000  }
0xc7: {  	[sflag:s8] =	ssyncset.done $0x0  }
0xc8: {  	s15 =	simm.s32 $0xC980;
	[sflag:s8] =	ssyncadd.s32 $0xFFFFC000  }
0xc9: {  	[spmem:s2] =	stream.indirect.scatter.add.f32 [tilespmem:s31], [sflag:$0x5], $0x50, s15, s6, $0xb8;
	[tilespmem:$0xD240] =	vst v63  }
0xca: {  	_ =	swait.ge [sflag:s11], $0x2800  }
0xcb: {  	[sflag:s11] =	ssyncset.done $0x0  }
0xcc: {  	[sflag:s11] =	ssyncadd.s32 $0xFFFFD800  }
0xcd: {  	_ =	swait.ge [sflag:s7], $0x2800  }
0xce: {  	[sflag:s7] =	ssyncset.done $0x0  }
0xcf: {  	[sflag:s7] =	ssyncadd.s32 $0xFFFFD800  }
0xd0: {  	s14 =	stileid.u32;
	_ =	swait.ge [sflag:s9], $0x2800  }
0xd1: {  	s12 =	sadd.s32 $0x1, s12;
	s14 =	sshll.u32 @!p0 s14, $0x6;
	[sflag:s9] =	ssyncset.done $0x0  }
0xd2: {  	p1 =	sne.s32 s12, s25;
	s14 =	sor.u32 @!p0 $0x1C07, s14;
	[sflag:s9] =	ssyncadd.s32 $0xFFFFD800  }
.Ltmp1:
0xd3: {  	s15 =	sshrl.u32 @!p0 s4, $0x3;
	[bflag:$0x0] =	sbarrier.arrive $0xFFFF;
	(pc) =	sbr.rel @p1 .LBB2_1-.Ltmp1, $4  }
0xd4: {  	[hbm:s24], [sflag:s14] =	dma.local @!p0 [spmem:s15], $0x200  }
0xd5: {  	_ =	swait.ge @!p0 [sflag:s13], $0x200  }
0xd6: {  	[sflag:s13] =	ssyncset.done @!p0 $0x0  }
0xd7: {  	[sflag:s13] =	ssyncadd.s32 @!p0 $0xFFFFFE00  }
0xd8: {  	_ =	sfence.sel $0x180000  }
0xd9: {  	[bflag:$0x0] =	sbarrier.arrive $0xFFFF  }
0xda: {  	_ =	strace $0x90000047  }
0xdb: {  	s0 =	stileid.u32;
	[bflag:$0x2] =	sbarrier.arrive $0xFFFF  }
0xdc: {  	p0 =	sne.s32 s0, $0x0;
	s0 =	rddreg [dreg:$0x2]  }
0xdd: {  	s0 =	sadd.s32 @!p0 $0x100000, s0  }
0xde: {  	[sflag:s0] =	ssyncadd.tile.s32 @!p0 $0x1;
	_ =	shalt  }
.Lfunc_end2:
_tile_overlayer_lowered:
.L_overlay_start_2:
0xdf: {  	(tag) =	ssettag $0x2  }
0xe0: {  	s0 =	rddreg [dreg:$0x0];
	s2 =	stileid.u32  }
0xe1: {  	s1 =	rddreg [dreg:$0x1];
	p0 =	sne.s32 s2, $0x0  }
0xe2: {  	s3 =	rddreg [dreg:$0x2];
	[bflag:$0x3] =	sbarrier.arrive $0xFFFF;
	s2 =	simm.s32 @!p0 $0x1C07  }
0xe3: {  	[timem:s3], [sflag:s2] =	dma.local @!p0 [hbm:s0], s1  }
0xe4: {  	s0 =	simm.s32 @!p0 $0x7  }
0xe5: {  	_ =	swait.ge @!p0 [sflag:s0], s1  }
0xe6: {  	s1 =	ssub.s32 @!p0 $0x0, s1;
	[sflag:s0] =	ssyncset.done @!p0 $0x0  }
0xe7: {  	[sflag:s0] =	ssyncadd.s32 @!p0 s1  }
0xe8: {  	[bflag:$0x3] =	sbarrier.arrive $0xFFFF  }
0xe9: {  	_ =	shalt  }

</sc_bundles>
